<compile_context>
chip_gen: v7x
topology: tpu7x:2x2x1
jax: 0.10.2.dev20260603
libtpu: 0.0.44.dev20260713+nightly
codegen_flags: <defaults>
</compile_context>

<pallas_src>
import functools

import jax
import jax.numpy as jnp
from jax import lax
from jax.experimental import pallas as pl
from jax.experimental.pallas import tpu as pltpu
from jax.experimental.pallas import tpu_sc as plsc

DM = 768
DH = 3072
NE = 8
NTOK = 2048
NA = 2 * NTOK
BLK = 256
NBLK = (NA + NE * (BLK - 1) + BLK - 1) // BLK
NPAD = NBLK * BLK
CH = 512
NW = 32
TPW = NTOK // NW


def _router_body(x_ref, wr_ref, pos_ref, wexp_ref, blk_ref, aux_ref):
    x = x_ref[...]
    wr = wr_ref[...]
    logits = lax.dot_general(x, wr, (((1,), (1,)), ((), ())),
                             preferred_element_type=jnp.float32)
    m = jnp.max(logits, axis=1, keepdims=True)
    ex = jnp.exp(logits - m)
    p = ex / jnp.sum(ex, axis=1, keepdims=True)

    idx = lax.broadcasted_iota(jnp.int32, (NTOK, NE), 1)
    v1 = jnp.max(p, axis=1, keepdims=True)
    i1 = jnp.min(jnp.where(p == v1, idx, NE), axis=1, keepdims=True)
    p2 = jnp.where(idx == i1, -1.0, p)
    v2 = jnp.max(p2, axis=1, keepdims=True)
    i2 = jnp.min(jnp.where(p2 == v2, idx, NE), axis=1, keepdims=True)
    s = v1 + v2 + 1e-9
    w1 = v1 / s
    w2 = v2 / s

    e1 = (idx == i1).astype(jnp.float32)
    e2 = (idx == i2).astype(jnp.float32)
    oh = jnp.concatenate([e1, e2], axis=0)

    ri = lax.broadcasted_iota(jnp.int32, (CH, CH), 0)
    ci = lax.broadcasted_iota(jnp.int32, (CH, CH), 1)
    tril = (ci < ri).astype(jnp.float32)
    tot = jnp.zeros((1, NE), jnp.float32)
    ranks = []
    for i in range(NA // CH):
        chunk = lax.slice(oh, (i * CH, 0), ((i + 1) * CH, NE))
        rk = lax.dot_general(tril, chunk, (((1,), (0,)), ((), ())),
                             preferred_element_type=jnp.float32) + tot
        ranks.append(rk)
        tot = tot + jnp.sum(chunk, axis=0, keepdims=True)
    rank = jnp.concatenate(ranks, axis=0)

    cnt = tot.astype(jnp.int32)
    pc = ((cnt + BLK - 1) // BLK) * BLK
    pcf = pc.astype(jnp.float32)
    er = lax.broadcasted_iota(jnp.int32, (NE, NE), 0)
    ec = lax.broadcasted_iota(jnp.int32, (NE, NE), 1)
    excl = (er < ec).astype(jnp.float32)
    offs = lax.dot_general(pcf, excl, (((1,), (0,)), ((), ())),
                           preferred_element_type=jnp.float32)

    posf = jnp.sum(oh * (rank + offs), axis=1, keepdims=True)
    pos_ref[...] = posf.astype(jnp.int32)

    w12 = jnp.concatenate([w1, w2], axis=0)
    wexp_ref[...] = jnp.broadcast_to(w12, (NA, 16))

    bno = lax.broadcasted_iota(jnp.int32, (NBLK, 1), 0)
    endb = (offs.astype(jnp.int32) + pc) // BLK
    emap = jnp.sum((bno >= endb).astype(jnp.int32), axis=1, keepdims=True)
    blk_ref[...] = jnp.minimum(emap, NE - 1)

    cnt1 = jnp.sum(e1, axis=0, keepdims=True)
    meanp = jnp.sum(p, axis=0, keepdims=True) * (1.0 / NTOK)
    aux_ref[...] = jnp.sum(cnt1 * meanp, axis=1, keepdims=True) * (
        float(NE) / NTOK)


def _router(x2d, wr):
    return pl.pallas_call(
        _router_body,
        out_shape=[
            jax.ShapeDtypeStruct((NA, 1), jnp.int32),
            jax.ShapeDtypeStruct((NA, 16), jnp.float32),
            jax.ShapeDtypeStruct((NBLK, 1), jnp.int32),
            jax.ShapeDtypeStruct((1, 1), jnp.float32),
        ],
    )(x2d, wr)


def _ffn_body(bm, xs_ref, w1h, w2h, w3h, b1_ref, b2_ref, b3_ref, ys_ref,
              w1s, w2s, w3s, w1c, w2c, w3c, sems):
    b = pl.program_id(0)
    mb = bm[b]
    prevm = bm[jnp.maximum(b - 1, 0)]
    chg = jnp.logical_or(b == 0, mb != prevm)

    qh = DH // 4
    qm = DM // 4

    def issue(e):
        for i, (wh, wv, q) in enumerate(
                ((w1h, w1s, qh), (w2h, w2s, qh), (w3h, w3s, qm))):
            for c in range(4):
                pltpu.make_async_copy(wh.at[e, pl.ds(c * q, q)],
                                      wv.at[pl.ds(c * q, q)],
                                      sems.at[i]).start()

    def wait_one(i, wh, wv, q):
        for c in range(4):
            pltpu.make_async_copy(wh.at[0, pl.ds(c * q, q)],
                                  wv.at[pl.ds(c * q, q)],
                                  sems.at[i]).wait()

    @pl.when(b == 0)
    def _():
        issue(mb)

    @pl.when(chg)
    def _():
        wait_one(0, w1h, w1s, qh)
        w1c[...] = w1s[...].astype(jnp.bfloat16)
        wait_one(1, w2h, w2s, qh)
        w2c[...] = w2s[...].astype(jnp.bfloat16)
        wait_one(2, w3h, w3s, qm)
        w3c[...] = w3s[...].astype(jnp.bfloat16)
        nxt = lax.while_loop(
            lambda j: jnp.logical_and(j < NBLK, bm[j] == mb),
            lambda j: j + 1, b + 1)

        @pl.when(nxt < NBLK)
        def _():
            issue(bm[nxt])

    xb = xs_ref[...].astype(jnp.bfloat16)
    h1 = lax.dot_general(xb, w1c[...], (((1,), (1,)), ((), ())),
                         preferred_element_type=jnp.float32) + b1_ref[0]
    g = lax.dot_general(xb, w2c[...], (((1,), (1,)), ((), ())),
                        preferred_element_type=jnp.float32) + b2_ref[0]
    h = (h1 * jax.nn.sigmoid(h1) * g).astype(jnp.bfloat16)
    y = lax.dot_general(h, w3c[...], (((1,), (1,)), ((), ())),
                        preferred_element_type=jnp.float32) + b3_ref[0]
    ys_ref[...] = y


def _ffn(bmap, xs, w1b, w2b, w3b, b1, b2, b3):
    grid_spec = pltpu.PrefetchScalarGridSpec(
        num_scalar_prefetch=1,
        grid=(NBLK,),
        in_specs=[
            pl.BlockSpec((BLK, DM), lambda b, m: (b, 0)),
            pl.BlockSpec(memory_space=pltpu.MemorySpace.HBM),
            pl.BlockSpec(memory_space=pltpu.MemorySpace.HBM),
            pl.BlockSpec(memory_space=pltpu.MemorySpace.HBM),
            pl.BlockSpec((1, 1, DH), lambda b, m: (m[b], 0, 0)),
            pl.BlockSpec((1, 1, DH), lambda b, m: (m[b], 0, 0)),
            pl.BlockSpec((1, 1, DM), lambda b, m: (m[b], 0, 0)),
        ],
        out_specs=pl.BlockSpec((BLK, DM), lambda b, m: (b, 0)),
        scratch_shapes=[
            pltpu.VMEM((DH, DM), jnp.float32),
            pltpu.VMEM((DH, DM), jnp.float32),
            pltpu.VMEM((DM, DH), jnp.float32),
            pltpu.VMEM((DH, DM), jnp.bfloat16),
            pltpu.VMEM((DH, DM), jnp.bfloat16),
            pltpu.VMEM((DM, DH), jnp.bfloat16),
            pltpu.SemaphoreType.DMA((3,)),
        ],
    )
    return pl.pallas_call(
        _ffn_body,
        grid_spec=grid_spec,
        out_shape=jax.ShapeDtypeStruct((NPAD, DM), jnp.float32),
        compiler_params=pltpu.CompilerParams(
            vmem_limit_bytes=100 * 1024 * 1024),
    )(bmap, xs, w1b, w2b, w3b, b1, b2, b3)


def _sc_mesh():
    return plsc.VectorSubcoreMesh(core_axis_name="c", subcore_axis_name="s")


def _dispatch(x2d, pos):
    @functools.partial(
        pl.kernel,
        out_type=jax.ShapeDtypeStruct((NPAD, DM), jnp.float32),
        mesh=_sc_mesh(),
        scratch_types=[
            pltpu.VMEM((TPW,), jnp.int32),
            pltpu.VMEM((TPW,), jnp.int32),
            pltpu.VMEM((TPW, DM), jnp.float32),
            pltpu.SemaphoreType.DMA,
            pltpu.SemaphoreType.DMA,
        ],
    )
    def k(x_hbm, pos_hbm, xs_hbm, idx0_v, idx1_v, rows_v, sem0, sem1):
        wid = lax.axis_index("s") * 2 + lax.axis_index("c")
        base = wid * TPW
        pltpu.sync_copy(pos_hbm.at[pl.ds(base, TPW)], idx0_v)
        pltpu.sync_copy(pos_hbm.at[pl.ds(NTOK + base, TPW)], idx1_v)
        pltpu.sync_copy(x_hbm.at[pl.ds(base, TPW)], rows_v)
        c0 = pltpu.async_copy(rows_v, xs_hbm.at[idx0_v], sem0)
        c1 = pltpu.async_copy(rows_v, xs_hbm.at[idx1_v], sem1)
        c0.wait()
        c1.wait()

    return k(x2d, pos)


def _combine(ys, pos, wexp):
    @functools.partial(
        pl.kernel,
        out_type=jax.ShapeDtypeStruct((NTOK, DM), jnp.float32),
        mesh=_sc_mesh(),
        scratch_types=[
            pltpu.VMEM((TPW,), jnp.int32),
            pltpu.VMEM((TPW,), jnp.int32),
            pltpu.VMEM((TPW, 16), jnp.float32),
            pltpu.VMEM((TPW, 16), jnp.float32),
            pltpu.VMEM((TPW, DM), jnp.float32),
            pltpu.VMEM((TPW, DM), jnp.float32),
            pltpu.SemaphoreType.DMA,
            pltpu.SemaphoreType.DMA,
        ],
    )
    def k(ys_hbm, pos_hbm, wexp_hbm, out_hbm,
          idx0_v, idx1_v, w0_v, w1_v, y0_v, y1_v, sem0, sem1):
        wid = lax.axis_index("s") * 2 + lax.axis_index("c")
        base = wid * TPW
        pltpu.sync_copy(pos_hbm.at[pl.ds(base, TPW)], idx0_v)
        pltpu.sync_copy(pos_hbm.at[pl.ds(NTOK + base, TPW)], idx1_v)
        pltpu.sync_copy(wexp_hbm.at[pl.ds(base, TPW)], w0_v)
        pltpu.sync_copy(wexp_hbm.at[pl.ds(NTOK + base, TPW)], w1_v)
        g0 = pltpu.async_copy(ys_hbm.at[idx0_v], y0_v, sem0)
        g1 = pltpu.async_copy(ys_hbm.at[idx1_v], y1_v, sem1)
        g0.wait()
        g1.wait()

        def row(r, carry):
            w0 = w0_v[r, :]
            w1 = w1_v[r, :]
            for c in range(DM // 16):
                sl = pl.ds(c * 16, 16)
                y0_v[r, sl] = y0_v[r, sl] * w0 + y1_v[r, sl] * w1
            return carry

        lax.fori_loop(0, TPW, row, 0)
        pltpu.sync_copy(y0_v, out_hbm.at[pl.ds(base, TPW)])

    return k(ys, pos, wexp)


def kernel(x, Wr, W1, b1, W2, b2, W3, b3):
    b, t, d = x.shape
    x2d = x.reshape(b * t, d)
    pos2d, wexp, bmap2d, aux2d = _router(x2d, Wr)
    pos = pos2d.reshape(NA)
    bmap = bmap2d.reshape(NBLK)
    xs = _dispatch(x2d, pos)
    ys = _ffn(bmap, xs, W1, W2, W3,
              b1.reshape(NE, 1, DH), b2.reshape(NE, 1, DH),
              b3.reshape(NE, 1, DM))
    out = _combine(ys, pos, wexp)
    return out.reshape(b, t, d), aux2d.reshape(())

# --- scband reference (transcript-rebuilt; emitter-appended) ---
"""Pipeline reference for scband-mo-efeed-forward-5918464934129 (READ-ONLY COPY).

The authoritative reference and input builder live on the scoring server;
editing this copy changes nothing except your own understanding.
"""

import jax, jax.numpy as jnp
import numpy as np

D_MODEL = 768
D_HIDDEN = 4 * D_MODEL
N_EXPERTS = 8
TOP_K = 2


def setup_inputs(seed: int = 0) -> dict:
    key = jax.random.key(seed)
    ks = jax.random.split(key, 8)
    x = jax.random.normal(ks[0], (1, 2048, D_MODEL), dtype=jnp.float32)
    Wr = jax.random.normal(ks[1], (N_EXPERTS, D_MODEL), dtype=jnp.float32) * 0.02
    W1 = jax.random.normal(ks[2], (N_EXPERTS, D_HIDDEN, D_MODEL), dtype=jnp.float32) * 0.02
    b1 = jnp.zeros((N_EXPERTS, D_HIDDEN), dtype=jnp.float32)
    W2 = jax.random.normal(ks[3], (N_EXPERTS, D_HIDDEN, D_MODEL), dtype=jnp.float32) * 0.02
    b2 = jnp.zeros((N_EXPERTS, D_HIDDEN), dtype=jnp.float32)
    W3 = jax.random.normal(ks[4], (N_EXPERTS, D_MODEL, D_HIDDEN), dtype=jnp.float32) * 0.02
    b3 = jnp.zeros((N_EXPERTS, D_MODEL), dtype=jnp.float32)
    return {"x": x, "Wr": Wr, "W1": W1, "b1": b1, "W2": W2, "b2": b2, "W3": W3, "b3": b3}


def reference(x, Wr, W1, b1, W2, b2, W3, b3):
    B, T, D = x.shape
    N = B * T
    x_flat = x.reshape(N, D)
    # router
    logits = x_flat @ Wr.T
    probs = jax.nn.softmax(logits, axis=-1)
    top_vals, top_idx = jax.lax.top_k(probs, TOP_K)
    weights = top_vals / (top_vals.sum(axis=-1, keepdims=True) + 1e-9)
    out = jnp.zeros_like(x_flat)
    for k in range(TOP_K):
        idx_k = top_idx[:, k]
        w_k = weights[:, k][:, None]
        for e in range(N_EXPERTS):
            mask = (idx_k == e).astype(x_flat.dtype)[:, None]
            h = jax.nn.silu(x_flat @ W1[e].T + b1[e]) * (x_flat @ W2[e].T + b2[e])
            y = h @ W3[e].T + b3[e]
            out = out + mask * (w_k * y)
    out = out.reshape(B, T, D)
    # dropout p=0.0 -> identity
    top1 = top_idx[:, 0]
    counts = jnp.bincount(top1, length=N_EXPERTS).astype(jnp.float32) / max(N, 1)
    aux = float(N_EXPERTS) * jnp.sum(jax.lax.stop_gradient(counts) * probs.mean(axis=0))
    return (out, aux)

if __name__ == "__main__":
    import jax
    _d = setup_inputs()
    print(jax.jit(kernel)(*tuple(_d.values())))

</pallas_src>

<mosaic_0001>
#map = affine_map<(d0, d1) -> (0, 0)>
#map1 = affine_map<(d0, d1) -> (0)>
module attributes {stable_mosaic.version = 14 : i64} {
  func.func @k(%arg0: i32, %arg1: i32, %arg2: memref<6144x768xf32, #tpu.memory_space<hbm>>, %arg3: memref<4096xi32, #tpu.memory_space<hbm>>, %arg4: memref<4096x16xf32, #tpu.memory_space<hbm>>, %arg5: memref<2048x768xf32, #tpu.memory_space<hbm>>, %arg6: memref<64xi32, #tpu.memory_space<vmem>>, %arg7: memref<64xi32, #tpu.memory_space<vmem>>, %arg8: memref<64x16xf32, #tpu.memory_space<vmem>>, %arg9: memref<64x16xf32, #tpu.memory_space<vmem>>, %arg10: memref<64x768xf32, #tpu.memory_space<vmem>>, %arg11: memref<64x768xf32, #tpu.memory_space<vmem>>, %arg12: memref<!tpu.dma_semaphore, #tpu.memory_space<semaphore_mem>>, %arg13: memref<!tpu.dma_semaphore, #tpu.memory_space<semaphore_mem>>) attributes {dimension_semantics = [#tpu.dimension_semantics<core_parallel>, #tpu.dimension_semantics<subcore_parallel>], iteration_bounds = array<i64: 2, 16>, scalar_prefetch = 0 : i64, scratch_operands = 8 : i64, tpu.core_type = #tpu.core_type<sc_vector_subcore>, window_params = [{transform_indices = #map}, {transform_indices = #map1}, {transform_indices = #map}, {transform_indices = #map}]} {
    %mul3A = arith.constant 2 : i32
    %mul3A_0 = arith.muli %arg1, %mul3A : i32
    %add3A = arith.addi %mul3A_0, %arg0 : i32
    %mul3A_1 = arith.constant 64 : i32
    %mul3A_2 = arith.muli %add3A, %mul3A_1 : i32
    "tpu.region"() ({
      %run_scoped3A = tpu.sem_alloc : memref<!tpu.dma_semaphore, #tpu.memory_space<semaphore_mem>>
      %dma_start3A_22 = tpu.memref_slice %arg3[%mul3A_2] : memref<4096xi32, #tpu.memory_space<hbm>> -> memref<64xi32, #tpu.memory_space<hbm>>
      %dma_start3A_23 = tpu.memref_slice %arg3[%mul3A_2] : memref<4096xi32, #tpu.memory_space<hbm>> -> memref<64xi32, #tpu.memory_space<hbm>>
      tpu.enqueue_dma source(%dma_start3A_23 : memref<64xi32, #tpu.memory_space<hbm>>) target(%arg6 : memref<64xi32, #tpu.memory_space<vmem>>) target_semaphore(%run_scoped3A : memref<!tpu.dma_semaphore, #tpu.memory_space<semaphore_mem>>)
      %dma_wait3A_24 = tpu.memref_slice %arg3[%mul3A_2] : memref<4096xi32, #tpu.memory_space<hbm>> -> memref<64xi32, #tpu.memory_space<hbm>>
      %dma_wait3A_25 = tpu.memref_slice %arg3[%mul3A_2] : memref<4096xi32, #tpu.memory_space<hbm>> -> memref<64xi32, #tpu.memory_space<hbm>>
      tpu.wait_dma2 semaphore(%run_scoped3A : memref<!tpu.dma_semaphore, #tpu.memory_space<semaphore_mem>>) src(%dma_wait3A_25 : memref<64xi32, #tpu.memory_space<hbm>>) dst(%arg6 : memref<64xi32, #tpu.memory_space<vmem>>)
      tpu.yield
    }) : () -> ()
    %add3A_3 = arith.constant 2048 : i32
    %add3A_4 = arith.addi %add3A_3, %mul3A_2 : i32
    "tpu.region"() ({
      %run_scoped3A = tpu.sem_alloc : memref<!tpu.dma_semaphore, #tpu.memory_space<semaphore_mem>>
      %dma_start3A_22 = tpu.memref_slice %arg3[%add3A_4] : memref<4096xi32, #tpu.memory_space<hbm>> -> memref<64xi32, #tpu.memory_space<hbm>>
      %dma_start3A_23 = tpu.memref_slice %arg3[%add3A_4] : memref<4096xi32, #tpu.memory_space<hbm>> -> memref<64xi32, #tpu.memory_space<hbm>>
      tpu.enqueue_dma source(%dma_start3A_23 : memref<64xi32, #tpu.memory_space<hbm>>) target(%arg7 : memref<64xi32, #tpu.memory_space<vmem>>) target_semaphore(%run_scoped3A : memref<!tpu.dma_semaphore, #tpu.memory_space<semaphore_mem>>)
      %dma_wait3A_24 = tpu.memref_slice %arg3[%add3A_4] : memref<4096xi32, #tpu.memory_space<hbm>> -> memref<64xi32, #tpu.memory_space<hbm>>
      %dma_wait3A_25 = tpu.memref_slice %arg3[%add3A_4] : memref<4096xi32, #tpu.memory_space<hbm>> -> memref<64xi32, #tpu.memory_space<hbm>>
      tpu.wait_dma2 semaphore(%run_scoped3A : memref<!tpu.dma_semaphore, #tpu.memory_space<semaphore_mem>>) src(%dma_wait3A_25 : memref<64xi32, #tpu.memory_space<hbm>>) dst(%arg7 : memref<64xi32, #tpu.memory_space<vmem>>)
      tpu.yield
    }) : () -> ()
    "tpu.region"() ({
      %run_scoped3A = tpu.sem_alloc : memref<!tpu.dma_semaphore, #tpu.memory_space<semaphore_mem>>
      %dma_start3A_22 = arith.constant 0 : i32
      %dma_start3A_23 = tpu.memref_slice %arg4[%mul3A_2, %dma_start3A_22] : memref<4096x16xf32, #tpu.memory_space<hbm>> -> memref<64x16xf32, #tpu.memory_space<hbm>>
      %dma_start3A_24 = arith.constant 0 : i32
      %dma_start3A_25 = tpu.memref_slice %arg4[%mul3A_2, %dma_start3A_24] : memref<4096x16xf32, #tpu.memory_space<hbm>> -> memref<64x16xf32, #tpu.memory_space<hbm>>
      tpu.enqueue_dma source(%dma_start3A_25 : memref<64x16xf32, #tpu.memory_space<hbm>>) target(%arg8 : memref<64x16xf32, #tpu.memory_space<vmem>>) target_semaphore(%run_scoped3A : memref<!tpu.dma_semaphore, #tpu.memory_space<semaphore_mem>>)
      %dma_wait3A_26 = arith.constant 0 : i32
      %dma_wait3A_27 = tpu.memref_slice %arg4[%mul3A_2, %dma_wait3A_26] : memref<4096x16xf32, #tpu.memory_space<hbm>> -> memref<64x16xf32, #tpu.memory_space<hbm>>
      %dma_wait3A_28 = arith.constant 0 : i32
      %dma_wait3A_29 = tpu.memref_slice %arg4[%mul3A_2, %dma_wait3A_28] : memref<4096x16xf32, #tpu.memory_space<hbm>> -> memref<64x16xf32, #tpu.memory_space<hbm>>
      tpu.wait_dma2 semaphore(%run_scoped3A : memref<!tpu.dma_semaphore, #tpu.memory_space<semaphore_mem>>) src(%dma_wait3A_29 : memref<64x16xf32, #tpu.memory_space<hbm>>) dst(%arg8 : memref<64x16xf32, #tpu.memory_space<vmem>>)
      tpu.yield
    }) : () -> ()
    %add3A_5 = arith.constant 2048 : i32
    %add3A_6 = arith.addi %add3A_5, %mul3A_2 : i32
    "tpu.region"() ({
      %run_scoped3A = tpu.sem_alloc : memref<!tpu.dma_semaphore, #tpu.memory_space<semaphore_mem>>
      %dma_start3A_22 = arith.constant 0 : i32
      %dma_start3A_23 = tpu.memref_slice %arg4[%add3A_6, %dma_start3A_22] : memref<4096x16xf32, #tpu.memory_space<hbm>> -> memref<64x16xf32, #tpu.memory_space<hbm>>
      %dma_start3A_24 = arith.constant 0 : i32
      %dma_start3A_25 = tpu.memref_slice %arg4[%add3A_6, %dma_start3A_24] : memref<4096x16xf32, #tpu.memory_space<hbm>> -> memref<64x16xf32, #tpu.memory_space<hbm>>
      tpu.enqueue_dma source(%dma_start3A_25 : memref<64x16xf32, #tpu.memory_space<hbm>>) target(%arg9 : memref<64x16xf32, #tpu.memory_space<vmem>>) target_semaphore(%run_scoped3A : memref<!tpu.dma_semaphore, #tpu.memory_space<semaphore_mem>>)
      %dma_wait3A_26 = arith.constant 0 : i32
      %dma_wait3A_27 = tpu.memref_slice %arg4[%add3A_6, %dma_wait3A_26] : memref<4096x16xf32, #tpu.memory_space<hbm>> -> memref<64x16xf32, #tpu.memory_space<hbm>>
      %dma_wait3A_28 = arith.constant 0 : i32
      %dma_wait3A_29 = tpu.memref_slice %arg4[%add3A_6, %dma_wait3A_28] : memref<4096x16xf32, #tpu.memory_space<hbm>> -> memref<64x16xf32, #tpu.memory_space<hbm>>
      tpu.wait_dma2 semaphore(%run_scoped3A : memref<!tpu.dma_semaphore, #tpu.memory_space<semaphore_mem>>) src(%dma_wait3A_29 : memref<64x16xf32, #tpu.memory_space<hbm>>) dst(%arg9 : memref<64x16xf32, #tpu.memory_space<vmem>>)
      tpu.yield
    }) : () -> ()
    %dma_start3A = arith.constant 0 : i32
    %dma_start3A_7 = arith.constant 0 : i32
    %dma_start3A_8 = tpu.memref_slice %arg2[%dma_start3A, %dma_start3A_7] : memref<6144x768xf32, #tpu.memory_space<hbm>> -> memref<6144x768xf32, #tpu.memory_space<hbm>>
    tpu.enqueue_indirect_dma source(%dma_start3A_8 : memref<6144x768xf32, #tpu.memory_space<hbm>>) target(%arg10 : memref<64x768xf32, #tpu.memory_space<vmem>>) offsets(%arg6 : memref<64xi32, #tpu.memory_space<vmem>>) semaphore(%arg12 : memref<!tpu.dma_semaphore, #tpu.memory_space<semaphore_mem>>)
    %dma_start3A_9 = arith.constant 0 : i32
    %dma_start3A_10 = arith.constant 0 : i32
    %dma_start3A_11 = tpu.memref_slice %arg2[%dma_start3A_9, %dma_start3A_10] : memref<6144x768xf32, #tpu.memory_space<hbm>> -> memref<6144x768xf32, #tpu.memory_space<hbm>>
    tpu.enqueue_indirect_dma source(%dma_start3A_11 : memref<6144x768xf32, #tpu.memory_space<hbm>>) target(%arg11 : memref<64x768xf32, #tpu.memory_space<vmem>>) offsets(%arg7 : memref<64xi32, #tpu.memory_space<vmem>>) semaphore(%arg13 : memref<!tpu.dma_semaphore, #tpu.memory_space<semaphore_mem>>)
    %dma_wait3A = arith.constant 0 : i32
    %dma_wait3A_12 = arith.constant 0 : i32
    %dma_wait3A_13 = tpu.memref_slice %arg2[%dma_wait3A, %dma_wait3A_12] : memref<6144x768xf32, #tpu.memory_space<hbm>> -> memref<6144x768xf32, #tpu.memory_space<hbm>>
    tpu.wait_indirect_dma semaphore(%arg12 : memref<!tpu.dma_semaphore, #tpu.memory_space<semaphore_mem>>) src(%dma_wait3A_13 : memref<6144x768xf32, #tpu.memory_space<hbm>>) dst(%arg10 : memref<64x768xf32, #tpu.memory_space<vmem>>)
    %dma_wait3A_14 = arith.constant 0 : i32
    %dma_wait3A_15 = arith.constant 0 : i32
    %dma_wait3A_16 = tpu.memref_slice %arg2[%dma_wait3A_14, %dma_wait3A_15] : memref<6144x768xf32, #tpu.memory_space<hbm>> -> memref<6144x768xf32, #tpu.memory_space<hbm>>
    tpu.wait_indirect_dma semaphore(%arg13 : memref<!tpu.dma_semaphore, #tpu.memory_space<semaphore_mem>>) src(%dma_wait3A_16 : memref<6144x768xf32, #tpu.memory_space<hbm>>) dst(%arg11 : memref<64x768xf32, #tpu.memory_space<vmem>>)
    %scan3A = arith.constant 0 : i32
    %scan3A_17 = arith.constant 0 : i32
    %scan3A_18 = arith.constant 64 : i32
    %scan3A_19 = arith.addi %scan3A_17, %scan3A_18 : i32
    %scan3A_20 = arith.constant 1 : i32
    scf.for %scan3A_22 = %scan3A_17 to %scan3A_19 step %scan3A_20  : i32 {
      %get3A = arith.index_cast %scan3A_22 : i32 to index
      %get3A_23 = arith.constant 0 : index
      %get3A_24 = tpu.vector_load %arg8[%get3A, %get3A_23] {strides = array<i32>} : memref<64x16xf32, #tpu.memory_space<vmem>>, vector<1x16xf32>,
      %get3A_25 = vector.shape_cast %get3A_24 : vector<1x16xf32> to vector<16xf32>
      %get3A_26 = arith.index_cast %scan3A_22 : i32 to index
      %get3A_27 = arith.constant 0 : index
      %get3A_28 = tpu.vector_load %arg9[%get3A_26, %get3A_27] {strides = array<i32>} : memref<64x16xf32, #tpu.memory_space<vmem>>, vector<1x16xf32>,
      %get3A_29 = vector.shape_cast %get3A_28 : vector<1x16xf32> to vector<16xf32>
      %get3A_30 = arith.index_cast %scan3A_22 : i32 to index
      %get3A_31 = arith.constant 0 : index
      %get3A_32 = tpu.vector_load %arg10[%get3A_30, %get3A_31] {strides = array<i32>} : memref<64x768xf32, #tpu.memory_space<vmem>>, vector<1x16xf32>,
      %get3A_33 = vector.shape_cast %get3A_32 : vector<1x16xf32> to vector<16xf32>
      %mul3A_34 = arith.mulf %get3A_33, %get3A_25 : vector<16xf32>
      %get3A_35 = arith.index_cast %scan3A_22 : i32 to index
      %get3A_36 = arith.constant 0 : index
      %get3A_37 = tpu.vector_load %arg11[%get3A_35, %get3A_36] {strides = array<i32>} : memref<64x768xf32, #tpu.memory_space<vmem>>, vector<1x16xf32>,
      %get3A_38 = vector.shape_cast %get3A_37 : vector<1x16xf32> to vector<16xf32>
      %mul3A_39 = arith.mulf %get3A_38, %get3A_29 : vector<16xf32>
      %add3A_40 = arith.addf %mul3A_34, %mul3A_39 : vector<16xf32>
      %swap3A = arith.index_cast %scan3A_22 : i32 to index
      %swap3A_41 = arith.constant 0 : index
      %swap3A_42 = tpu.vector_load %arg10[%swap3A, %swap3A_41] {strides = array<i32>} : memref<64x768xf32, #tpu.memory_space<vmem>>, vector<1x16xf32>,
      %swap3A_43 = vector.shape_cast %swap3A_42 : vector<1x16xf32> to vector<16xf32>
      %swap3A_44 = vector.shape_cast %add3A_40 : vector<16xf32> to vector<1x16xf32>
      tpu.vector_store %arg10[%swap3A, %swap3A_41], %swap3A_44 {strides = array<i32>} : memref<64x768xf32, #tpu.memory_space<vmem>>, vector<1x16xf32>,
      %get3A_45 = arith.index_cast %scan3A_22 : i32 to index
      %get3A_46 = arith.constant 16 : index
      %get3A_47 = tpu.vector_load %arg10[%get3A_45, %get3A_46] {strides = array<i32>} : memref<64x768xf32, #tpu.memory_space<vmem>>, vector<1x16xf32>,
      %get3A_48 = vector.shape_cast %get3A_47 : vector<1x16xf32> to vector<16xf32>
      %mul3A_49 = arith.mulf %get3A_48, %get3A_25 : vector<16xf32>
      %get3A_50 = arith.index_cast %scan3A_22 : i32 to index
      %get3A_51 = arith.constant 16 : index
      %get3A_52 = tpu.vector_load %arg11[%get3A_50, %get3A_51] {strides = array<i32>} : memref<64x768xf32, #tpu.memory_space<vmem>>, vector<1x16xf32>,
      %get3A_53 = vector.shape_cast %get3A_52 : vector<1x16xf32> to vector<16xf32>
      %mul3A_54 = arith.mulf %get3A_53, %get3A_29 : vector<16xf32>
      %add3A_55 = arith.addf %mul3A_49, %mul3A_54 : vector<16xf32>
      %swap3A_56 = arith.index_cast %scan3A_22 : i32 to index
      %swap3A_57 = arith.constant 16 : index
      %swap3A_58 = tpu.vector_load %arg10[%swap3A_56, %swap3A_57] {strides = array<i32>} : memref<64x768xf32, #tpu.memory_space<vmem>>, vector<1x16xf32>,
      %swap3A_59 = vector.shape_cast %swap3A_58 : vector<1x16xf32> to vector<16xf32>
      %swap3A_60 = vector.shape_cast %add3A_55 : vector<16xf32> to vector<1x16xf32>
      tpu.vector_store %arg10[%swap3A_56, %swap3A_57], %swap3A_60 {strides = array<i32>} : memref<64x768xf32, #tpu.memory_space<vmem>>, vector<1x16xf32>,
      %get3A_61 = arith.index_cast %scan3A_22 : i32 to index
      %get3A_62 = arith.constant 32 : index
      %get3A_63 = tpu.vector_load %arg10[%get3A_61, %get3A_62] {strides = array<i32>} : memref<64x768xf32, #tpu.memory_space<vmem>>, vector<1x16xf32>,
      %get3A_64 = vector.shape_cast %get3A_63 : vector<1x16xf32> to vector<16xf32>
      %mul3A_65 = arith.mulf %get3A_64, %get3A_25 : vector<16xf32>
      %get3A_66 = arith.index_cast %scan3A_22 : i32 to index
      %get3A_67 = arith.constant 32 : index
      %get3A_68 = tpu.vector_load %arg11[%get3A_66, %get3A_67] {strides = array<i32>} : memref<64x768xf32, #tpu.memory_space<vmem>>, vector<1x16xf32>,
      %get3A_69 = vector.shape_cast %get3A_68 : vector<1x16xf32> to vector<16xf32>
      %mul3A_70 = arith.mulf %get3A_69, %get3A_29 : vector<16xf32>
      %add3A_71 = arith.addf %mul3A_65, %mul3A_70 : vector<16xf32>
      %swap3A_72 = arith.index_cast %scan3A_22 : i32 to index
      %swap3A_73 = arith.constant 32 : index
      %swap3A_74 = tpu.vector_load %arg10[%swap3A_72, %swap3A_73] {strides = array<i32>} : memref<64x768xf32, #tpu.memory_space<vmem>>, vector<1x16xf32>,
      %swap3A_75 = vector.shape_cast %swap3A_74 : vector<1x16xf32> to vector<16xf32>
      %swap3A_76 = vector.shape_cast %add3A_71 : vector<16xf32> to vector<1x16xf32>
      tpu.vector_store %arg10[%swap3A_72, %swap3A_73], %swap3A_76 {strides = array<i32>} : memref<64x768xf32, #tpu.memory_space<vmem>>, vector<1x16xf32>,
      %get3A_77 = arith.index_cast %scan3A_22 : i32 to index
      %get3A_78 = arith.constant 48 : index
      %get3A_79 = tpu.vector_load %arg10[%get3A_77, %get3A_78] {strides = array<i32>} : memref<64x768xf32, #tpu.memory_space<vmem>>, vector<1x16xf32>,
      %get3A_80 = vector.shape_cast %get3A_79 : vector<1x16xf32> to vector<16xf32>
      %mul3A_81 = arith.mulf %get3A_80, %get3A_25 : vector<16xf32>
      %get3A_82 = arith.index_cast %scan3A_22 : i32 to index
      %get3A_83 = arith.constant 48 : index
      %get3A_84 = tpu.vector_load %arg11[%get3A_82, %get3A_83] {strides = array<i32>} : memref<64x768xf32, #tpu.memory_space<vmem>>, vector<1x16xf32>,
      %get3A_85 = vector.shape_cast %get3A_84 : vector<1x16xf32> to vector<16xf32>
      %mul3A_86 = arith.mulf %get3A_85, %get3A_29 : vector<16xf32>
      %add3A_87 = arith.addf %mul3A_81, %mul3A_86 : vector<16xf32>
      %swap3A_88 = arith.index_cast %scan3A_22 : i32 to index
      %swap3A_89 = arith.constant 48 : index
      %swap3A_90 = tpu.vector_load %arg10[%swap3A_88, %swap3A_89] {strides = array<i32>} : memref<64x768xf32, #tpu.memory_space<vmem>>, vector<1x16xf32>,
      %swap3A_91 = vector.shape_cast %swap3A_90 : vector<1x16xf32> to vector<16xf32>
      %swap3A_92 = vector.shape_cast %add3A_87 : vector<16xf32> to vector<1x16xf32>
      tpu.vector_store %arg10[%swap3A_88, %swap3A_89], %swap3A_92 {strides = array<i32>} : memref<64x768xf32, #tpu.memory_space<vmem>>, vector<1x16xf32>,
      %get3A_93 = arith.index_cast %scan3A_22 : i32 to index
      %get3A_94 = arith.constant 64 : index
      %get3A_95 = tpu.vector_load %arg10[%get3A_93, %get3A_94] {strides = array<i32>} : memref<64x768xf32, #tpu.memory_space<vmem>>, vector<1x16xf32>,
      %get3A_96 = vector.shape_cast %get3A_95 : vector<1x16xf32> to vector<16xf32>
      %mul3A_97 = arith.mulf %get3A_96, %get3A_25 : vector<16xf32>
      %get3A_98 = arith.index_cast %scan3A_22 : i32 to index
      %get3A_99 = arith.constant 64 : index
      %get3A_100 = tpu.vector_load %arg11[%get3A_98, %get3A_99] {strides = array<i32>} : memref<64x768xf32, #tpu.memory_space<vmem>>, vector<1x16xf32>,
      %get3A_101 = vector.shape_cast %get3A_100 : vector<1x16xf32> to vector<16xf32>
      %mul3A_102 = arith.mulf %get3A_101, %get3A_29 : vector<16xf32>
      %add3A_103 = arith.addf %mul3A_97, %mul3A_102 : vector<16xf32>
      %swap3A_104 = arith.index_cast %scan3A_22 : i32 to index
      %swap3A_105 = arith.constant 64 : index
      %swap3A_106 = tpu.vector_load %arg10[%swap3A_104, %swap3A_105] {strides = array<i32>} : memref<64x768xf32, #tpu.memory_space<vmem>>, vector<1x16xf32>,
      %swap3A_107 = vector.shape_cast %swap3A_106 : vector<1x16xf32> to vector<16xf32>
      %swap3A_108 = vector.shape_cast %add3A_103 : vector<16xf32> to vector<1x16xf32>
      tpu.vector_store %arg10[%swap3A_104, %swap3A_105], %swap3A_108 {strides = array<i32>} : memref<64x768xf32, #tpu.memory_space<vmem>>, vector<1x16xf32>,
      %get3A_109 = arith.index_cast %scan3A_22 : i32 to index
      %get3A_110 = arith.constant 80 : index
      %get3A_111 = tpu.vector_load %arg10[%get3A_109, %get3A_110] {strides = array<i32>} : memref<64x768xf32, #tpu.memory_space<vmem>>, vector<1x16xf32>,
      %get3A_112 = vector.shape_cast %get3A_111 : vector<1x16xf32> to vector<16xf32>
      %mul3A_113 = arith.mulf %get3A_112, %get3A_25 : vector<16xf32>
      %get3A_114 = arith.index_cast %scan3A_22 : i32 to index
      %get3A_115 = arith.constant 80 : index
      %get3A_116 = tpu.vector_load %arg11[%get3A_114, %get3A_115] {strides = array<i32>} : memref<64x768xf32, #tpu.memory_space<vmem>>, vector<1x16xf32>,
      %get3A_117 = vector.shape_cast %get3A_116 : vector<1x16xf32> to vector<16xf32>
      %mul3A_118 = arith.mulf %get3A_117, %get3A_29 : vector<16xf32>
      %add3A_119 = arith.addf %mul3A_113, %mul3A_118 : vector<16xf32>
      %swap3A_120 = arith.index_cast %scan3A_22 : i32 to index
      %swap3A_121 = arith.constant 80 : index
      %swap3A_122 = tpu.vector_load %arg10[%swap3A_120, %swap3A_121] {strides = array<i32>} : memref<64x768xf32, #tpu.memory_space<vmem>>, vector<1x16xf32>,
      %swap3A_123 = vector.shape_cast %swap3A_122 : vector<1x16xf32> to vector<16xf32>
      %swap3A_124 = vector.shape_cast %add3A_119 : vector<16xf32> to vector<1x16xf32>
      tpu.vector_store %arg10[%swap3A_120, %swap3A_121], %swap3A_124 {strides = array<i32>} : memref<64x768xf32, #tpu.memory_space<vmem>>, vector<1x16xf32>,
      %get3A_125 = arith.index_cast %scan3A_22 : i32 to index
      %get3A_126 = arith.constant 96 : index
      %get3A_127 = tpu.vector_load %arg10[%get3A_125, %get3A_126] {strides = array<i32>} : memref<64x768xf32, #tpu.memory_space<vmem>>, vector<1x16xf32>,
      %get3A_128 = vector.shape_cast %get3A_127 : vector<1x16xf32> to vector<16xf32>
      %mul3A_129 = arith.mulf %get3A_128, %get3A_25 : vector<16xf32>
      %get3A_130 = arith.index_cast %scan3A_22 : i32 to index
      %get3A_131 = arith.constant 96 : index
      %get3A_132 = tpu.vector_load %arg11[%get3A_130, %get3A_131] {strides = array<i32>} : memref<64x768xf32, #tpu.memory_space<vmem>>, vector<1x16xf32>,
      %get3A_133 = vector.shape_cast %get3A_132 : vector<1x16xf32> to vector<16xf32>
      %mul3A_134 = arith.mulf %get3A_133, %get3A_29 : vector<16xf32>
      %add3A_135 = arith.addf %mul3A_129, %mul3A_134 : vector<16xf32>
      %swap3A_136 = arith.index_cast %scan3A_22 : i32 to index
      %swap3A_137 = arith.constant 96 : index
      %swap3A_138 = tpu.vector_load %arg10[%swap3A_136, %swap3A_137] {strides = array<i32>} : memref<64x768xf32, #tpu.memory_space<vmem>>, vector<1x16xf32>,
      %swap3A_139 = vector.shape_cast %swap3A_138 : vector<1x16xf32> to vector<16xf32>
      %swap3A_140 = vector.shape_cast %add3A_135 : vector<16xf32> to vector<1x16xf32>
      tpu.vector_store %arg10[%swap3A_136, %swap3A_137], %swap3A_140 {strides = array<i32>} : memref<64x768xf32, #tpu.memory_space<vmem>>, vector<1x16xf32>,
      %get3A_141 = arith.index_cast %scan3A_22 : i32 to index
      %get3A_142 = arith.constant 112 : index
      %get3A_143 = tpu.vector_load %arg10[%get3A_141, %get3A_142] {strides = array<i32>} : memref<64x768xf32, #tpu.memory_space<vmem>>, vector<1x16xf32>,
      %get3A_144 = vector.shape_cast %get3A_143 : vector<1x16xf32> to vector<16xf32>
      %mul3A_145 = arith.mulf %get3A_144, %get3A_25 : vector<16xf32>
      %get3A_146 = arith.index_cast %scan3A_22 : i32 to index
      %get3A_147 = arith.constant 112 : index
      %get3A_148 = tpu.vector_load %arg11[%get3A_146, %get3A_147] {strides = array<i32>} : memref<64x768xf32, #tpu.memory_space<vmem>>, vector<1x16xf32>,
      %get3A_149 = vector.shape_cast %get3A_148 : vector<1x16xf32> to vector<16xf32>
      %mul3A_150 = arith.mulf %get3A_149, %get3A_29 : vector<16xf32>
      %add3A_151 = arith.addf %mul3A_145, %mul3A_150 : vector<16xf32>
      %swap3A_152 = arith.index_cast %scan3A_22 : i32 to index
      %swap3A_153 = arith.constant 112 : index
      %swap3A_154 = tpu.vector_load %arg10[%swap3A_152, %swap3A_153] {strides = array<i32>} : memref<64x768xf32, #tpu.memory_space<vmem>>, vector<1x16xf32>,
      %swap3A_155 = vector.shape_cast %swap3A_154 : vector<1x16xf32> to vector<16xf32>
      %swap3A_156 = vector.shape_cast %add3A_151 : vector<16xf32> to vector<1x16xf32>
      tpu.vector_store %arg10[%swap3A_152, %swap3A_153], %swap3A_156 {strides = array<i32>} : memref<64x768xf32, #tpu.memory_space<vmem>>, vector<1x16xf32>,
      %get3A_157 = arith.index_cast %scan3A_22 : i32 to index
      %get3A_158 = arith.constant 128 : index
      %get3A_159 = tpu.vector_load %arg10[%get3A_157, %get3A_158] {strides = array<i32>} : memref<64x768xf32, #tpu.memory_space<vmem>>, vector<1x16xf32>,
      %get3A_160 = vector.shape_cast %get3A_159 : vector<1x16xf32> to vector<16xf32>
      %mul3A_161 = arith.mulf %get3A_160, %get3A_25 : vector<16xf32>
      %get3A_162 = arith.index_cast %scan3A_22 : i32 to index
      %get3A_163 = arith.constant 128 : index
      %get3A_164 = tpu.vector_load %arg11[%get3A_162, %get3A_163] {strides = array<i32>} : memref<64x768xf32, #tpu.memory_space<vmem>>, vector<1x16xf32>,
      %get3A_165 = vector.shape_cast %get3A_164 : vector<1x16xf32> to vector<16xf32>
      %mul3A_166 = arith.mulf %get3A_165, %get3A_29 : vector<16xf32>
      %add3A_167 = arith.addf %mul3A_161, %mul3A_166 : vector<16xf32>
      %swap3A_168 = arith.index_cast %scan3A_22 : i32 to index
      %swap3A_169 = arith.constant 128 : index
      %swap3A_170 = tpu.vector_load %arg10[%swap3A_168, %swap3A_169] {strides = array<i32>} : memref<64x768xf32, #tpu.memory_space<vmem>>, vector<1x16xf32>,
      %swap3A_171 = vector.shape_cast %swap3A_170 : vector<1x16xf32> to vector<16xf32>
      %swap3A_172 = vector.shape_cast %add3A_167 : vector<16xf32> to vector<1x16xf32>
      tpu.vector_store %arg10[%swap3A_168, %swap3A_169], %swap3A_172 {strides = array<i32>} : memref<64x768xf32, #tpu.memory_space<vmem>>, vector<1x16xf32>,
      %get3A_173 = arith.index_cast %scan3A_22 : i32 to index
      %get3A_174 = arith.constant 144 : index
      %get3A_175 = tpu.vector_load %arg10[%get3A_173, %get3A_174] {strides = array<i32>} : memref<64x768xf32, #tpu.memory_space<vmem>>, vector<1x16xf32>,
      %get3A_176 = vector.shape_cast %get3A_175 : vector<1x16xf32> to vector<16xf32>
      %mul3A_177 = arith.mulf %get3A_176, %get3A_25 : vector<16xf32>
      %get3A_178 = arith.index_cast %scan3A_22 : i32 to index
      %get3A_179 = arith.constant 144 : index
      %get3A_180 = tpu.vector_load %arg11[%get3A_178, %get3A_179] {strides = array<i32>} : memref<64x768xf32, #tpu.memory_space<vmem>>, vector<1x16xf32>,
      %get3A_181 = vector.shape_cast %get3A_180 : vector<1x16xf32> to vector<16xf32>
      %mul3A_182 = arith.mulf %get3A_181, %get3A_29 : vector<16xf32>
      %add3A_183 = arith.addf %mul3A_177, %mul3A_182 : vector<16xf32>
      %swap3A_184 = arith.index_cast %scan3A_22 : i32 to index
      %swap3A_185 = arith.constant 144 : index
      %swap3A_186 = tpu.vector_load %arg10[%swap3A_184, %swap3A_185] {strides = array<i32>} : memref<64x768xf32, #tpu.memory_space<vmem>>, vector<1x16xf32>,
      %swap3A_187 = vector.shape_cast %swap3A_186 : vector<1x16xf32> to vector<16xf32>
      %swap3A_188 = vector.shape_cast %add3A_183 : vector<16xf32> to vector<1x16xf32>
      tpu.vector_store %arg10[%swap3A_184, %swap3A_185], %swap3A_188 {strides = array<i32>} : memref<64x768xf32, #tpu.memory_space<vmem>>, vector<1x16xf32>,
      %get3A_189 = arith.index_cast %scan3A_22 : i32 to index
      %get3A_190 = arith.constant 160 : index
      %get3A_191 = tpu.vector_load %arg10[%get3A_189, %get3A_190] {strides = array<i32>} : memref<64x768xf32, #tpu.memory_space<vmem>>, vector<1x16xf32>,
      %get3A_192 = vector.shape_cast %get3A_191 : vector<1x16xf32> to vector<16xf32>
      %mul3A_193 = arith.mulf %get3A_192, %get3A_25 : vector<16xf32>
      %get3A_194 = arith.index_cast %scan3A_22 : i32 to index
      %get3A_195 = arith.constant 160 : index
      %get3A_196 = tpu.vector_load %arg11[%get3A_194, %get3A_195] {strides = array<i32>} : memref<64x768xf32, #tpu.memory_space<vmem>>, vector<1x16xf32>,
      %get3A_197 = vector.shape_cast %get3A_196 : vector<1x16xf32> to vector<16xf32>
      %mul3A_198 = arith.mulf %get3A_197, %get3A_29 : vector<16xf32>
      %add3A_199 = arith.addf %mul3A_193, %mul3A_198 : vector<16xf32>
      %swap3A_200 = arith.index_cast %scan3A_22 : i32 to index
      %swap3A_201 = arith.constant 160 : index
      %swap3A_202 = tpu.vector_load %arg10[%swap3A_200, %swap3A_201] {strides = array<i32>} : memref<64x768xf32, #tpu.memory_space<vmem>>, vector<1x16xf32>,
      %swap3A_203 = vector.shape_cast %swap3A_202 : vector<1x16xf32> to vector<16xf32>
      %swap3A_204 = vector.shape_cast %add3A_199 : vector<16xf32> to vector<1x16xf32>
      tpu.vector_store %arg10[%swap3A_200, %swap3A_201], %swap3A_204 {strides = array<i32>} : memref<64x768xf32, #tpu.memory_space<vmem>>, vector<1x16xf32>,
      %get3A_205 = arith.index_cast %scan3A_22 : i32 to index
      %get3A_206 = arith.constant 176 : index
      %get3A_207 = tpu.vector_load %arg10[%get3A_205, %get3A_206] {strides = array<i32>} : memref<64x768xf32, #tpu.memory_space<vmem>>, vector<1x16xf32>,
      %get3A_208 = vector.shape_cast %get3A_207 : vector<1x16xf32> to vector<16xf32>
      %mul3A_209 = arith.mulf %get3A_208, %get3A_25 : vector<16xf32>
      %get3A_210 = arith.index_cast %scan3A_22 : i32 to index
      %get3A_211 = arith.constant 176 : index
      %get3A_212 = tpu.vector_load %arg11[%get3A_210, %get3A_211] {strides = array<i32>} : memref<64x768xf32, #tpu.memory_space<vmem>>, vector<1x16xf32>,
      %get3A_213 = vector.shape_cast %get3A_212 : vector<1x16xf32> to vector<16xf32>
      %mul3A_214 = arith.mulf %get3A_213, %get3A_29 : vector<16xf32>
      %add3A_215 = arith.addf %mul3A_209, %mul3A_214 : vector<16xf32>
      %swap3A_216 = arith.index_cast %scan3A_22 : i32 to index
      %swap3A_217 = arith.constant 176 : index
      %swap3A_218 = tpu.vector_load %arg10[%swap3A_216, %swap3A_217] {strides = array<i32>} : memref<64x768xf32, #tpu.memory_space<vmem>>, vector<1x16xf32>,
      %swap3A_219 = vector.shape_cast %swap3A_218 : vector<1x16xf32> to vector<16xf32>
      %swap3A_220 = vector.shape_cast %add3A_215 : vector<16xf32> to vector<1x16xf32>
      tpu.vector_store %arg10[%swap3A_216, %swap3A_217], %swap3A_220 {strides = array<i32>} : memref<64x768xf32, #tpu.memory_space<vmem>>, vector<1x16xf32>,
      %get3A_221 = arith.index_cast %scan3A_22 : i32 to index
      %get3A_222 = arith.constant 192 : index
      %get3A_223 = tpu.vector_load %arg10[%get3A_221, %get3A_222] {strides = array<i32>} : memref<64x768xf32, #tpu.memory_space<vmem>>, vector<1x16xf32>,
      %get3A_224 = vector.shape_cast %get3A_223 : vector<1x16xf32> to vector<16xf32>
      %mul3A_225 = arith.mulf %get3A_224, %get3A_25 : vector<16xf32>
      %get3A_226 = arith.index_cast %scan3A_22 : i32 to index
      %get3A_227 = arith.constant 192 : index
      %get3A_228 = tpu.vector_load %arg11[%get3A_226, %get3A_227] {strides = array<i32>} : memref<64x768xf32, #tpu.memory_space<vmem>>, vector<1x16xf32>,
      %get3A_229 = vector.shape_cast %get3A_228 : vector<1x16xf32> to vector<16xf32>
      %mul3A_230 = arith.mulf %get3A_229, %get3A_29 : vector<16xf32>
      %add3A_231 = arith.addf %mul3A_225, %mul3A_230 : vector<16xf32>
      %swap3A_232 = arith.index_cast %scan3A_22 : i32 to index
      %swap3A_233 = arith.constant 192 : index
      %swap3A_234 = tpu.vector_load %arg10[%swap3A_232, %swap3A_233] {strides = array<i32>} : memref<64x768xf32, #tpu.memory_space<vmem>>, vector<1x16xf32>,
      %swap3A_235 = vector.shape_cast %swap3A_234 : vector<1x16xf32> to vector<16xf32>
      %swap3A_236 = vector.shape_cast %add3A_231 : vector<16xf32> to vector<1x16xf32>
      tpu.vector_store %arg10[%swap3A_232, %swap3A_233], %swap3A_236 {strides = array<i32>} : memref<64x768xf32, #tpu.memory_space<vmem>>, vector<1x16xf32>,
      %get3A_237 = arith.index_cast %scan3A_22 : i32 to index
      %get3A_238 = arith.constant 208 : index
      %get3A_239 = tpu.vector_load %arg10[%get3A_237, %get3A_238] {strides = array<i32>} : memref<64x768xf32, #tpu.memory_space<vmem>>, vector<1x16xf32>,
      %get3A_240 = vector.shape_cast %get3A_239 : vector<1x16xf32> to vector<16xf32>
      %mul3A_241 = arith.mulf %get3A_240, %get3A_25 : vector<16xf32>
      %get3A_242 = arith.index_cast %scan3A_22 : i32 to index
      %get3A_243 = arith.constant 208 : index
      %get3A_244 = tpu.vector_load %arg11[%get3A_242, %get3A_243] {strides = array<i32>} : memref<64x768xf32, #tpu.memory_space<vmem>>, vector<1x16xf32>,
      %get3A_245 = vector.shape_cast %get3A_244 : vector<1x16xf32> to vector<16xf32>
      %mul3A_246 = arith.mulf %get3A_245, %get3A_29 : vector<16xf32>
      %add3A_247 = arith.addf %mul3A_241, %mul3A_246 : vector<16xf32>
      %swap3A_248 = arith.index_cast %scan3A_22 : i32 to index
      %swap3A_249 = arith.constant 208 : index
      %swap3A_250 = tpu.vector_load %arg10[%swap3A_248, %swap3A_249] {strides = array<i32>} : memref<64x768xf32, #tpu.memory_space<vmem>>, vector<1x16xf32>,
      %swap3A_251 = vector.shape_cast %swap3A_250 : vector<1x16xf32> to vector<16xf32>
      %swap3A_252 = vector.shape_cast %add3A_247 : vector<16xf32> to vector<1x16xf32>
      tpu.vector_store %arg10[%swap3A_248, %swap3A_249], %swap3A_252 {strides = array<i32>} : memref<64x768xf32, #tpu.memory_space<vmem>>, vector<1x16xf32>,
      %get3A_253 = arith.index_cast %scan3A_22 : i32 to index
      %get3A_254 = arith.constant 224 : index
      %get3A_255 = tpu.vector_load %arg10[%get3A_253, %get3A_254] {strides = array<i32>} : memref<64x768xf32, #tpu.memory_space<vmem>>, vector<1x16xf32>,
      %get3A_256 = vector.shape_cast %get3A_255 : vector<1x16xf32> to vector<16xf32>
      %mul3A_257 = arith.mulf %get3A_256, %get3A_25 : vector<16xf32>
      %get3A_258 = arith.index_cast %scan3A_22 : i32 to index
      %get3A_259 = arith.constant 224 : index
      %get3A_260 = tpu.vector_load %arg11[%get3A_258, %get3A_259] {strides = array<i32>} : memref<64x768xf32, #tpu.memory_space<vmem>>, vector<1x16xf32>,
      %get3A_261 = vector.shape_cast %get3A_260 : vector<1x16xf32> to vector<16xf32>
      %mul3A_262 = arith.mulf %get3A_261, %get3A_29 : vector<16xf32>
      %add3A_263 = arith.addf %mul3A_257, %mul3A_262 : vector<16xf32>
      %swap3A_264 = arith.index_cast %scan3A_22 : i32 to index
      %swap3A_265 = arith.constant 224 : index
      %swap3A_266 = tpu.vector_load %arg10[%swap3A_264, %swap3A_265] {strides = array<i32>} : memref<64x768xf32, #tpu.memory_space<vmem>>, vector<1x16xf32>,
      %swap3A_267 = vector.shape_cast %swap3A_266 : vector<1x16xf32> to vector<16xf32>
      %swap3A_268 = vector.shape_cast %add3A_263 : vector<16xf32> to vector<1x16xf32>
      tpu.vector_store %arg10[%swap3A_264, %swap3A_265], %swap3A_268 {strides = array<i32>} : memref<64x768xf32, #tpu.memory_space<vmem>>, vector<1x16xf32>,
      %get3A_269 = arith.index_cast %scan3A_22 : i32 to index
      %get3A_270 = arith.constant 240 : index
      %get3A_271 = tpu.vector_load %arg10[%get3A_269, %get3A_270] {strides = array<i32>} : memref<64x768xf32, #tpu.memory_space<vmem>>, vector<1x16xf32>,
      %get3A_272 = vector.shape_cast %get3A_271 : vector<1x16xf32> to vector<16xf32>
      %mul3A_273 = arith.mulf %get3A_272, %get3A_25 : vector<16xf32>
      %get3A_274 = arith.index_cast %scan3A_22 : i32 to index
      %get3A_275 = arith.constant 240 : index
      %get3A_276 = tpu.vector_load %arg11[%get3A_274, %get3A_275] {strides = array<i32>} : memref<64x768xf32, #tpu.memory_space<vmem>>, vector<1x16xf32>,
      %get3A_277 = vector.shape_cast %get3A_276 : vector<1x16xf32> to vector<16xf32>
      %mul3A_278 = arith.mulf %get3A_277, %get3A_29 : vector<16xf32>
      %add3A_279 = arith.addf %mul3A_273, %mul3A_278 : vector<16xf32>
      %swap3A_280 = arith.index_cast %scan3A_22 : i32 to index
      %swap3A_281 = arith.constant 240 : index
      %swap3A_282 = tpu.vector_load %arg10[%swap3A_280, %swap3A_281] {strides = array<i32>} : memref<64x768xf32, #tpu.memory_space<vmem>>, vector<1x16xf32>,
      %swap3A_283 = vector.shape_cast %swap3A_282 : vector<1x16xf32> to vector<16xf32>
      %swap3A_284 = vector.shape_cast %add3A_279 : vector<16xf32> to vector<1x16xf32>
      tpu.vector_store %arg10[%swap3A_280, %swap3A_281], %swap3A_284 {strides = array<i32>} : memref<64x768xf32, #tpu.memory_space<vmem>>, vector<1x16xf32>,
      %get3A_285 = arith.index_cast %scan3A_22 : i32 to index
      %get3A_286 = arith.constant 256 : index
      %get3A_287 = tpu.vector_load %arg10[%get3A_285, %get3A_286] {strides = array<i32>} : memref<64x768xf32, #tpu.memory_space<vmem>>, vector<1x16xf32>,
      %get3A_288 = vector.shape_cast %get3A_287 : vector<1x16xf32> to vector<16xf32>
      %mul3A_289 = arith.mulf %get3A_288, %get3A_25 : vector<16xf32>
      %get3A_290 = arith.index_cast %scan3A_22 : i32 to index
      %get3A_291 = arith.constant 256 : index
      %get3A_292 = tpu.vector_load %arg11[%get3A_290, %get3A_291] {strides = array<i32>} : memref<64x768xf32, #tpu.memory_space<vmem>>, vector<1x16xf32>,
      %get3A_293 = vector.shape_cast %get3A_292 : vector<1x16xf32> to vector<16xf32>
      %mul3A_294 = arith.mulf %get3A_293, %get3A_29 : vector<16xf32>
      %add3A_295 = arith.addf %mul3A_289, %mul3A_294 : vector<16xf32>
      %swap3A_296 = arith.index_cast %scan3A_22 : i32 to index
      %swap3A_297 = arith.constant 256 : index
      %swap3A_298 = tpu.vector_load %arg10[%swap3A_296, %swap3A_297] {strides = array<i32>} : memref<64x768xf32, #tpu.memory_space<vmem>>, vector<1x16xf32>,
      %swap3A_299 = vector.shape_cast %swap3A_298 : vector<1x16xf32> to vector<16xf32>
      %swap3A_300 = vector.shape_cast %add3A_295 : vector<16xf32> to vector<1x16xf32>
      tpu.vector_store %arg10[%swap3A_296, %swap3A_297], %swap3A_300 {strides = array<i32>} : memref<64x768xf32, #tpu.memory_space<vmem>>, vector<1x16xf32>,
      %get3A_301 = arith.index_cast %scan3A_22 : i32 to index
      %get3A_302 = arith.constant 272 : index
      %get3A_303 = tpu.vector_load %arg10[%get3A_301, %get3A_302] {strides = array<i32>} : memref<64x768xf32, #tpu.memory_space<vmem>>, vector<1x16xf32>,
      %get3A_304 = vector.shape_cast %get3A_303 : vector<1x16xf32> to vector<16xf32>
      %mul3A_305 = arith.mulf %get3A_304, %get3A_25 : vector<16xf32>
      %get3A_306 = arith.index_cast %scan3A_22 : i32 to index
      %get3A_307 = arith.constant 272 : index
      %get3A_308 = tpu.vector_load %arg11[%get3A_306, %get3A_307] {strides = array<i32>} : memref<64x768xf32, #tpu.memory_space<vmem>>, vector<1x16xf32>,
      %get3A_309 = vector.shape_cast %get3A_308 : vector<1x16xf32> to vector<16xf32>
      %mul3A_310 = arith.mulf %get3A_309, %get3A_29 : vector<16xf32>
      %add3A_311 = arith.addf %mul3A_305, %mul3A_310 : vector<16xf32>
      %swap3A_312 = arith.index_cast %scan3A_22 : i32 to index
      %swap3A_313 = arith.constant 272 : index
      %swap3A_314 = tpu.vector_load %arg10[%swap3A_312, %swap3A_313] {strides = array<i32>} : memref<64x768xf32, #tpu.memory_space<vmem>>, vector<1x16xf32>,
      %swap3A_315 = vector.shape_cast %swap3A_314 : vector<1x16xf32> to vector<16xf32>
      %swap3A_316 = vector.shape_cast %add3A_311 : vector<16xf32> to vector<1x16xf32>
      tpu.vector_store %arg10[%swap3A_312, %swap3A_313], %swap3A_316 {strides = array<i32>} : memref<64x768xf32, #tpu.memory_space<vmem>>, vector<1x16xf32>,
      %get3A_317 = arith.index_cast %scan3A_22 : i32 to index
      %get3A_318 = arith.constant 288 : index
      %get3A_319 = tpu.vector_load %arg10[%get3A_317, %get3A_318] {strides = array<i32>} : memref<64x768xf32, #tpu.memory_space<vmem>>, vector<1x16xf32>,
      %get3A_320 = vector.shape_cast %get3A_319 : vector<1x16xf32> to vector<16xf32>
      %mul3A_321 = arith.mulf %get3A_320, %get3A_25 : vector<16xf32>
      %get3A_322 = arith.index_cast %scan3A_22 : i32 to index
      %get3A_323 = arith.constant 288 : index
      %get3A_324 = tpu.vector_load %arg11[%get3A_322, %get3A_323] {strides = array<i32>} : memref<64x768xf32, #tpu.memory_space<vmem>>, vector<1x16xf32>,
      %get3A_325 = vector.shape_cast %get3A_324 : vector<1x16xf32> to vector<16xf32>
      %mul3A_326 = arith.mulf %get3A_325, %get3A_29 : vector<16xf32>
      %add3A_327 = arith.addf %mul3A_321, %mul3A_326 : vector<16xf32>
      %swap3A_328 = arith.index_cast %scan3A_22 : i32 to index
      %swap3A_329 = arith.constant 288 : index
      %swap3A_330 = tpu.vector_load %arg10[%swap3A_328, %swap3A_329] {strides = array<i32>} : memref<64x768xf32, #tpu.memory_space<vmem>>, vector<1x16xf32>,
      %swap3A_331 = vector.shape_cast %swap3A_330 : vector<1x16xf32> to vector<16xf32>
      %swap3A_332 = vector.shape_cast %add3A_327 : vector<16xf32> to vector<1x16xf32>
      tpu.vector_store %arg10[%swap3A_328, %swap3A_329], %swap3A_332 {strides = array<i32>} : memref<64x768xf32, #tpu.memory_space<vmem>>, vector<1x16xf32>,
      %get3A_333 = arith.index_cast %scan3A_22 : i32 to index
      %get3A_334 = arith.constant 304 : index
      %get3A_335 = tpu.vector_load %arg10[%get3A_333, %get3A_334] {strides = array<i32>} : memref<64x768xf32, #tpu.memory_space<vmem>>, vector<1x16xf32>,
      %get3A_336 = vector.shape_cast %get3A_335 : vector<1x16xf32> to vector<16xf32>
      %mul3A_337 = arith.mulf %get3A_336, %get3A_25 : vector<16xf32>
      %get3A_338 = arith.index_cast %scan3A_22 : i32 to index
      %get3A_339 = arith.constant 304 : index
      %get3A_340 = tpu.vector_load %arg11[%get3A_338, %get3A_339] {strides = array<i32>} : memref<64x768xf32, #tpu.memory_space<vmem>>, vector<1x16xf32>,
      %get3A_341 = vector.shape_cast %get3A_340 : vector<1x16xf32> to vector<16xf32>
      %mul3A_342 = arith.mulf %get3A_341, %get3A_29 : vector<16xf32>
      %add3A_343 = arith.addf %mul3A_337, %mul3A_342 : vector<16xf32>
      %swap3A_344 = arith.index_cast %scan3A_22 : i32 to index
      %swap3A_345 = arith.constant 304 : index
      %swap3A_346 = tpu.vector_load %arg10[%swap3A_344, %swap3A_345] {strides = array<i32>} : memref<64x768xf32, #tpu.memory_space<vmem>>, vector<1x16xf32>,
      %swap3A_347 = vector.shape_cast %swap3A_346 : vector<1x16xf32> to vector<16xf32>
      %swap3A_348 = vector.shape_cast %add3A_343 : vector<16xf32> to vector<1x16xf32>
      tpu.vector_store %arg10[%swap3A_344, %swap3A_345], %swap3A_348 {strides = array<i32>} : memref<64x768xf32, #tpu.memory_space<vmem>>, vector<1x16xf32>,
      %get3A_349 = arith.index_cast %scan3A_22 : i32 to index
      %get3A_350 = arith.constant 320 : index
      %get3A_351 = tpu.vector_load %arg10[%get3A_349, %get3A_350] {strides = array<i32>} : memref<64x768xf32, #tpu.memory_space<vmem>>, vector<1x16xf32>,
      %get3A_352 = vector.shape_cast %get3A_351 : vector<1x16xf32> to vector<16xf32>
      %mul3A_353 = arith.mulf %get3A_352, %get3A_25 : vector<16xf32>
      %get3A_354 = arith.index_cast %scan3A_22 : i32 to index
      %get3A_355 = arith.constant 320 : index
      %get3A_356 = tpu.vector_load %arg11[%get3A_354, %get3A_355] {strides = array<i32>} : memref<64x768xf32, #tpu.memory_space<vmem>>, vector<1x16xf32>,
      %get3A_357 = vector.shape_cast %get3A_356 : vector<1x16xf32> to vector<16xf32>
      %mul3A_358 = arith.mulf %get3A_357, %get3A_29 : vector<16xf32>
      %add3A_359 = arith.addf %mul3A_353, %mul3A_358 : vector<16xf32>
      %swap3A_360 = arith.index_cast %scan3A_22 : i32 to index
      %swap3A_361 = arith.constant 320 : index
      %swap3A_362 = tpu.vector_load %arg10[%swap3A_360, %swap3A_361] {strides = array<i32>} : memref<64x768xf32, #tpu.memory_space<vmem>>, vector<1x16xf32>,
      %swap3A_363 = vector.shape_cast %swap3A_362 : vector<1x16xf32> to vector<16xf32>
      %swap3A_364 = vector.shape_cast %add3A_359 : vector<16xf32> to vector<1x16xf32>
      tpu.vector_store %arg10[%swap3A_360, %swap3A_361], %swap3A_364 {strides = array<i32>} : memref<64x768xf32, #tpu.memory_space<vmem>>, vector<1x16xf32>,
      %get3A_365 = arith.index_cast %scan3A_22 : i32 to index
      %get3A_366 = arith.constant 336 : index
      %get3A_367 = tpu.vector_load %arg10[%get3A_365, %get3A_366] {strides = array<i32>} : memref<64x768xf32, #tpu.memory_space<vmem>>, vector<1x16xf32>,
      %get3A_368 = vector.shape_cast %get3A_367 : vector<1x16xf32> to vector<16xf32>
      %mul3A_369 = arith.mulf %get3A_368, %get3A_25 : vector<16xf32>
      %get3A_370 = arith.index_cast %scan3A_22 : i32 to index
      %get3A_371 = arith.constant 336 : index
      %get3A_372 = tpu.vector_load %arg11[%get3A_370, %get3A_371] {strides = array<i32>} : memref<64x768xf32, #tpu.memory_space<vmem>>, vector<1x16xf32>,
      %get3A_373 = vector.shape_cast %get3A_372 : vector<1x16xf32> to vector<16xf32>
      %mul3A_374 = arith.mulf %get3A_373, %get3A_29 : vector<16xf32>
      %add3A_375 = arith.addf %mul3A_369, %mul3A_374 : vector<16xf32>
      %swap3A_376 = arith.index_cast %scan3A_22 : i32 to index
      %swap3A_377 = arith.constant 336 : index
      %swap3A_378 = tpu.vector_load %arg10[%swap3A_376, %swap3A_377] {strides = array<i32>} : memref<64x768xf32, #tpu.memory_space<vmem>>, vector<1x16xf32>,
      %swap3A_379 = vector.shape_cast %swap3A_378 : vector<1x16xf32> to vector<16xf32>
      %swap3A_380 = vector.shape_cast %add3A_375 : vector<16xf32> to vector<1x16xf32>
      tpu.vector_store %arg10[%swap3A_376, %swap3A_377], %swap3A_380 {strides = array<i32>} : memref<64x768xf32, #tpu.memory_space<vmem>>, vector<1x16xf32>,
      %get3A_381 = arith.index_cast %scan3A_22 : i32 to index
      %get3A_382 = arith.constant 352 : index
      %get3A_383 = tpu.vector_load %arg10[%get3A_381, %get3A_382] {strides = array<i32>} : memref<64x768xf32, #tpu.memory_space<vmem>>, vector<1x16xf32>,
      %get3A_384 = vector.shape_cast %get3A_383 : vector<1x16xf32> to vector<16xf32>
      %mul3A_385 = arith.mulf %get3A_384, %get3A_25 : vector<16xf32>
      %get3A_386 = arith.index_cast %scan3A_22 : i32 to index
      %get3A_387 = arith.constant 352 : index
      %get3A_388 = tpu.vector_load %arg11[%get3A_386, %get3A_387] {strides = array<i32>} : memref<64x768xf32, #tpu.memory_space<vmem>>, vector<1x16xf32>,
      %get3A_389 = vector.shape_cast %get3A_388 : vector<1x16xf32> to vector<16xf32>
      %mul3A_390 = arith.mulf %get3A_389, %get3A_29 : vector<16xf32>
      %add3A_391 = arith.addf %mul3A_385, %mul3A_390 : vector<16xf32>
      %swap3A_392 = arith.index_cast %scan3A_22 : i32 to index
      %swap3A_393 = arith.constant 352 : index
      %swap3A_394 = tpu.vector_load %arg10[%swap3A_392, %swap3A_393] {strides = array<i32>} : memref<64x768xf32, #tpu.memory_space<vmem>>, vector<1x16xf32>,
      %swap3A_395 = vector.shape_cast %swap3A_394 : vector<1x16xf32> to vector<16xf32>
      %swap3A_396 = vector.shape_cast %add3A_391 : vector<16xf32> to vector<1x16xf32>
      tpu.vector_store %arg10[%swap3A_392, %swap3A_393], %swap3A_396 {strides = array<i32>} : memref<64x768xf32, #tpu.memory_space<vmem>>, vector<1x16xf32>,
      %get3A_397 = arith.index_cast %scan3A_22 : i32 to index
      %get3A_398 = arith.constant 368 : index
      %get3A_399 = tpu.vector_load %arg10[%get3A_397, %get3A_398] {strides = array<i32>} : memref<64x768xf32, #tpu.memory_space<vmem>>, vector<1x16xf32>,
      %get3A_400 = vector.shape_cast %get3A_399 : vector<1x16xf32> to vector<16xf32>
      %mul3A_401 = arith.mulf %get3A_400, %get3A_25 : vector<16xf32>
      %get3A_402 = arith.index_cast %scan3A_22 : i32 to index
      %get3A_403 = arith.constant 368 : index
      %get3A_404 = tpu.vector_load %arg11[%get3A_402, %get3A_403] {strides = array<i32>} : memref<64x768xf32, #tpu.memory_space<vmem>>, vector<1x16xf32>,
      %get3A_405 = vector.shape_cast %get3A_404 : vector<1x16xf32> to vector<16xf32>
      %mul3A_406 = arith.mulf %get3A_405, %get3A_29 : vector<16xf32>
      %add3A_407 = arith.addf %mul3A_401, %mul3A_406 : vector<16xf32>
      %swap3A_408 = arith.index_cast %scan3A_22 : i32 to index
      %swap3A_409 = arith.constant 368 : index
      %swap3A_410 = tpu.vector_load %arg10[%swap3A_408, %swap3A_409] {strides = array<i32>} : memref<64x768xf32, #tpu.memory_space<vmem>>, vector<1x16xf32>,
      %swap3A_411 = vector.shape_cast %swap3A_410 : vector<1x16xf32> to vector<16xf32>
      %swap3A_412 = vector.shape_cast %add3A_407 : vector<16xf32> to vector<1x16xf32>
      tpu.vector_store %arg10[%swap3A_408, %swap3A_409], %swap3A_412 {strides = array<i32>} : memref<64x768xf32, #tpu.memory_space<vmem>>, vector<1x16xf32>,
      %get3A_413 = arith.index_cast %scan3A_22 : i32 to index
      %get3A_414 = arith.constant 384 : index
      %get3A_415 = tpu.vector_load %arg10[%get3A_413, %get3A_414] {strides = array<i32>} : memref<64x768xf32, #tpu.memory_space<vmem>>, vector<1x16xf32>,
      %get3A_416 = vector.shape_cast %get3A_415 : vector<1x16xf32> to vector<16xf32>
      %mul3A_417 = arith.mulf %get3A_416, %get3A_25 : vector<16xf32>
      %get3A_418 = arith.index_cast %scan3A_22 : i32 to index
      %get3A_419 = arith.constant 384 : index
      %get3A_420 = tpu.vector_load %arg11[%get3A_418, %get3A_419] {strides = array<i32>} : memref<64x768xf32, #tpu.memory_space<vmem>>, vector<1x16xf32>,
      %get3A_421 = vector.shape_cast %get3A_420 : vector<1x16xf32> to vector<16xf32>
      %mul3A_422 = arith.mulf %get3A_421, %get3A_29 : vector<16xf32>
      %add3A_423 = arith.addf %mul3A_417, %mul3A_422 : vector<16xf32>
      %swap3A_424 = arith.index_cast %scan3A_22 : i32 to index
      %swap3A_425 = arith.constant 384 : index
      %swap3A_426 = tpu.vector_load %arg10[%swap3A_424, %swap3A_425] {strides = array<i32>} : memref<64x768xf32, #tpu.memory_space<vmem>>, vector<1x16xf32>,
      %swap3A_427 = vector.shape_cast %swap3A_426 : vector<1x16xf32> to vector<16xf32>
      %swap3A_428 = vector.shape_cast %add3A_423 : vector<16xf32> to vector<1x16xf32>
      tpu.vector_store %arg10[%swap3A_424, %swap3A_425], %swap3A_428 {strides = array<i32>} : memref<64x768xf32, #tpu.memory_space<vmem>>, vector<1x16xf32>,
      %get3A_429 = arith.index_cast %scan3A_22 : i32 to index
      %get3A_430 = arith.constant 400 : index
      %get3A_431 = tpu.vector_load %arg10[%get3A_429, %get3A_430] {strides = array<i32>} : memref<64x768xf32, #tpu.memory_space<vmem>>, vector<1x16xf32>,
      %get3A_432 = vector.shape_cast %get3A_431 : vector<1x16xf32> to vector<16xf32>
      %mul3A_433 = arith.mulf %get3A_432, %get3A_25 : vector<16xf32>
      %get3A_434 = arith.index_cast %scan3A_22 : i32 to index
      %get3A_435 = arith.constant 400 : index
      %get3A_436 = tpu.vector_load %arg11[%get3A_434, %get3A_435] {strides = array<i32>} : memref<64x768xf32, #tpu.memory_space<vmem>>, vector<1x16xf32>,
      %get3A_437 = vector.shape_cast %get3A_436 : vector<1x16xf32> to vector<16xf32>
      %mul3A_438 = arith.mulf %get3A_437, %get3A_29 : vector<16xf32>
      %add3A_439 = arith.addf %mul3A_433, %mul3A_438 : vector<16xf32>
      %swap3A_440 = arith.index_cast %scan3A_22 : i32 to index
      %swap3A_441 = arith.constant 400 : index
      %swap3A_442 = tpu.vector_load %arg10[%swap3A_440, %swap3A_441] {strides = array<i32>} : memref<64x768xf32, #tpu.memory_space<vmem>>, vector<1x16xf32>,
      %swap3A_443 = vector.shape_cast %swap3A_442 : vector<1x16xf32> to vector<16xf32>
      %swap3A_444 = vector.shape_cast %add3A_439 : vector<16xf32> to vector<1x16xf32>
      tpu.vector_store %arg10[%swap3A_440, %swap3A_441], %swap3A_444 {strides = array<i32>} : memref<64x768xf32, #tpu.memory_space<vmem>>, vector<1x16xf32>,
      %get3A_445 = arith.index_cast %scan3A_22 : i32 to index
      %get3A_446 = arith.constant 416 : index
      %get3A_447 = tpu.vector_load %arg10[%get3A_445, %get3A_446] {strides = array<i32>} : memref<64x768xf32, #tpu.memory_space<vmem>>, vector<1x16xf32>,
      %get3A_448 = vector.shape_cast %get3A_447 : vector<1x16xf32> to vector<16xf32>
      %mul3A_449 = arith.mulf %get3A_448, %get3A_25 : vector<16xf32>
      %get3A_450 = arith.index_cast %scan3A_22 : i32 to index
      %get3A_451 = arith.constant 416 : index
      %get3A_452 = tpu.vector_load %arg11[%get3A_450, %get3A_451] {strides = array<i32>} : memref<64x768xf32, #tpu.memory_space<vmem>>, vector<1x16xf32>,
      %get3A_453 = vector.shape_cast %get3A_452 : vector<1x16xf32> to vector<16xf32>
      %mul3A_454 = arith.mulf %get3A_453, %get3A_29 : vector<16xf32>
      %add3A_455 = arith.addf %mul3A_449, %mul3A_454 : vector<16xf32>
      %swap3A_456 = arith.index_cast %scan3A_22 : i32 to index
      %swap3A_457 = arith.constant 416 : index
      %swap3A_458 = tpu.vector_load %arg10[%swap3A_456, %swap3A_457] {strides = array<i32>} : memref<64x768xf32, #tpu.memory_space<vmem>>, vector<1x16xf32>,
      %swap3A_459 = vector.shape_cast %swap3A_458 : vector<1x16xf32> to vector<16xf32>
      %swap3A_460 = vector.shape_cast %add3A_455 : vector<16xf32> to vector<1x16xf32>
      tpu.vector_store %arg10[%swap3A_456, %swap3A_457], %swap3A_460 {strides = array<i32>} : memref<64x768xf32, #tpu.memory_space<vmem>>, vector<1x16xf32>,
      %get3A_461 = arith.index_cast %scan3A_22 : i32 to index
      %get3A_462 = arith.constant 432 : index
      %get3A_463 = tpu.vector_load %arg10[%get3A_461, %get3A_462] {strides = array<i32>} : memref<64x768xf32, #tpu.memory_space<vmem>>, vector<1x16xf32>,
      %get3A_464 = vector.shape_cast %get3A_463 : vector<1x16xf32> to vector<16xf32>
      %mul3A_465 = arith.mulf %get3A_464, %get3A_25 : vector<16xf32>
      %get3A_466 = arith.index_cast %scan3A_22 : i32 to index
      %get3A_467 = arith.constant 432 : index
      %get3A_468 = tpu.vector_load %arg11[%get3A_466, %get3A_467] {strides = array<i32>} : memref<64x768xf32, #tpu.memory_space<vmem>>, vector<1x16xf32>,
      %get3A_469 = vector.shape_cast %get3A_468 : vector<1x16xf32> to vector<16xf32>
      %mul3A_470 = arith.mulf %get3A_469, %get3A_29 : vector<16xf32>
      %add3A_471 = arith.addf %mul3A_465, %mul3A_470 : vector<16xf32>
      %swap3A_472 = arith.index_cast %scan3A_22 : i32 to index
      %swap3A_473 = arith.constant 432 : index
      %swap3A_474 = tpu.vector_load %arg10[%swap3A_472, %swap3A_473] {strides = array<i32>} : memref<64x768xf32, #tpu.memory_space<vmem>>, vector<1x16xf32>,
      %swap3A_475 = vector.shape_cast %swap3A_474 : vector<1x16xf32> to vector<16xf32>
      %swap3A_476 = vector.shape_cast %add3A_471 : vector<16xf32> to vector<1x16xf32>
      tpu.vector_store %arg10[%swap3A_472, %swap3A_473], %swap3A_476 {strides = array<i32>} : memref<64x768xf32, #tpu.memory_space<vmem>>, vector<1x16xf32>,
      %get3A_477 = arith.index_cast %scan3A_22 : i32 to index
      %get3A_478 = arith.constant 448 : index
      %get3A_479 = tpu.vector_load %arg10[%get3A_477, %get3A_478] {strides = array<i32>} : memref<64x768xf32, #tpu.memory_space<vmem>>, vector<1x16xf32>,
      %get3A_480 = vector.shape_cast %get3A_479 : vector<1x16xf32> to vector<16xf32>
      %mul3A_481 = arith.mulf %get3A_480, %get3A_25 : vector<16xf32>
      %get3A_482 = arith.index_cast %scan3A_22 : i32 to index
      %get3A_483 = arith.constant 448 : index
      %get3A_484 = tpu.vector_load %arg11[%get3A_482, %get3A_483] {strides = array<i32>} : memref<64x768xf32, #tpu.memory_space<vmem>>, vector<1x16xf32>,
      %get3A_485 = vector.shape_cast %get3A_484 : vector<1x16xf32> to vector<16xf32>
      %mul3A_486 = arith.mulf %get3A_485, %get3A_29 : vector<16xf32>
      %add3A_487 = arith.addf %mul3A_481, %mul3A_486 : vector<16xf32>
      %swap3A_488 = arith.index_cast %scan3A_22 : i32 to index
      %swap3A_489 = arith.constant 448 : index
      %swap3A_490 = tpu.vector_load %arg10[%swap3A_488, %swap3A_489] {strides = array<i32>} : memref<64x768xf32, #tpu.memory_space<vmem>>, vector<1x16xf32>,
      %swap3A_491 = vector.shape_cast %swap3A_490 : vector<1x16xf32> to vector<16xf32>
      %swap3A_492 = vector.shape_cast %add3A_487 : vector<16xf32> to vector<1x16xf32>
      tpu.vector_store %arg10[%swap3A_488, %swap3A_489], %swap3A_492 {strides = array<i32>} : memref<64x768xf32, #tpu.memory_space<vmem>>, vector<1x16xf32>,
      %get3A_493 = arith.index_cast %scan3A_22 : i32 to index
      %get3A_494 = arith.constant 464 : index
      %get3A_495 = tpu.vector_load %arg10[%get3A_493, %get3A_494] {strides = array<i32>} : memref<64x768xf32, #tpu.memory_space<vmem>>, vector<1x16xf32>,
      %get3A_496 = vector.shape_cast %get3A_495 : vector<1x16xf32> to vector<16xf32>
      %mul3A_497 = arith.mulf %get3A_496, %get3A_25 : vector<16xf32>
      %get3A_498 = arith.index_cast %scan3A_22 : i32 to index
      %get3A_499 = arith.constant 464 : index
      %get3A_500 = tpu.vector_load %arg11[%get3A_498, %get3A_499] {strides = array<i32>} : memref<64x768xf32, #tpu.memory_space<vmem>>, vector<1x16xf32>,
      %get3A_501 = vector.shape_cast %get3A_500 : vector<1x16xf32> to vector<16xf32>
      %mul3A_502 = arith.mulf %get3A_501, %get3A_29 : vector<16xf32>
      %add3A_503 = arith.addf %mul3A_497, %mul3A_502 : vector<16xf32>
      %swap3A_504 = arith.index_cast %scan3A_22 : i32 to index
      %swap3A_505 = arith.constant 464 : index
      %swap3A_506 = tpu.vector_load %arg10[%swap3A_504, %swap3A_505] {strides = array<i32>} : memref<64x768xf32, #tpu.memory_space<vmem>>, vector<1x16xf32>,
      %swap3A_507 = vector.shape_cast %swap3A_506 : vector<1x16xf32> to vector<16xf32>
      %swap3A_508 = vector.shape_cast %add3A_503 : vector<16xf32> to vector<1x16xf32>
      tpu.vector_store %arg10[%swap3A_504, %swap3A_505], %swap3A_508 {strides = array<i32>} : memref<64x768xf32, #tpu.memory_space<vmem>>, vector<1x16xf32>,
      %get3A_509 = arith.index_cast %scan3A_22 : i32 to index
      %get3A_510 = arith.constant 480 : index
      %get3A_511 = tpu.vector_load %arg10[%get3A_509, %get3A_510] {strides = array<i32>} : memref<64x768xf32, #tpu.memory_space<vmem>>, vector<1x16xf32>,
      %get3A_512 = vector.shape_cast %get3A_511 : vector<1x16xf32> to vector<16xf32>
      %mul3A_513 = arith.mulf %get3A_512, %get3A_25 : vector<16xf32>
      %get3A_514 = arith.index_cast %scan3A_22 : i32 to index
      %get3A_515 = arith.constant 480 : index
      %get3A_516 = tpu.vector_load %arg11[%get3A_514, %get3A_515] {strides = array<i32>} : memref<64x768xf32, #tpu.memory_space<vmem>>, vector<1x16xf32>,
      %get3A_517 = vector.shape_cast %get3A_516 : vector<1x16xf32> to vector<16xf32>
      %mul3A_518 = arith.mulf %get3A_517, %get3A_29 : vector<16xf32>
      %add3A_519 = arith.addf %mul3A_513, %mul3A_518 : vector<16xf32>
      %swap3A_520 = arith.index_cast %scan3A_22 : i32 to index
      %swap3A_521 = arith.constant 480 : index
      %swap3A_522 = tpu.vector_load %arg10[%swap3A_520, %swap3A_521] {strides = array<i32>} : memref<64x768xf32, #tpu.memory_space<vmem>>, vector<1x16xf32>,
      %swap3A_523 = vector.shape_cast %swap3A_522 : vector<1x16xf32> to vector<16xf32>
      %swap3A_524 = vector.shape_cast %add3A_519 : vector<16xf32> to vector<1x16xf32>
      tpu.vector_store %arg10[%swap3A_520, %swap3A_521], %swap3A_524 {strides = array<i32>} : memref<64x768xf32, #tpu.memory_space<vmem>>, vector<1x16xf32>,
      %get3A_525 = arith.index_cast %scan3A_22 : i32 to index
      %get3A_526 = arith.constant 496 : index
      %get3A_527 = tpu.vector_load %arg10[%get3A_525, %get3A_526] {strides = array<i32>} : memref<64x768xf32, #tpu.memory_space<vmem>>, vector<1x16xf32>,
      %get3A_528 = vector.shape_cast %get3A_527 : vector<1x16xf32> to vector<16xf32>
      %mul3A_529 = arith.mulf %get3A_528, %get3A_25 : vector<16xf32>
      %get3A_530 = arith.index_cast %scan3A_22 : i32 to index
      %get3A_531 = arith.constant 496 : index
      %get3A_532 = tpu.vector_load %arg11[%get3A_530, %get3A_531] {strides = array<i32>} : memref<64x768xf32, #tpu.memory_space<vmem>>, vector<1x16xf32>,
      %get3A_533 = vector.shape_cast %get3A_532 : vector<1x16xf32> to vector<16xf32>
      %mul3A_534 = arith.mulf %get3A_533, %get3A_29 : vector<16xf32>
      %add3A_535 = arith.addf %mul3A_529, %mul3A_534 : vector<16xf32>
      %swap3A_536 = arith.index_cast %scan3A_22 : i32 to index
      %swap3A_537 = arith.constant 496 : index
      %swap3A_538 = tpu.vector_load %arg10[%swap3A_536, %swap3A_537] {strides = array<i32>} : memref<64x768xf32, #tpu.memory_space<vmem>>, vector<1x16xf32>,
      %swap3A_539 = vector.shape_cast %swap3A_538 : vector<1x16xf32> to vector<16xf32>
      %swap3A_540 = vector.shape_cast %add3A_535 : vector<16xf32> to vector<1x16xf32>
      tpu.vector_store %arg10[%swap3A_536, %swap3A_537], %swap3A_540 {strides = array<i32>} : memref<64x768xf32, #tpu.memory_space<vmem>>, vector<1x16xf32>,
      %get3A_541 = arith.index_cast %scan3A_22 : i32 to index
      %get3A_542 = arith.constant 512 : index
      %get3A_543 = tpu.vector_load %arg10[%get3A_541, %get3A_542] {strides = array<i32>} : memref<64x768xf32, #tpu.memory_space<vmem>>, vector<1x16xf32>,
      %get3A_544 = vector.shape_cast %get3A_543 : vector<1x16xf32> to vector<16xf32>
      %mul3A_545 = arith.mulf %get3A_544, %get3A_25 : vector<16xf32>
      %get3A_546 = arith.index_cast %scan3A_22 : i32 to index
      %get3A_547 = arith.constant 512 : index
      %get3A_548 = tpu.vector_load %arg11[%get3A_546, %get3A_547] {strides = array<i32>} : memref<64x768xf32, #tpu.memory_space<vmem>>, vector<1x16xf32>,
      %get3A_549 = vector.shape_cast %get3A_548 : vector<1x16xf32> to vector<16xf32>
      %mul3A_550 = arith.mulf %get3A_549, %get3A_29 : vector<16xf32>
      %add3A_551 = arith.addf %mul3A_545, %mul3A_550 : vector<16xf32>
      %swap3A_552 = arith.index_cast %scan3A_22 : i32 to index
      %swap3A_553 = arith.constant 512 : index
      %swap3A_554 = tpu.vector_load %arg10[%swap3A_552, %swap3A_553] {strides = array<i32>} : memref<64x768xf32, #tpu.memory_space<vmem>>, vector<1x16xf32>,
      %swap3A_555 = vector.shape_cast %swap3A_554 : vector<1x16xf32> to vector<16xf32>
      %swap3A_556 = vector.shape_cast %add3A_551 : vector<16xf32> to vector<1x16xf32>
      tpu.vector_store %arg10[%swap3A_552, %swap3A_553], %swap3A_556 {strides = array<i32>} : memref<64x768xf32, #tpu.memory_space<vmem>>, vector<1x16xf32>,
      %get3A_557 = arith.index_cast %scan3A_22 : i32 to index
      %get3A_558 = arith.constant 528 : index
      %get3A_559 = tpu.vector_load %arg10[%get3A_557, %get3A_558] {strides = array<i32>} : memref<64x768xf32, #tpu.memory_space<vmem>>, vector<1x16xf32>,
      %get3A_560 = vector.shape_cast %get3A_559 : vector<1x16xf32> to vector<16xf32>
      %mul3A_561 = arith.mulf %get3A_560, %get3A_25 : vector<16xf32>
      %get3A_562 = arith.index_cast %scan3A_22 : i32 to index
      %get3A_563 = arith.constant 528 : index
      %get3A_564 = tpu.vector_load %arg11[%get3A_562, %get3A_563] {strides = array<i32>} : memref<64x768xf32, #tpu.memory_space<vmem>>, vector<1x16xf32>,
      %get3A_565 = vector.shape_cast %get3A_564 : vector<1x16xf32> to vector<16xf32>
      %mul3A_566 = arith.mulf %get3A_565, %get3A_29 : vector<16xf32>
      %add3A_567 = arith.addf %mul3A_561, %mul3A_566 : vector<16xf32>
      %swap3A_568 = arith.index_cast %scan3A_22 : i32 to index
      %swap3A_569 = arith.constant 528 : index
      %swap3A_570 = tpu.vector_load %arg10[%swap3A_568, %swap3A_569] {strides = array<i32>} : memref<64x768xf32, #tpu.memory_space<vmem>>, vector<1x16xf32>,
      %swap3A_571 = vector.shape_cast %swap3A_570 : vector<1x16xf32> to vector<16xf32>
      %swap3A_572 = vector.shape_cast %add3A_567 : vector<16xf32> to vector<1x16xf32>
      tpu.vector_store %arg10[%swap3A_568, %swap3A_569], %swap3A_572 {strides = array<i32>} : memref<64x768xf32, #tpu.memory_space<vmem>>, vector<1x16xf32>,
      %get3A_573 = arith.index_cast %scan3A_22 : i32 to index
      %get3A_574 = arith.constant 544 : index
      %get3A_575 = tpu.vector_load %arg10[%get3A_573, %get3A_574] {strides = array<i32>} : memref<64x768xf32, #tpu.memory_space<vmem>>, vector<1x16xf32>,
      %get3A_576 = vector.shape_cast %get3A_575 : vector<1x16xf32> to vector<16xf32>
      %mul3A_577 = arith.mulf %get3A_576, %get3A_25 : vector<16xf32>
      %get3A_578 = arith.index_cast %scan3A_22 : i32 to index
      %get3A_579 = arith.constant 544 : index
      %get3A_580 = tpu.vector_load %arg11[%get3A_578, %get3A_579] {strides = array<i32>} : memref<64x768xf32, #tpu.memory_space<vmem>>, vector<1x16xf32>,
      %get3A_581 = vector.shape_cast %get3A_580 : vector<1x16xf32> to vector<16xf32>
      %mul3A_582 = arith.mulf %get3A_581, %get3A_29 : vector<16xf32>
      %add3A_583 = arith.addf %mul3A_577, %mul3A_582 : vector<16xf32>
      %swap3A_584 = arith.index_cast %scan3A_22 : i32 to index
      %swap3A_585 = arith.constant 544 : index
      %swap3A_586 = tpu.vector_load %arg10[%swap3A_584, %swap3A_585] {strides = array<i32>} : memref<64x768xf32, #tpu.memory_space<vmem>>, vector<1x16xf32>,
      %swap3A_587 = vector.shape_cast %swap3A_586 : vector<1x16xf32> to vector<16xf32>
      %swap3A_588 = vector.shape_cast %add3A_583 : vector<16xf32> to vector<1x16xf32>
      tpu.vector_store %arg10[%swap3A_584, %swap3A_585], %swap3A_588 {strides = array<i32>} : memref<64x768xf32, #tpu.memory_space<vmem>>, vector<1x16xf32>,
      %get3A_589 = arith.index_cast %scan3A_22 : i32 to index
      %get3A_590 = arith.constant 560 : index
      %get3A_591 = tpu.vector_load %arg10[%get3A_589, %get3A_590] {strides = array<i32>} : memref<64x768xf32, #tpu.memory_space<vmem>>, vector<1x16xf32>,
      %get3A_592 = vector.shape_cast %get3A_591 : vector<1x16xf32> to vector<16xf32>
      %mul3A_593 = arith.mulf %get3A_592, %get3A_25 : vector<16xf32>
      %get3A_594 = arith.index_cast %scan3A_22 : i32 to index
      %get3A_595 = arith.constant 560 : index
      %get3A_596 = tpu.vector_load %arg11[%get3A_594, %get3A_595] {strides = array<i32>} : memref<64x768xf32, #tpu.memory_space<vmem>>, vector<1x16xf32>,
      %get3A_597 = vector.shape_cast %get3A_596 : vector<1x16xf32> to vector<16xf32>
      %mul3A_598 = arith.mulf %get3A_597, %get3A_29 : vector<16xf32>
      %add3A_599 = arith.addf %mul3A_593, %mul3A_598 : vector<16xf32>
      %swap3A_600 = arith.index_cast %scan3A_22 : i32 to index
      %swap3A_601 = arith.constant 560 : index
      %swap3A_602 = tpu.vector_load %arg10[%swap3A_600, %swap3A_601] {strides = array<i32>} : memref<64x768xf32, #tpu.memory_space<vmem>>, vector<1x16xf32>,
      %swap3A_603 = vector.shape_cast %swap3A_602 : vector<1x16xf32> to vector<16xf32>
      %swap3A_604 = vector.shape_cast %add3A_599 : vector<16xf32> to vector<1x16xf32>
      tpu.vector_store %arg10[%swap3A_600, %swap3A_601], %swap3A_604 {strides = array<i32>} : memref<64x768xf32, #tpu.memory_space<vmem>>, vector<1x16xf32>,
      %get3A_605 = arith.index_cast %scan3A_22 : i32 to index
      %get3A_606 = arith.constant 576 : index
      %get3A_607 = tpu.vector_load %arg10[%get3A_605, %get3A_606] {strides = array<i32>} : memref<64x768xf32, #tpu.memory_space<vmem>>, vector<1x16xf32>,
      %get3A_608 = vector.shape_cast %get3A_607 : vector<1x16xf32> to vector<16xf32>
      %mul3A_609 = arith.mulf %get3A_608, %get3A_25 : vector<16xf32>
      %get3A_610 = arith.index_cast %scan3A_22 : i32 to index
      %get3A_611 = arith.constant 576 : index
      %get3A_612 = tpu.vector_load %arg11[%get3A_610, %get3A_611] {strides = array<i32>} : memref<64x768xf32, #tpu.memory_space<vmem>>, vector<1x16xf32>,
      %get3A_613 = vector.shape_cast %get3A_612 : vector<1x16xf32> to vector<16xf32>
      %mul3A_614 = arith.mulf %get3A_613, %get3A_29 : vector<16xf32>
      %add3A_615 = arith.addf %mul3A_609, %mul3A_614 : vector<16xf32>
      %swap3A_616 = arith.index_cast %scan3A_22 : i32 to index
      %swap3A_617 = arith.constant 576 : index
      %swap3A_618 = tpu.vector_load %arg10[%swap3A_616, %swap3A_617] {strides = array<i32>} : memref<64x768xf32, #tpu.memory_space<vmem>>, vector<1x16xf32>,
      %swap3A_619 = vector.shape_cast %swap3A_618 : vector<1x16xf32> to vector<16xf32>
      %swap3A_620 = vector.shape_cast %add3A_615 : vector<16xf32> to vector<1x16xf32>
      tpu.vector_store %arg10[%swap3A_616, %swap3A_617], %swap3A_620 {strides = array<i32>} : memref<64x768xf32, #tpu.memory_space<vmem>>, vector<1x16xf32>,
      %get3A_621 = arith.index_cast %scan3A_22 : i32 to index
      %get3A_622 = arith.constant 592 : index
      %get3A_623 = tpu.vector_load %arg10[%get3A_621, %get3A_622] {strides = array<i32>} : memref<64x768xf32, #tpu.memory_space<vmem>>, vector<1x16xf32>,
      %get3A_624 = vector.shape_cast %get3A_623 : vector<1x16xf32> to vector<16xf32>
      %mul3A_625 = arith.mulf %get3A_624, %get3A_25 : vector<16xf32>
      %get3A_626 = arith.index_cast %scan3A_22 : i32 to index
      %get3A_627 = arith.constant 592 : index
      %get3A_628 = tpu.vector_load %arg11[%get3A_626, %get3A_627] {strides = array<i32>} : memref<64x768xf32, #tpu.memory_space<vmem>>, vector<1x16xf32>,
      %get3A_629 = vector.shape_cast %get3A_628 : vector<1x16xf32> to vector<16xf32>
      %mul3A_630 = arith.mulf %get3A_629, %get3A_29 : vector<16xf32>
      %add3A_631 = arith.addf %mul3A_625, %mul3A_630 : vector<16xf32>
      %swap3A_632 = arith.index_cast %scan3A_22 : i32 to index
      %swap3A_633 = arith.constant 592 : index
      %swap3A_634 = tpu.vector_load %arg10[%swap3A_632, %swap3A_633] {strides = array<i32>} : memref<64x768xf32, #tpu.memory_space<vmem>>, vector<1x16xf32>,
      %swap3A_635 = vector.shape_cast %swap3A_634 : vector<1x16xf32> to vector<16xf32>
      %swap3A_636 = vector.shape_cast %add3A_631 : vector<16xf32> to vector<1x16xf32>
      tpu.vector_store %arg10[%swap3A_632, %swap3A_633], %swap3A_636 {strides = array<i32>} : memref<64x768xf32, #tpu.memory_space<vmem>>, vector<1x16xf32>,
      %get3A_637 = arith.index_cast %scan3A_22 : i32 to index
      %get3A_638 = arith.constant 608 : index
      %get3A_639 = tpu.vector_load %arg10[%get3A_637, %get3A_638] {strides = array<i32>} : memref<64x768xf32, #tpu.memory_space<vmem>>, vector<1x16xf32>,
      %get3A_640 = vector.shape_cast %get3A_639 : vector<1x16xf32> to vector<16xf32>
      %mul3A_641 = arith.mulf %get3A_640, %get3A_25 : vector<16xf32>
      %get3A_642 = arith.index_cast %scan3A_22 : i32 to index
      %get3A_643 = arith.constant 608 : index
      %get3A_644 = tpu.vector_load %arg11[%get3A_642, %get3A_643] {strides = array<i32>} : memref<64x768xf32, #tpu.memory_space<vmem>>, vector<1x16xf32>,
      %get3A_645 = vector.shape_cast %get3A_644 : vector<1x16xf32> to vector<16xf32>
      %mul3A_646 = arith.mulf %get3A_645, %get3A_29 : vector<16xf32>
      %add3A_647 = arith.addf %mul3A_641, %mul3A_646 : vector<16xf32>
      %swap3A_648 = arith.index_cast %scan3A_22 : i32 to index
      %swap3A_649 = arith.constant 608 : index
      %swap3A_650 = tpu.vector_load %arg10[%swap3A_648, %swap3A_649] {strides = array<i32>} : memref<64x768xf32, #tpu.memory_space<vmem>>, vector<1x16xf32>,
      %swap3A_651 = vector.shape_cast %swap3A_650 : vector<1x16xf32> to vector<16xf32>
      %swap3A_652 = vector.shape_cast %add3A_647 : vector<16xf32> to vector<1x16xf32>
      tpu.vector_store %arg10[%swap3A_648, %swap3A_649], %swap3A_652 {strides = array<i32>} : memref<64x768xf32, #tpu.memory_space<vmem>>, vector<1x16xf32>,
      %get3A_653 = arith.index_cast %scan3A_22 : i32 to index
      %get3A_654 = arith.constant 624 : index
      %get3A_655 = tpu.vector_load %arg10[%get3A_653, %get3A_654] {strides = array<i32>} : memref<64x768xf32, #tpu.memory_space<vmem>>, vector<1x16xf32>,
      %get3A_656 = vector.shape_cast %get3A_655 : vector<1x16xf32> to vector<16xf32>
      %mul3A_657 = arith.mulf %get3A_656, %get3A_25 : vector<16xf32>
      %get3A_658 = arith.index_cast %scan3A_22 : i32 to index
      %get3A_659 = arith.constant 624 : index
      %get3A_660 = tpu.vector_load %arg11[%get3A_658, %get3A_659] {strides = array<i32>} : memref<64x768xf32, #tpu.memory_space<vmem>>, vector<1x16xf32>,
      %get3A_661 = vector.shape_cast %get3A_660 : vector<1x16xf32> to vector<16xf32>
      %mul3A_662 = arith.mulf %get3A_661, %get3A_29 : vector<16xf32>
      %add3A_663 = arith.addf %mul3A_657, %mul3A_662 : vector<16xf32>
      %swap3A_664 = arith.index_cast %scan3A_22 : i32 to index
      %swap3A_665 = arith.constant 624 : index
      %swap3A_666 = tpu.vector_load %arg10[%swap3A_664, %swap3A_665] {strides = array<i32>} : memref<64x768xf32, #tpu.memory_space<vmem>>, vector<1x16xf32>,
      %swap3A_667 = vector.shape_cast %swap3A_666 : vector<1x16xf32> to vector<16xf32>
      %swap3A_668 = vector.shape_cast %add3A_663 : vector<16xf32> to vector<1x16xf32>
      tpu.vector_store %arg10[%swap3A_664, %swap3A_665], %swap3A_668 {strides = array<i32>} : memref<64x768xf32, #tpu.memory_space<vmem>>, vector<1x16xf32>,
      %get3A_669 = arith.index_cast %scan3A_22 : i32 to index
      %get3A_670 = arith.constant 640 : index
      %get3A_671 = tpu.vector_load %arg10[%get3A_669, %get3A_670] {strides = array<i32>} : memref<64x768xf32, #tpu.memory_space<vmem>>, vector<1x16xf32>,
      %get3A_672 = vector.shape_cast %get3A_671 : vector<1x16xf32> to vector<16xf32>
      %mul3A_673 = arith.mulf %get3A_672, %get3A_25 : vector<16xf32>
      %get3A_674 = arith.index_cast %scan3A_22 : i32 to index
      %get3A_675 = arith.constant 640 : index
      %get3A_676 = tpu.vector_load %arg11[%get3A_674, %get3A_675] {strides = array<i32>} : memref<64x768xf32, #tpu.memory_space<vmem>>, vector<1x16xf32>,
      %get3A_677 = vector.shape_cast %get3A_676 : vector<1x16xf32> to vector<16xf32>
      %mul3A_678 = arith.mulf %get3A_677, %get3A_29 : vector<16xf32>
      %add3A_679 = arith.addf %mul3A_673, %mul3A_678 : vector<16xf32>
      %swap3A_680 = arith.index_cast %scan3A_22 : i32 to index
      %swap3A_681 = arith.constant 640 : index
      %swap3A_682 = tpu.vector_load %arg10[%swap3A_680, %swap3A_681] {strides = array<i32>} : memref<64x768xf32, #tpu.memory_space<vmem>>, vector<1x16xf32>,
      %swap3A_683 = vector.shape_cast %swap3A_682 : vector<1x16xf32> to vector<16xf32>
      %swap3A_684 = vector.shape_cast %add3A_679 : vector<16xf32> to vector<1x16xf32>
      tpu.vector_store %arg10[%swap3A_680, %swap3A_681], %swap3A_684 {strides = array<i32>} : memref<64x768xf32, #tpu.memory_space<vmem>>, vector<1x16xf32>,
      %get3A_685 = arith.index_cast %scan3A_22 : i32 to index
      %get3A_686 = arith.constant 656 : index
      %get3A_687 = tpu.vector_load %arg10[%get3A_685, %get3A_686] {strides = array<i32>} : memref<64x768xf32, #tpu.memory_space<vmem>>, vector<1x16xf32>,
      %get3A_688 = vector.shape_cast %get3A_687 : vector<1x16xf32> to vector<16xf32>
      %mul3A_689 = arith.mulf %get3A_688, %get3A_25 : vector<16xf32>
      %get3A_690 = arith.index_cast %scan3A_22 : i32 to index
      %get3A_691 = arith.constant 656 : index
      %get3A_692 = tpu.vector_load %arg11[%get3A_690, %get3A_691] {strides = array<i32>} : memref<64x768xf32, #tpu.memory_space<vmem>>, vector<1x16xf32>,
      %get3A_693 = vector.shape_cast %get3A_692 : vector<1x16xf32> to vector<16xf32>
      %mul3A_694 = arith.mulf %get3A_693, %get3A_29 : vector<16xf32>
      %add3A_695 = arith.addf %mul3A_689, %mul3A_694 : vector<16xf32>
      %swap3A_696 = arith.index_cast %scan3A_22 : i32 to index
      %swap3A_697 = arith.constant 656 : index
      %swap3A_698 = tpu.vector_load %arg10[%swap3A_696, %swap3A_697] {strides = array<i32>} : memref<64x768xf32, #tpu.memory_space<vmem>>, vector<1x16xf32>,
      %swap3A_699 = vector.shape_cast %swap3A_698 : vector<1x16xf32> to vector<16xf32>
      %swap3A_700 = vector.shape_cast %add3A_695 : vector<16xf32> to vector<1x16xf32>
      tpu.vector_store %arg10[%swap3A_696, %swap3A_697], %swap3A_700 {strides = array<i32>} : memref<64x768xf32, #tpu.memory_space<vmem>>, vector<1x16xf32>,
      %get3A_701 = arith.index_cast %scan3A_22 : i32 to index
      %get3A_702 = arith.constant 672 : index
      %get3A_703 = tpu.vector_load %arg10[%get3A_701, %get3A_702] {strides = array<i32>} : memref<64x768xf32, #tpu.memory_space<vmem>>, vector<1x16xf32>,
      %get3A_704 = vector.shape_cast %get3A_703 : vector<1x16xf32> to vector<16xf32>
      %mul3A_705 = arith.mulf %get3A_704, %get3A_25 : vector<16xf32>
      %get3A_706 = arith.index_cast %scan3A_22 : i32 to index
      %get3A_707 = arith.constant 672 : index
      %get3A_708 = tpu.vector_load %arg11[%get3A_706, %get3A_707] {strides = array<i32>} : memref<64x768xf32, #tpu.memory_space<vmem>>, vector<1x16xf32>,
      %get3A_709 = vector.shape_cast %get3A_708 : vector<1x16xf32> to vector<16xf32>
      %mul3A_710 = arith.mulf %get3A_709, %get3A_29 : vector<16xf32>
      %add3A_711 = arith.addf %mul3A_705, %mul3A_710 : vector<16xf32>
      %swap3A_712 = arith.index_cast %scan3A_22 : i32 to index
      %swap3A_713 = arith.constant 672 : index
      %swap3A_714 = tpu.vector_load %arg10[%swap3A_712, %swap3A_713] {strides = array<i32>} : memref<64x768xf32, #tpu.memory_space<vmem>>, vector<1x16xf32>,
      %swap3A_715 = vector.shape_cast %swap3A_714 : vector<1x16xf32> to vector<16xf32>
      %swap3A_716 = vector.shape_cast %add3A_711 : vector<16xf32> to vector<1x16xf32>
      tpu.vector_store %arg10[%swap3A_712, %swap3A_713], %swap3A_716 {strides = array<i32>} : memref<64x768xf32, #tpu.memory_space<vmem>>, vector<1x16xf32>,
      %get3A_717 = arith.index_cast %scan3A_22 : i32 to index
      %get3A_718 = arith.constant 688 : index
      %get3A_719 = tpu.vector_load %arg10[%get3A_717, %get3A_718] {strides = array<i32>} : memref<64x768xf32, #tpu.memory_space<vmem>>, vector<1x16xf32>,
      %get3A_720 = vector.shape_cast %get3A_719 : vector<1x16xf32> to vector<16xf32>
      %mul3A_721 = arith.mulf %get3A_720, %get3A_25 : vector<16xf32>
      %get3A_722 = arith.index_cast %scan3A_22 : i32 to index
      %get3A_723 = arith.constant 688 : index
      %get3A_724 = tpu.vector_load %arg11[%get3A_722, %get3A_723] {strides = array<i32>} : memref<64x768xf32, #tpu.memory_space<vmem>>, vector<1x16xf32>,
      %get3A_725 = vector.shape_cast %get3A_724 : vector<1x16xf32> to vector<16xf32>
      %mul3A_726 = arith.mulf %get3A_725, %get3A_29 : vector<16xf32>
      %add3A_727 = arith.addf %mul3A_721, %mul3A_726 : vector<16xf32>
      %swap3A_728 = arith.index_cast %scan3A_22 : i32 to index
      %swap3A_729 = arith.constant 688 : index
      %swap3A_730 = tpu.vector_load %arg10[%swap3A_728, %swap3A_729] {strides = array<i32>} : memref<64x768xf32, #tpu.memory_space<vmem>>, vector<1x16xf32>,
      %swap3A_731 = vector.shape_cast %swap3A_730 : vector<1x16xf32> to vector<16xf32>
      %swap3A_732 = vector.shape_cast %add3A_727 : vector<16xf32> to vector<1x16xf32>
      tpu.vector_store %arg10[%swap3A_728, %swap3A_729], %swap3A_732 {strides = array<i32>} : memref<64x768xf32, #tpu.memory_space<vmem>>, vector<1x16xf32>,
      %get3A_733 = arith.index_cast %scan3A_22 : i32 to index
      %get3A_734 = arith.constant 704 : index
      %get3A_735 = tpu.vector_load %arg10[%get3A_733, %get3A_734] {strides = array<i32>} : memref<64x768xf32, #tpu.memory_space<vmem>>, vector<1x16xf32>,
      %get3A_736 = vector.shape_cast %get3A_735 : vector<1x16xf32> to vector<16xf32>
      %mul3A_737 = arith.mulf %get3A_736, %get3A_25 : vector<16xf32>
      %get3A_738 = arith.index_cast %scan3A_22 : i32 to index
      %get3A_739 = arith.constant 704 : index
      %get3A_740 = tpu.vector_load %arg11[%get3A_738, %get3A_739] {strides = array<i32>} : memref<64x768xf32, #tpu.memory_space<vmem>>, vector<1x16xf32>,
      %get3A_741 = vector.shape_cast %get3A_740 : vector<1x16xf32> to vector<16xf32>
      %mul3A_742 = arith.mulf %get3A_741, %get3A_29 : vector<16xf32>
      %add3A_743 = arith.addf %mul3A_737, %mul3A_742 : vector<16xf32>
      %swap3A_744 = arith.index_cast %scan3A_22 : i32 to index
      %swap3A_745 = arith.constant 704 : index
      %swap3A_746 = tpu.vector_load %arg10[%swap3A_744, %swap3A_745] {strides = array<i32>} : memref<64x768xf32, #tpu.memory_space<vmem>>, vector<1x16xf32>,
      %swap3A_747 = vector.shape_cast %swap3A_746 : vector<1x16xf32> to vector<16xf32>
      %swap3A_748 = vector.shape_cast %add3A_743 : vector<16xf32> to vector<1x16xf32>
      tpu.vector_store %arg10[%swap3A_744, %swap3A_745], %swap3A_748 {strides = array<i32>} : memref<64x768xf32, #tpu.memory_space<vmem>>, vector<1x16xf32>,
      %get3A_749 = arith.index_cast %scan3A_22 : i32 to index
      %get3A_750 = arith.constant 720 : index
      %get3A_751 = tpu.vector_load %arg10[%get3A_749, %get3A_750] {strides = array<i32>} : memref<64x768xf32, #tpu.memory_space<vmem>>, vector<1x16xf32>,
      %get3A_752 = vector.shape_cast %get3A_751 : vector<1x16xf32> to vector<16xf32>
      %mul3A_753 = arith.mulf %get3A_752, %get3A_25 : vector<16xf32>
      %get3A_754 = arith.index_cast %scan3A_22 : i32 to index
      %get3A_755 = arith.constant 720 : index
      %get3A_756 = tpu.vector_load %arg11[%get3A_754, %get3A_755] {strides = array<i32>} : memref<64x768xf32, #tpu.memory_space<vmem>>, vector<1x16xf32>,
      %get3A_757 = vector.shape_cast %get3A_756 : vector<1x16xf32> to vector<16xf32>
      %mul3A_758 = arith.mulf %get3A_757, %get3A_29 : vector<16xf32>
      %add3A_759 = arith.addf %mul3A_753, %mul3A_758 : vector<16xf32>
      %swap3A_760 = arith.index_cast %scan3A_22 : i32 to index
      %swap3A_761 = arith.constant 720 : index
      %swap3A_762 = tpu.vector_load %arg10[%swap3A_760, %swap3A_761] {strides = array<i32>} : memref<64x768xf32, #tpu.memory_space<vmem>>, vector<1x16xf32>,
      %swap3A_763 = vector.shape_cast %swap3A_762 : vector<1x16xf32> to vector<16xf32>
      %swap3A_764 = vector.shape_cast %add3A_759 : vector<16xf32> to vector<1x16xf32>
      tpu.vector_store %arg10[%swap3A_760, %swap3A_761], %swap3A_764 {strides = array<i32>} : memref<64x768xf32, #tpu.memory_space<vmem>>, vector<1x16xf32>,
      %get3A_765 = arith.index_cast %scan3A_22 : i32 to index
      %get3A_766 = arith.constant 736 : index
      %get3A_767 = tpu.vector_load %arg10[%get3A_765, %get3A_766] {strides = array<i32>} : memref<64x768xf32, #tpu.memory_space<vmem>>, vector<1x16xf32>,
      %get3A_768 = vector.shape_cast %get3A_767 : vector<1x16xf32> to vector<16xf32>
      %mul3A_769 = arith.mulf %get3A_768, %get3A_25 : vector<16xf32>
      %get3A_770 = arith.index_cast %scan3A_22 : i32 to index
      %get3A_771 = arith.constant 736 : index
      %get3A_772 = tpu.vector_load %arg11[%get3A_770, %get3A_771] {strides = array<i32>} : memref<64x768xf32, #tpu.memory_space<vmem>>, vector<1x16xf32>,
      %get3A_773 = vector.shape_cast %get3A_772 : vector<1x16xf32> to vector<16xf32>
      %mul3A_774 = arith.mulf %get3A_773, %get3A_29 : vector<16xf32>
      %add3A_775 = arith.addf %mul3A_769, %mul3A_774 : vector<16xf32>
      %swap3A_776 = arith.index_cast %scan3A_22 : i32 to index
      %swap3A_777 = arith.constant 736 : index
      %swap3A_778 = tpu.vector_load %arg10[%swap3A_776, %swap3A_777] {strides = array<i32>} : memref<64x768xf32, #tpu.memory_space<vmem>>, vector<1x16xf32>,
      %swap3A_779 = vector.shape_cast %swap3A_778 : vector<1x16xf32> to vector<16xf32>
      %swap3A_780 = vector.shape_cast %add3A_775 : vector<16xf32> to vector<1x16xf32>
      tpu.vector_store %arg10[%swap3A_776, %swap3A_777], %swap3A_780 {strides = array<i32>} : memref<64x768xf32, #tpu.memory_space<vmem>>, vector<1x16xf32>,
      %get3A_781 = arith.index_cast %scan3A_22 : i32 to index
      %get3A_782 = arith.constant 752 : index
      %get3A_783 = tpu.vector_load %arg10[%get3A_781, %get3A_782] {strides = array<i32>} : memref<64x768xf32, #tpu.memory_space<vmem>>, vector<1x16xf32>,
      %get3A_784 = vector.shape_cast %get3A_783 : vector<1x16xf32> to vector<16xf32>
      %mul3A_785 = arith.mulf %get3A_784, %get3A_25 : vector<16xf32>
      %get3A_786 = arith.index_cast %scan3A_22 : i32 to index
      %get3A_787 = arith.constant 752 : index
      %get3A_788 = tpu.vector_load %arg11[%get3A_786, %get3A_787] {strides = array<i32>} : memref<64x768xf32, #tpu.memory_space<vmem>>, vector<1x16xf32>,
      %get3A_789 = vector.shape_cast %get3A_788 : vector<1x16xf32> to vector<16xf32>
      %mul3A_790 = arith.mulf %get3A_789, %get3A_29 : vector<16xf32>
      %add3A_791 = arith.addf %mul3A_785, %mul3A_790 : vector<16xf32>
      %swap3A_792 = arith.index_cast %scan3A_22 : i32 to index
      %swap3A_793 = arith.constant 752 : index
      %swap3A_794 = tpu.vector_load %arg10[%swap3A_792, %swap3A_793] {strides = array<i32>} : memref<64x768xf32, #tpu.memory_space<vmem>>, vector<1x16xf32>,
      %swap3A_795 = vector.shape_cast %swap3A_794 : vector<1x16xf32> to vector<16xf32>
      %swap3A_796 = vector.shape_cast %add3A_791 : vector<16xf32> to vector<1x16xf32>
      tpu.vector_store %arg10[%swap3A_792, %swap3A_793], %swap3A_796 {strides = array<i32>} : memref<64x768xf32, #tpu.memory_space<vmem>>, vector<1x16xf32>,
    }
    %scan3A_21 = arith.constant 64 : i32
    "tpu.region"() ({
      %run_scoped3A = tpu.sem_alloc : memref<!tpu.dma_semaphore, #tpu.memory_space<semaphore_mem>>
      %dma_start3A_22 = arith.constant 0 : i32
      %dma_start3A_23 = tpu.memref_slice %arg5[%mul3A_2, %dma_start3A_22] : memref<2048x768xf32, #tpu.memory_space<hbm>> -> memref<64x768xf32, #tpu.memory_space<hbm>>
      %dma_start3A_24 = arith.constant 0 : i32
      %dma_start3A_25 = tpu.memref_slice %arg5[%mul3A_2, %dma_start3A_24] : memref<2048x768xf32, #tpu.memory_space<hbm>> -> memref<64x768xf32, #tpu.memory_space<hbm>>
      tpu.enqueue_dma source(%arg10 : memref<64x768xf32, #tpu.memory_space<vmem>>) target(%dma_start3A_25 : memref<64x768xf32, #tpu.memory_space<hbm>>) target_semaphore(%run_scoped3A : memref<!tpu.dma_semaphore, #tpu.memory_space<semaphore_mem>>)
      %dma_wait3A_26 = arith.constant 0 : i32
      %dma_wait3A_27 = tpu.memref_slice %arg5[%mul3A_2, %dma_wait3A_26] : memref<2048x768xf32, #tpu.memory_space<hbm>> -> memref<64x768xf32, #tpu.memory_space<hbm>>
      %dma_wait3A_28 = arith.constant 0 : i32
      %dma_wait3A_29 = tpu.memref_slice %arg5[%mul3A_2, %dma_wait3A_28] : memref<2048x768xf32, #tpu.memory_space<hbm>> -> memref<64x768xf32, #tpu.memory_space<hbm>>
      tpu.wait_dma2 semaphore(%run_scoped3A : memref<!tpu.dma_semaphore, #tpu.memory_space<semaphore_mem>>) src(%arg10 : memref<64x768xf32, #tpu.memory_space<vmem>>) dst(%dma_wait3A_29 : memref<64x768xf32, #tpu.memory_space<hbm>>)
      tpu.yield
    }) : () -> ()
    return
  }
}

#map = affine_map<(d0, d1) -> (0, 0)>
#map1 = affine_map<(d0, d1) -> (0)>
module attributes {stable_mosaic.version = 14 : i64} {
  func.func @k(%arg0: i32, %arg1: i32, %arg2: memref<2048x768xf32, #tpu.memory_space<hbm>>, %arg3: memref<4096xi32, #tpu.memory_space<hbm>>, %arg4: memref<6144x768xf32, #tpu.memory_space<hbm>>, %arg5: memref<64xi32, #tpu.memory_space<vmem>>, %arg6: memref<64xi32, #tpu.memory_space<vmem>>, %arg7: memref<64x768xf32, #tpu.memory_space<vmem>>, %arg8: memref<!tpu.dma_semaphore, #tpu.memory_space<semaphore_mem>>, %arg9: memref<!tpu.dma_semaphore, #tpu.memory_space<semaphore_mem>>) attributes {dimension_semantics = [#tpu.dimension_semantics<core_parallel>, #tpu.dimension_semantics<subcore_parallel>], iteration_bounds = array<i64: 2, 16>, scalar_prefetch = 0 : i64, scratch_operands = 5 : i64, tpu.core_type = #tpu.core_type<sc_vector_subcore>, window_params = [{transform_indices = #map}, {transform_indices = #map1}, {transform_indices = #map}]} {
    %mul3A = arith.constant 2 : i32
    %mul3A_0 = arith.muli %arg1, %mul3A : i32
    %add3A = arith.addi %mul3A_0, %arg0 : i32
    %mul3A_1 = arith.constant 64 : i32
    %mul3A_2 = arith.muli %add3A, %mul3A_1 : i32
    "tpu.region"() ({
      %run_scoped3A = tpu.sem_alloc : memref<!tpu.dma_semaphore, #tpu.memory_space<semaphore_mem>>
      %dma_start3A_15 = tpu.memref_slice %arg3[%mul3A_2] : memref<4096xi32, #tpu.memory_space<hbm>> -> memref<64xi32, #tpu.memory_space<hbm>>
      %dma_start3A_16 = tpu.memref_slice %arg3[%mul3A_2] : memref<4096xi32, #tpu.memory_space<hbm>> -> memref<64xi32, #tpu.memory_space<hbm>>
      tpu.enqueue_dma source(%dma_start3A_16 : memref<64xi32, #tpu.memory_space<hbm>>) target(%arg5 : memref<64xi32, #tpu.memory_space<vmem>>) target_semaphore(%run_scoped3A : memref<!tpu.dma_semaphore, #tpu.memory_space<semaphore_mem>>)
      %dma_wait3A_17 = tpu.memref_slice %arg3[%mul3A_2] : memref<4096xi32, #tpu.memory_space<hbm>> -> memref<64xi32, #tpu.memory_space<hbm>>
      %dma_wait3A_18 = tpu.memref_slice %arg3[%mul3A_2] : memref<4096xi32, #tpu.memory_space<hbm>> -> memref<64xi32, #tpu.memory_space<hbm>>
      tpu.wait_dma2 semaphore(%run_scoped3A : memref<!tpu.dma_semaphore, #tpu.memory_space<semaphore_mem>>) src(%dma_wait3A_18 : memref<64xi32, #tpu.memory_space<hbm>>) dst(%arg5 : memref<64xi32, #tpu.memory_space<vmem>>)
      tpu.yield
    }) : () -> ()
    %add3A_3 = arith.constant 2048 : i32
    %add3A_4 = arith.addi %add3A_3, %mul3A_2 : i32
    "tpu.region"() ({
      %run_scoped3A = tpu.sem_alloc : memref<!tpu.dma_semaphore, #tpu.memory_space<semaphore_mem>>
      %dma_start3A_15 = tpu.memref_slice %arg3[%add3A_4] : memref<4096xi32, #tpu.memory_space<hbm>> -> memref<64xi32, #tpu.memory_space<hbm>>
      %dma_start3A_16 = tpu.memref_slice %arg3[%add3A_4] : memref<4096xi32, #tpu.memory_space<hbm>> -> memref<64xi32, #tpu.memory_space<hbm>>
      tpu.enqueue_dma source(%dma_start3A_16 : memref<64xi32, #tpu.memory_space<hbm>>) target(%arg6 : memref<64xi32, #tpu.memory_space<vmem>>) target_semaphore(%run_scoped3A : memref<!tpu.dma_semaphore, #tpu.memory_space<semaphore_mem>>)
      %dma_wait3A_17 = tpu.memref_slice %arg3[%add3A_4] : memref<4096xi32, #tpu.memory_space<hbm>> -> memref<64xi32, #tpu.memory_space<hbm>>
      %dma_wait3A_18 = tpu.memref_slice %arg3[%add3A_4] : memref<4096xi32, #tpu.memory_space<hbm>> -> memref<64xi32, #tpu.memory_space<hbm>>
      tpu.wait_dma2 semaphore(%run_scoped3A : memref<!tpu.dma_semaphore, #tpu.memory_space<semaphore_mem>>) src(%dma_wait3A_18 : memref<64xi32, #tpu.memory_space<hbm>>) dst(%arg6 : memref<64xi32, #tpu.memory_space<vmem>>)
      tpu.yield
    }) : () -> ()
    "tpu.region"() ({
      %run_scoped3A = tpu.sem_alloc : memref<!tpu.dma_semaphore, #tpu.memory_space<semaphore_mem>>
      %dma_start3A_15 = arith.constant 0 : i32
      %dma_start3A_16 = tpu.memref_slice %arg2[%mul3A_2, %dma_start3A_15] : memref<2048x768xf32, #tpu.memory_space<hbm>> -> memref<64x768xf32, #tpu.memory_space<hbm>>
      %dma_start3A_17 = arith.constant 0 : i32
      %dma_start3A_18 = tpu.memref_slice %arg2[%mul3A_2, %dma_start3A_17] : memref<2048x768xf32, #tpu.memory_space<hbm>> -> memref<64x768xf32, #tpu.memory_space<hbm>>
      tpu.enqueue_dma source(%dma_start3A_18 : memref<64x768xf32, #tpu.memory_space<hbm>>) target(%arg7 : memref<64x768xf32, #tpu.memory_space<vmem>>) target_semaphore(%run_scoped3A : memref<!tpu.dma_semaphore, #tpu.memory_space<semaphore_mem>>)
      %dma_wait3A_19 = arith.constant 0 : i32
      %dma_wait3A_20 = tpu.memref_slice %arg2[%mul3A_2, %dma_wait3A_19] : memref<2048x768xf32, #tpu.memory_space<hbm>> -> memref<64x768xf32, #tpu.memory_space<hbm>>
      %dma_wait3A_21 = arith.constant 0 : i32
      %dma_wait3A_22 = tpu.memref_slice %arg2[%mul3A_2, %dma_wait3A_21] : memref<2048x768xf32, #tpu.memory_space<hbm>> -> memref<64x768xf32, #tpu.memory_space<hbm>>
      tpu.wait_dma2 semaphore(%run_scoped3A : memref<!tpu.dma_semaphore, #tpu.memory_space<semaphore_mem>>) src(%dma_wait3A_22 : memref<64x768xf32, #tpu.memory_space<hbm>>) dst(%arg7 : memref<64x768xf32, #tpu.memory_space<vmem>>)
      tpu.yield
    }) : () -> ()
    %dma_start3A = arith.constant 0 : i32
    %dma_start3A_5 = arith.constant 0 : i32
    %dma_start3A_6 = tpu.memref_slice %arg4[%dma_start3A, %dma_start3A_5] : memref<6144x768xf32, #tpu.memory_space<hbm>> -> memref<6144x768xf32, #tpu.memory_space<hbm>>
    tpu.enqueue_indirect_dma source(%arg7 : memref<64x768xf32, #tpu.memory_space<vmem>>) target(%dma_start3A_6 : memref<6144x768xf32, #tpu.memory_space<hbm>>) offsets(%arg5 : memref<64xi32, #tpu.memory_space<vmem>>) semaphore(%arg8 : memref<!tpu.dma_semaphore, #tpu.memory_space<semaphore_mem>>)
    %dma_start3A_7 = arith.constant 0 : i32
    %dma_start3A_8 = arith.constant 0 : i32
    %dma_start3A_9 = tpu.memref_slice %arg4[%dma_start3A_7, %dma_start3A_8] : memref<6144x768xf32, #tpu.memory_space<hbm>> -> memref<6144x768xf32, #tpu.memory_space<hbm>>
    tpu.enqueue_indirect_dma source(%arg7 : memref<64x768xf32, #tpu.memory_space<vmem>>) target(%dma_start3A_9 : memref<6144x768xf32, #tpu.memory_space<hbm>>) offsets(%arg6 : memref<64xi32, #tpu.memory_space<vmem>>) semaphore(%arg9 : memref<!tpu.dma_semaphore, #tpu.memory_space<semaphore_mem>>)
    %dma_wait3A = arith.constant 0 : i32
    %dma_wait3A_10 = arith.constant 0 : i32
    %dma_wait3A_11 = tpu.memref_slice %arg4[%dma_wait3A, %dma_wait3A_10] : memref<6144x768xf32, #tpu.memory_space<hbm>> -> memref<6144x768xf32, #tpu.memory_space<hbm>>
    tpu.wait_indirect_dma semaphore(%arg8 : memref<!tpu.dma_semaphore, #tpu.memory_space<semaphore_mem>>) src(%arg7 : memref<64x768xf32, #tpu.memory_space<vmem>>) dst(%dma_wait3A_11 : memref<6144x768xf32, #tpu.memory_space<hbm>>)
    %dma_wait3A_12 = arith.constant 0 : i32
    %dma_wait3A_13 = arith.constant 0 : i32
    %dma_wait3A_14 = tpu.memref_slice %arg4[%dma_wait3A_12, %dma_wait3A_13] : memref<6144x768xf32, #tpu.memory_space<hbm>> -> memref<6144x768xf32, #tpu.memory_space<hbm>>
    tpu.wait_indirect_dma semaphore(%arg9 : memref<!tpu.dma_semaphore, #tpu.memory_space<semaphore_mem>>) src(%arg7 : memref<64x768xf32, #tpu.memory_space<vmem>>) dst(%dma_wait3A_14 : memref<6144x768xf32, #tpu.memory_space<hbm>>)
    return
  }
}

module attributes {stable_mosaic.version = 14 : i64} {
  func.func @_router_body(%arg0: memref<2048x768xf32, #tpu.memory_space<vmem>>, %arg1: memref<8x768xf32, #tpu.memory_space<vmem>>, %arg2: memref<4096x1xi32, #tpu.memory_space<vmem>>, %arg3: memref<4096x16xf32, #tpu.memory_space<vmem>>, %arg4: memref<24x1xi32, #tpu.memory_space<vmem>>, %arg5: memref<1x1xf32, #tpu.memory_space<vmem>>) attributes {dimension_semantics = [], scalar_prefetch = 0 : i64, scratch_operands = 0 : i64, tpu.core_type = #tpu.core_type<tc>} {
    %get3A = arith.constant 0 : index
    %get3A_0 = arith.constant 0 : index
    %get3A_1 = vector.load %arg0[%get3A, %get3A_0] : memref<2048x768xf32, #tpu.memory_space<vmem>>, vector<2048x768xf32>
    %get3A_2 = arith.constant 0 : index
    %get3A_3 = arith.constant 0 : index
    %get3A_4 = vector.load %arg1[%get3A_2, %get3A_3] : memref<8x768xf32, #tpu.memory_space<vmem>>, vector<8x768xf32>
    %dot_general3A = arith.constant dense<0.000000e+00> : vector<2048x8xf32>
    %dot_general3A_5 = tpu.matmul %get3A_1, %get3A_4, %dot_general3A {dimension_numbers = #tpu.dot_dimension_numbers<[1], [1], [0], [0], [0, 0, 1, 0], [], []>, transpose_lhs_hint = false} : vector<2048x768xf32>, vector<8x768xf32>, vector<2048x8xf32> -> vector<2048x8xf32>
    %reduce_max3A = arith.constant dense<0xFF800000> : vector<2048xf32>
    %reduce_max3A_6 = vector.multi_reduction <maximumf>, %dot_general3A_5, %reduce_max3A [1] : vector<2048x8xf32> to vector<2048xf32>
    %broadcast_in_dim3A = vector.shape_cast %reduce_max3A_6 : vector<2048xf32> to vector<2048x1xf32>
    %sub3A = vector.broadcast %broadcast_in_dim3A : vector<2048x1xf32> to vector<2048x8xf32>
    %sub3A_7 = arith.subf %dot_general3A_5, %sub3A : vector<2048x8xf32>
    %exp3A = math.exp %sub3A_7 : vector<2048x8xf32>
    %reduce_sum3A = arith.constant dense<0.000000e+00> : vector<2048xf32>
    %reduce_sum3A_8 = vector.multi_reduction <add>, %exp3A, %reduce_sum3A [1] : vector<2048x8xf32> to vector<2048xf32>
    %broadcast_in_dim3A_9 = vector.shape_cast %reduce_sum3A_8 : vector<2048xf32> to vector<2048x1xf32>
    %div3A = vector.broadcast %broadcast_in_dim3A_9 : vector<2048x1xf32> to vector<2048x8xf32>
    %div3A_10 = arith.divf %exp3A, %div3A : vector<2048x8xf32>
    %iota3A = tpu.iota {dimensions = array<i32: 1>} : vector<2048x8xi32>
    %reduce_max3A_11 = arith.constant dense<0xFF800000> : vector<2048xf32>
    %reduce_max3A_12 = vector.multi_reduction <maximumf>, %div3A_10, %reduce_max3A_11 [1] : vector<2048x8xf32> to vector<2048xf32>
    %broadcast_in_dim3A_13 = vector.shape_cast %reduce_max3A_12 : vector<2048xf32> to vector<2048x1xf32>
    %eq3A = vector.broadcast %broadcast_in_dim3A_13 : vector<2048x1xf32> to vector<2048x8xf32>
    %eq3A_14 = arith.cmpf oeq, %div3A_10, %eq3A : vector<2048x8xf32>
    %jit3A = arith.constant 8 : i32
    %broadcast_in_dim3A_15 = vector.broadcast %jit3A : i32 to vector<2048x8xi32>
    %select_n3A = arith.select %eq3A_14, %iota3A, %broadcast_in_dim3A_15 : vector<2048x8xi1>, vector<2048x8xi32>
    %reduce_min3A = arith.constant dense<2147483647> : vector<2048xi32>
    %reduce_min3A_16 = vector.multi_reduction <minsi>, %select_n3A, %reduce_min3A [1] : vector<2048x8xi32> to vector<2048xi32>
    %broadcast_in_dim3A_17 = vector.shape_cast %reduce_min3A_16 : vector<2048xi32> to vector<2048x1xi32>
    %eq3A_18 = vector.broadcast %broadcast_in_dim3A_17 : vector<2048x1xi32> to vector<2048x8xi32>
    %eq3A_19 = arith.cmpi eq, %iota3A, %eq3A_18 : vector<2048x8xi32>
    %jit3A_20 = arith.constant -1.000000e+00 : f32
    %broadcast_in_dim3A_21 = vector.broadcast %jit3A_20 : f32 to vector<2048x8xf32>
    %select_n3A_22 = arith.select %eq3A_19, %broadcast_in_dim3A_21, %div3A_10 : vector<2048x8xi1>, vector<2048x8xf32>
    %reduce_max3A_23 = arith.constant dense<0xFF800000> : vector<2048xf32>
    %reduce_max3A_24 = vector.multi_reduction <maximumf>, %select_n3A_22, %reduce_max3A_23 [1] : vector<2048x8xf32> to vector<2048xf32>
    %broadcast_in_dim3A_25 = vector.shape_cast %reduce_max3A_24 : vector<2048xf32> to vector<2048x1xf32>
    %eq3A_26 = vector.broadcast %broadcast_in_dim3A_25 : vector<2048x1xf32> to vector<2048x8xf32>
    %eq3A_27 = arith.cmpf oeq, %select_n3A_22, %eq3A_26 : vector<2048x8xf32>
    %jit3A_28 = arith.constant 8 : i32
    %broadcast_in_dim3A_29 = vector.broadcast %jit3A_28 : i32 to vector<2048x8xi32>
    %select_n3A_30 = arith.select %eq3A_27, %iota3A, %broadcast_in_dim3A_29 : vector<2048x8xi1>, vector<2048x8xi32>
    %reduce_min3A_31 = arith.constant dense<2147483647> : vector<2048xi32>
    %reduce_min3A_32 = vector.multi_reduction <minsi>, %select_n3A_30, %reduce_min3A_31 [1] : vector<2048x8xi32> to vector<2048xi32>
    %broadcast_in_dim3A_33 = vector.shape_cast %reduce_min3A_32 : vector<2048xi32> to vector<2048x1xi32>
    %add3A = arith.addf %broadcast_in_dim3A_13, %broadcast_in_dim3A_25 : vector<2048x1xf32>
    %add3A_34 = arith.constant 9.99999971E-10 : f32
    %add3A_35 = vector.broadcast %add3A_34 : f32 to vector<2048x1xf32>
    %add3A_36 = arith.addf %add3A, %add3A_35 : vector<2048x1xf32>
    %div3A_37 = arith.divf %broadcast_in_dim3A_13, %add3A_36 : vector<2048x1xf32>
    %div3A_38 = arith.divf %broadcast_in_dim3A_25, %add3A_36 : vector<2048x1xf32>
    %eq3A_39 = vector.broadcast %broadcast_in_dim3A_17 : vector<2048x1xi32> to vector<2048x8xi32>
    %eq3A_40 = arith.cmpi eq, %iota3A, %eq3A_39 : vector<2048x8xi32>
    %convert_element_type3A = arith.extui %eq3A_40 : vector<2048x8xi1> to vector<2048x8xi32>
    %convert_element_type3A_41 = arith.sitofp %convert_element_type3A : vector<2048x8xi32> to vector<2048x8xf32>
    %eq3A_42 = vector.broadcast %broadcast_in_dim3A_33 : vector<2048x1xi32> to vector<2048x8xi32>
    %eq3A_43 = arith.cmpi eq, %iota3A, %eq3A_42 : vector<2048x8xi32>
    %convert_element_type3A_44 = arith.extui %eq3A_43 : vector<2048x8xi1> to vector<2048x8xi32>
    %convert_element_type3A_45 = arith.sitofp %convert_element_type3A_44 : vector<2048x8xi32> to vector<2048x8xf32>
    %concatenate3A = tpu.concatenate %convert_element_type3A_41, %convert_element_type3A_45 in 0 : vector<2048x8xf32>, vector<2048x8xf32> -> vector<4096x8xf32>
    %iota3A_46 = tpu.iota {dimensions = array<i32: 0>} : vector<512x512xi32>
    %iota3A_47 = tpu.iota {dimensions = array<i32: 1>} : vector<512x512xi32>
    %lt3A = arith.cmpi slt, %iota3A_47, %iota3A_46 : vector<512x512xi32>
    %convert_element_type3A_48 = arith.extui %lt3A : vector<512x512xi1> to vector<512x512xi32>
    %convert_element_type3A_49 = arith.sitofp %convert_element_type3A_48 : vector<512x512xi32> to vector<512x512xf32>
    %broadcast_in_dim3A_50 = arith.constant 0.000000e+00 : f32
    %broadcast_in_dim3A_51 = vector.broadcast %broadcast_in_dim3A_50 : f32 to vector<1x8xf32>
    %slice3A = vector.extract_strided_slice %concatenate3A {offsets = [0, 0], sizes = [512, 8], strides = [1, 1]} : vector<4096x8xf32> to vector<512x8xf32>
    %dot_general3A_52 = arith.constant dense<0.000000e+00> : vector<512x8xf32>
    %dot_general3A_53 = tpu.matmul %convert_element_type3A_49, %slice3A, %dot_general3A_52 {dimension_numbers = #tpu.dot_dimension_numbers<[1], [0], [0], [1], [0, 0, 1, 1], [], []>, transpose_lhs_hint = false} : vector<512x512xf32>, vector<512x8xf32>, vector<512x8xf32> -> vector<512x8xf32>
    %add3A_54 = vector.broadcast %broadcast_in_dim3A_51 : vector<1x8xf32> to vector<512x8xf32>
    %add3A_55 = arith.addf %dot_general3A_53, %add3A_54 : vector<512x8xf32>
    %reduce_sum3A_56 = arith.constant dense<0.000000e+00> : vector<8xf32>
    %reduce_sum3A_57 = vector.multi_reduction <add>, %slice3A, %reduce_sum3A_56 [0] : vector<512x8xf32> to vector<8xf32>
    %broadcast_in_dim3A_58 = vector.shape_cast %reduce_sum3A_57 : vector<8xf32> to vector<1x8xf32>
    %add3A_59 = arith.addf %broadcast_in_dim3A_51, %broadcast_in_dim3A_58 : vector<1x8xf32>
    %slice3A_60 = vector.extract_strided_slice %concatenate3A {offsets = [512, 0], sizes = [512, 8], strides = [1, 1]} : vector<4096x8xf32> to vector<512x8xf32>
    %dot_general3A_61 = arith.constant dense<0.000000e+00> : vector<512x8xf32>
    %dot_general3A_62 = tpu.matmul %convert_element_type3A_49, %slice3A_60, %dot_general3A_61 {dimension_numbers = #tpu.dot_dimension_numbers<[1], [0], [0], [1], [0, 0, 1, 1], [], []>, transpose_lhs_hint = false} : vector<512x512xf32>, vector<512x8xf32>, vector<512x8xf32> -> vector<512x8xf32>
    %add3A_63 = vector.broadcast %add3A_59 : vector<1x8xf32> to vector<512x8xf32>
    %add3A_64 = arith.addf %dot_general3A_62, %add3A_63 : vector<512x8xf32>
    %reduce_sum3A_65 = arith.constant dense<0.000000e+00> : vector<8xf32>
    %reduce_sum3A_66 = vector.multi_reduction <add>, %slice3A_60, %reduce_sum3A_65 [0] : vector<512x8xf32> to vector<8xf32>
    %broadcast_in_dim3A_67 = vector.shape_cast %reduce_sum3A_66 : vector<8xf32> to vector<1x8xf32>
    %add3A_68 = arith.addf %add3A_59, %broadcast_in_dim3A_67 : vector<1x8xf32>
    %slice3A_69 = vector.extract_strided_slice %concatenate3A {offsets = [1024, 0], sizes = [512, 8], strides = [1, 1]} : vector<4096x8xf32> to vector<512x8xf32>
    %dot_general3A_70 = arith.constant dense<0.000000e+00> : vector<512x8xf32>
    %dot_general3A_71 = tpu.matmul %convert_element_type3A_49, %slice3A_69, %dot_general3A_70 {dimension_numbers = #tpu.dot_dimension_numbers<[1], [0], [0], [1], [0, 0, 1, 1], [], []>, transpose_lhs_hint = false} : vector<512x512xf32>, vector<512x8xf32>, vector<512x8xf32> -> vector<512x8xf32>
    %add3A_72 = vector.broadcast %add3A_68 : vector<1x8xf32> to vector<512x8xf32>
    %add3A_73 = arith.addf %dot_general3A_71, %add3A_72 : vector<512x8xf32>
    %reduce_sum3A_74 = arith.constant dense<0.000000e+00> : vector<8xf32>
    %reduce_sum3A_75 = vector.multi_reduction <add>, %slice3A_69, %reduce_sum3A_74 [0] : vector<512x8xf32> to vector<8xf32>
    %broadcast_in_dim3A_76 = vector.shape_cast %reduce_sum3A_75 : vector<8xf32> to vector<1x8xf32>
    %add3A_77 = arith.addf %add3A_68, %broadcast_in_dim3A_76 : vector<1x8xf32>
    %slice3A_78 = vector.extract_strided_slice %concatenate3A {offsets = [1536, 0], sizes = [512, 8], strides = [1, 1]} : vector<4096x8xf32> to vector<512x8xf32>
    %dot_general3A_79 = arith.constant dense<0.000000e+00> : vector<512x8xf32>
    %dot_general3A_80 = tpu.matmul %convert_element_type3A_49, %slice3A_78, %dot_general3A_79 {dimension_numbers = #tpu.dot_dimension_numbers<[1], [0], [0], [1], [0, 0, 1, 1], [], []>, transpose_lhs_hint = false} : vector<512x512xf32>, vector<512x8xf32>, vector<512x8xf32> -> vector<512x8xf32>
    %add3A_81 = vector.broadcast %add3A_77 : vector<1x8xf32> to vector<512x8xf32>
    %add3A_82 = arith.addf %dot_general3A_80, %add3A_81 : vector<512x8xf32>
    %reduce_sum3A_83 = arith.constant dense<0.000000e+00> : vector<8xf32>
    %reduce_sum3A_84 = vector.multi_reduction <add>, %slice3A_78, %reduce_sum3A_83 [0] : vector<512x8xf32> to vector<8xf32>
    %broadcast_in_dim3A_85 = vector.shape_cast %reduce_sum3A_84 : vector<8xf32> to vector<1x8xf32>
    %add3A_86 = arith.addf %add3A_77, %broadcast_in_dim3A_85 : vector<1x8xf32>
    %slice3A_87 = vector.extract_strided_slice %concatenate3A {offsets = [2048, 0], sizes = [512, 8], strides = [1, 1]} : vector<4096x8xf32> to vector<512x8xf32>
    %dot_general3A_88 = arith.constant dense<0.000000e+00> : vector<512x8xf32>
    %dot_general3A_89 = tpu.matmul %convert_element_type3A_49, %slice3A_87, %dot_general3A_88 {dimension_numbers = #tpu.dot_dimension_numbers<[1], [0], [0], [1], [0, 0, 1, 1], [], []>, transpose_lhs_hint = false} : vector<512x512xf32>, vector<512x8xf32>, vector<512x8xf32> -> vector<512x8xf32>
    %add3A_90 = vector.broadcast %add3A_86 : vector<1x8xf32> to vector<512x8xf32>
    %add3A_91 = arith.addf %dot_general3A_89, %add3A_90 : vector<512x8xf32>
    %reduce_sum3A_92 = arith.constant dense<0.000000e+00> : vector<8xf32>
    %reduce_sum3A_93 = vector.multi_reduction <add>, %slice3A_87, %reduce_sum3A_92 [0] : vector<512x8xf32> to vector<8xf32>
    %broadcast_in_dim3A_94 = vector.shape_cast %reduce_sum3A_93 : vector<8xf32> to vector<1x8xf32>
    %add3A_95 = arith.addf %add3A_86, %broadcast_in_dim3A_94 : vector<1x8xf32>
    %slice3A_96 = vector.extract_strided_slice %concatenate3A {offsets = [2560, 0], sizes = [512, 8], strides = [1, 1]} : vector<4096x8xf32> to vector<512x8xf32>
    %dot_general3A_97 = arith.constant dense<0.000000e+00> : vector<512x8xf32>
    %dot_general3A_98 = tpu.matmul %convert_element_type3A_49, %slice3A_96, %dot_general3A_97 {dimension_numbers = #tpu.dot_dimension_numbers<[1], [0], [0], [1], [0, 0, 1, 1], [], []>, transpose_lhs_hint = false} : vector<512x512xf32>, vector<512x8xf32>, vector<512x8xf32> -> vector<512x8xf32>
    %add3A_99 = vector.broadcast %add3A_95 : vector<1x8xf32> to vector<512x8xf32>
    %add3A_100 = arith.addf %dot_general3A_98, %add3A_99 : vector<512x8xf32>
    %reduce_sum3A_101 = arith.constant dense<0.000000e+00> : vector<8xf32>
    %reduce_sum3A_102 = vector.multi_reduction <add>, %slice3A_96, %reduce_sum3A_101 [0] : vector<512x8xf32> to vector<8xf32>
    %broadcast_in_dim3A_103 = vector.shape_cast %reduce_sum3A_102 : vector<8xf32> to vector<1x8xf32>
    %add3A_104 = arith.addf %add3A_95, %broadcast_in_dim3A_103 : vector<1x8xf32>
    %slice3A_105 = vector.extract_strided_slice %concatenate3A {offsets = [3072, 0], sizes = [512, 8], strides = [1, 1]} : vector<4096x8xf32> to vector<512x8xf32>
    %dot_general3A_106 = arith.constant dense<0.000000e+00> : vector<512x8xf32>
    %dot_general3A_107 = tpu.matmul %convert_element_type3A_49, %slice3A_105, %dot_general3A_106 {dimension_numbers = #tpu.dot_dimension_numbers<[1], [0], [0], [1], [0, 0, 1, 1], [], []>, transpose_lhs_hint = false} : vector<512x512xf32>, vector<512x8xf32>, vector<512x8xf32> -> vector<512x8xf32>
    %add3A_108 = vector.broadcast %add3A_104 : vector<1x8xf32> to vector<512x8xf32>
    %add3A_109 = arith.addf %dot_general3A_107, %add3A_108 : vector<512x8xf32>
    %reduce_sum3A_110 = arith.constant dense<0.000000e+00> : vector<8xf32>
    %reduce_sum3A_111 = vector.multi_reduction <add>, %slice3A_105, %reduce_sum3A_110 [0] : vector<512x8xf32> to vector<8xf32>
    %broadcast_in_dim3A_112 = vector.shape_cast %reduce_sum3A_111 : vector<8xf32> to vector<1x8xf32>
    %add3A_113 = arith.addf %add3A_104, %broadcast_in_dim3A_112 : vector<1x8xf32>
    %slice3A_114 = vector.extract_strided_slice %concatenate3A {offsets = [3584, 0], sizes = [512, 8], strides = [1, 1]} : vector<4096x8xf32> to vector<512x8xf32>
    %dot_general3A_115 = arith.constant dense<0.000000e+00> : vector<512x8xf32>
    %dot_general3A_116 = tpu.matmul %convert_element_type3A_49, %slice3A_114, %dot_general3A_115 {dimension_numbers = #tpu.dot_dimension_numbers<[1], [0], [0], [1], [0, 0, 1, 1], [], []>, transpose_lhs_hint = false} : vector<512x512xf32>, vector<512x8xf32>, vector<512x8xf32> -> vector<512x8xf32>
    %add3A_117 = vector.broadcast %add3A_113 : vector<1x8xf32> to vector<512x8xf32>
    %add3A_118 = arith.addf %dot_general3A_116, %add3A_117 : vector<512x8xf32>
    %reduce_sum3A_119 = arith.constant dense<0.000000e+00> : vector<8xf32>
    %reduce_sum3A_120 = vector.multi_reduction <add>, %slice3A_114, %reduce_sum3A_119 [0] : vector<512x8xf32> to vector<8xf32>
    %broadcast_in_dim3A_121 = vector.shape_cast %reduce_sum3A_120 : vector<8xf32> to vector<1x8xf32>
    %add3A_122 = arith.addf %add3A_113, %broadcast_in_dim3A_121 : vector<1x8xf32>
    %concatenate3A_123 = tpu.concatenate %add3A_55, %add3A_64, %add3A_73, %add3A_82, %add3A_91, %add3A_100, %add3A_109, %add3A_118 in 0 : vector<512x8xf32>, vector<512x8xf32>, vector<512x8xf32>, vector<512x8xf32>, vector<512x8xf32>, vector<512x8xf32>, vector<512x8xf32>, vector<512x8xf32> -> vector<4096x8xf32>
    %convert_element_type3A_124 = arith.fptosi %add3A_122 : vector<1x8xf32> to vector<1x8xi32>
    %add3A_125 = arith.constant 256 : i32
    %add3A_126 = vector.broadcast %add3A_125 : i32 to vector<1x8xi32>
    %add3A_127 = arith.addi %convert_element_type3A_124, %add3A_126 : vector<1x8xi32>
    %sub3A_128 = arith.constant 1 : i32
    %sub3A_129 = vector.broadcast %sub3A_128 : i32 to vector<1x8xi32>
    %sub3A_130 = arith.subi %add3A_127, %sub3A_129 : vector<1x8xi32>
    %jit3A_131 = arith.constant 256 : i32
    %div3A_132 = vector.broadcast %jit3A_131 : i32 to vector<1x8xi32>
    %div3A_133 = arith.divsi %sub3A_130, %div3A_132 : vector<1x8xi32>
    %sign3A = arith.constant 0 : i32
    %sign3A_134 = vector.broadcast %sign3A : i32 to vector<1x8xi32>
    %sign3A_135 = arith.cmpi sgt, %sub3A_130, %sign3A_134 : vector<1x8xi32>
    %sign3A_136 = arith.extui %sign3A_135 : vector<1x8xi1> to vector<1x8xi32>
    %sign3A_137 = arith.constant 0 : i32
    %sign3A_138 = vector.broadcast %sign3A_137 : i32 to vector<1x8xi32>
    %sign3A_139 = arith.cmpi slt, %sub3A_130, %sign3A_138 : vector<1x8xi32>
    %sign3A_140 = arith.extui %sign3A_139 : vector<1x8xi1> to vector<1x8xi32>
    %sign3A_141 = arith.subi %sign3A_136, %sign3A_140 : vector<1x8xi32>
    %sign3A_142 = arith.constant 0 : i32
    %sign3A_143 = arith.cmpi sgt, %jit3A_131, %sign3A_142 : i32
    %sign3A_144 = arith.extui %sign3A_143 : i1 to i32
    %sign3A_145 = arith.constant 0 : i32
    %sign3A_146 = arith.cmpi slt, %jit3A_131, %sign3A_145 : i32
    %sign3A_147 = arith.extui %sign3A_146 : i1 to i32
    %sign3A_148 = arith.subi %sign3A_144, %sign3A_147 : i32
    %ne3A = vector.broadcast %sign3A_148 : i32 to vector<1x8xi32>
    %ne3A_149 = arith.cmpi ne, %sign3A_141, %ne3A : vector<1x8xi32>
    %rem3A = vector.broadcast %jit3A_131 : i32 to vector<1x8xi32>
    %rem3A_150 = arith.remsi %sub3A_130, %rem3A : vector<1x8xi32>
    %ne3A_151 = arith.constant 0 : i32
    %ne3A_152 = vector.broadcast %ne3A_151 : i32 to vector<1x8xi32>
    %ne3A_153 = arith.cmpi ne, %rem3A_150, %ne3A_152 : vector<1x8xi32>
    %and3A = arith.andi %ne3A_149, %ne3A_153 : vector<1x8xi1>
    %sub3A_154 = arith.constant 1 : i32
    %sub3A_155 = vector.broadcast %sub3A_154 : i32 to vector<1x8xi32>
    %sub3A_156 = arith.subi %div3A_133, %sub3A_155 : vector<1x8xi32>
    %select_n3A_157 = arith.select %and3A, %sub3A_156, %div3A_133 : vector<1x8xi1>, vector<1x8xi32>
    %mul3A = arith.constant 256 : i32
    %mul3A_158 = vector.broadcast %mul3A : i32 to vector<1x8xi32>
    %mul3A_159 = arith.muli %select_n3A_157, %mul3A_158 : vector<1x8xi32>
    %convert_element_type3A_160 = arith.sitofp %mul3A_159 : vector<1x8xi32> to vector<1x8xf32>
    %iota3A_161 = tpu.iota {dimensions = array<i32: 0>} : vector<8x8xi32>
    %iota3A_162 = tpu.iota {dimensions = array<i32: 1>} : vector<8x8xi32>
    %lt3A_163 = arith.cmpi slt, %iota3A_161, %iota3A_162 : vector<8x8xi32>
    %convert_element_type3A_164 = arith.extui %lt3A_163 : vector<8x8xi1> to vector<8x8xi32>
    %convert_element_type3A_165 = arith.sitofp %convert_element_type3A_164 : vector<8x8xi32> to vector<8x8xf32>
    %dot_general3A_166 = arith.constant dense<0.000000e+00> : vector<1x8xf32>
    %dot_general3A_167 = tpu.matmul %convert_element_type3A_160, %convert_element_type3A_165, %dot_general3A_166 {dimension_numbers = #tpu.dot_dimension_numbers<[1], [0], [0], [1], [0, 0, 1, 1], [], []>, transpose_lhs_hint = false} : vector<1x8xf32>, vector<8x8xf32>, vector<1x8xf32> -> vector<1x8xf32>
    %add3A_168 = vector.broadcast %dot_general3A_167 : vector<1x8xf32> to vector<4096x8xf32>
    %add3A_169 = arith.addf %concatenate3A_123, %add3A_168 : vector<4096x8xf32>
    %mul3A_170 = arith.mulf %concatenate3A, %add3A_169 : vector<4096x8xf32>
    %reduce_sum3A_171 = arith.constant dense<0.000000e+00> : vector<4096xf32>
    %reduce_sum3A_172 = vector.multi_reduction <add>, %mul3A_170, %reduce_sum3A_171 [1] : vector<4096x8xf32> to vector<4096xf32>
    %broadcast_in_dim3A_173 = vector.shape_cast %reduce_sum3A_172 : vector<4096xf32> to vector<4096x1xf32>
    %convert_element_type3A_174 = arith.fptosi %broadcast_in_dim3A_173 : vector<4096x1xf32> to vector<4096x1xi32>
    %swap3A = arith.constant 0 : index
    %swap3A_175 = arith.constant 0 : index
    %swap3A_176 = vector.load %arg2[%swap3A, %swap3A_175] : memref<4096x1xi32, #tpu.memory_space<vmem>>, vector<4096x1xi32>
    tpu.vector_store %arg2[%swap3A, %swap3A_175], %convert_element_type3A_174 {strides = array<i32>} : memref<4096x1xi32, #tpu.memory_space<vmem>>, vector<4096x1xi32>,
    %concatenate3A_177 = tpu.concatenate %div3A_37, %div3A_38 in 0 : vector<2048x1xf32>, vector<2048x1xf32> -> vector<4096x1xf32>
    %broadcast_in_dim3A_178 = vector.shape_cast %concatenate3A_177 : vector<4096x1xf32> to vector<4096x1xf32>
    %broadcast_in_dim3A_179 = vector.broadcast %broadcast_in_dim3A_178 : vector<4096x1xf32> to vector<4096x16xf32>
    %swap3A_180 = arith.constant 0 : index
    %swap3A_181 = arith.constant 0 : index
    %swap3A_182 = vector.load %arg3[%swap3A_180, %swap3A_181] : memref<4096x16xf32, #tpu.memory_space<vmem>>, vector<4096x16xf32>
    tpu.vector_store %arg3[%swap3A_180, %swap3A_181], %broadcast_in_dim3A_179 {strides = array<i32>} : memref<4096x16xf32, #tpu.memory_space<vmem>>, vector<4096x16xf32>,
    %iota3A_183 = tpu.iota {dimensions = array<i32: 0>} : vector<24x1xi32>
    %convert_element_type3A_184 = arith.fptosi %dot_general3A_167 : vector<1x8xf32> to vector<1x8xi32>
    %add3A_185 = arith.addi %convert_element_type3A_184, %mul3A_159 : vector<1x8xi32>
    %jit3A_186 = arith.constant 256 : i32
    %div3A_187 = vector.broadcast %jit3A_186 : i32 to vector<1x8xi32>
    %div3A_188 = arith.divsi %add3A_185, %div3A_187 : vector<1x8xi32>
    %sign3A_189 = arith.constant 0 : i32
    %sign3A_190 = vector.broadcast %sign3A_189 : i32 to vector<1x8xi32>
    %sign3A_191 = arith.cmpi sgt, %add3A_185, %sign3A_190 : vector<1x8xi32>
    %sign3A_192 = arith.extui %sign3A_191 : vector<1x8xi1> to vector<1x8xi32>
    %sign3A_193 = arith.constant 0 : i32
    %sign3A_194 = vector.broadcast %sign3A_193 : i32 to vector<1x8xi32>
    %sign3A_195 = arith.cmpi slt, %add3A_185, %sign3A_194 : vector<1x8xi32>
    %sign3A_196 = arith.extui %sign3A_195 : vector<1x8xi1> to vector<1x8xi32>
    %sign3A_197 = arith.subi %sign3A_192, %sign3A_196 : vector<1x8xi32>
    %sign3A_198 = arith.constant 0 : i32
    %sign3A_199 = arith.cmpi sgt, %jit3A_186, %sign3A_198 : i32
    %sign3A_200 = arith.extui %sign3A_199 : i1 to i32
    %sign3A_201 = arith.constant 0 : i32
    %sign3A_202 = arith.cmpi slt, %jit3A_186, %sign3A_201 : i32
    %sign3A_203 = arith.extui %sign3A_202 : i1 to i32
    %sign3A_204 = arith.subi %sign3A_200, %sign3A_203 : i32
    %ne3A_205 = vector.broadcast %sign3A_204 : i32 to vector<1x8xi32>
    %ne3A_206 = arith.cmpi ne, %sign3A_197, %ne3A_205 : vector<1x8xi32>
    %rem3A_207 = vector.broadcast %jit3A_186 : i32 to vector<1x8xi32>
    %rem3A_208 = arith.remsi %add3A_185, %rem3A_207 : vector<1x8xi32>
    %ne3A_209 = arith.constant 0 : i32
    %ne3A_210 = vector.broadcast %ne3A_209 : i32 to vector<1x8xi32>
    %ne3A_211 = arith.cmpi ne, %rem3A_208, %ne3A_210 : vector<1x8xi32>
    %and3A_212 = arith.andi %ne3A_206, %ne3A_211 : vector<1x8xi1>
    %sub3A_213 = arith.constant 1 : i32
    %sub3A_214 = vector.broadcast %sub3A_213 : i32 to vector<1x8xi32>
    %sub3A_215 = arith.subi %div3A_188, %sub3A_214 : vector<1x8xi32>
    %select_n3A_216 = arith.select %and3A_212, %sub3A_215, %div3A_188 : vector<1x8xi1>, vector<1x8xi32>
    %ge3A = vector.broadcast %iota3A_183 : vector<24x1xi32> to vector<24x8xi32>
    %ge3A_217 = vector.broadcast %select_n3A_216 : vector<1x8xi32> to vector<24x8xi32>
    %ge3A_218 = arith.cmpi sge, %ge3A, %ge3A_217 : vector<24x8xi32>
    %convert_element_type3A_219 = arith.extui %ge3A_218 : vector<24x8xi1> to vector<24x8xi32>
    %reduce_sum3A_220 = arith.constant dense<0> : vector<24xi32>
    %reduce_sum3A_221 = vector.multi_reduction <add>, %convert_element_type3A_219, %reduce_sum3A_220 [1] : vector<24x8xi32> to vector<24xi32>
    %broadcast_in_dim3A_222 = vector.shape_cast %reduce_sum3A_221 : vector<24xi32> to vector<24x1xi32>
    %min3A = arith.constant 7 : i32
    %min3A_223 = vector.broadcast %min3A : i32 to vector<24x1xi32>
    %min3A_224 = arith.minsi %broadcast_in_dim3A_222, %min3A_223 : vector<24x1xi32>
    %swap3A_225 = arith.constant 0 : index
    %swap3A_226 = arith.constant 0 : index
    %swap3A_227 = vector.load %arg4[%swap3A_225, %swap3A_226] : memref<24x1xi32, #tpu.memory_space<vmem>>, vector<24x1xi32>
    tpu.vector_store %arg4[%swap3A_225, %swap3A_226], %min3A_224 {strides = array<i32>} : memref<24x1xi32, #tpu.memory_space<vmem>>, vector<24x1xi32>,
    %reduce_sum3A_228 = arith.constant dense<0.000000e+00> : vector<8xf32>
    %reduce_sum3A_229 = vector.multi_reduction <add>, %convert_element_type3A_41, %reduce_sum3A_228 [0] : vector<2048x8xf32> to vector<8xf32>
    %broadcast_in_dim3A_230 = vector.shape_cast %reduce_sum3A_229 : vector<8xf32> to vector<1x8xf32>
    %reduce_sum3A_231 = arith.constant dense<0.000000e+00> : vector<8xf32>
    %reduce_sum3A_232 = vector.multi_reduction <add>, %div3A_10, %reduce_sum3A_231 [0] : vector<2048x8xf32> to vector<8xf32>
    %broadcast_in_dim3A_233 = vector.shape_cast %reduce_sum3A_232 : vector<8xf32> to vector<1x8xf32>
    %mul3A_234 = arith.constant 4.8828125E-4 : f32
    %mul3A_235 = vector.broadcast %mul3A_234 : f32 to vector<1x8xf32>
    %mul3A_236 = arith.mulf %broadcast_in_dim3A_233, %mul3A_235 : vector<1x8xf32>
    %mul3A_237 = arith.mulf %broadcast_in_dim3A_230, %mul3A_236 : vector<1x8xf32>
    %reduce_sum3A_238 = arith.constant dense<0.000000e+00> : vector<1xf32>
    %reduce_sum3A_239 = vector.multi_reduction <add>, %mul3A_237, %reduce_sum3A_238 [1] : vector<1x8xf32> to vector<1xf32>
    %broadcast_in_dim3A_240 = vector.shape_cast %reduce_sum3A_239 : vector<1xf32> to vector<1x1xf32>
    %mul3A_241 = arith.constant 3.906250e-03 : f32
    %mul3A_242 = vector.broadcast %mul3A_241 : f32 to vector<1x1xf32>
    %mul3A_243 = arith.mulf %broadcast_in_dim3A_240, %mul3A_242 : vector<1x1xf32>
    %swap3A_244 = arith.constant 0 : index
    %swap3A_245 = arith.constant 0 : index
    %swap3A_246 = vector.load %arg5[%swap3A_244, %swap3A_245] : memref<1x1xf32, #tpu.memory_space<vmem>>, vector<1x1xf32>
    tpu.vector_store %arg5[%swap3A_244, %swap3A_245], %mul3A_243 {strides = array<i32>} : memref<1x1xf32, #tpu.memory_space<vmem>>, vector<1x1xf32>,
    return
  }
}

module attributes {stable_mosaic.version = 14 : i64} {
  func.func @_ffn_body(%arg0: i32, %arg1: memref<24xi32, #tpu.memory_space<smem>>, %arg2: memref<256x768xf32, #tpu.memory_space<vmem>>, %arg3: memref<8x3072x768xf32, #tpu.memory_space<hbm>>, %arg4: memref<8x3072x768xf32, #tpu.memory_space<hbm>>, %arg5: memref<8x768x3072xf32, #tpu.memory_space<hbm>>, %arg6: memref<1x1x3072xf32, #tpu.memory_space<vmem>>, %arg7: memref<1x1x3072xf32, #tpu.memory_space<vmem>>, %arg8: memref<1x1x768xf32, #tpu.memory_space<vmem>>, %arg9: memref<256x768xf32, #tpu.memory_space<vmem>>, %arg10: memref<3072x768xf32, #tpu.memory_space<vmem>>, %arg11: memref<3072x768xf32, #tpu.memory_space<vmem>>, %arg12: memref<768x3072xf32, #tpu.memory_space<vmem>>, %arg13: memref<3072x768xbf16, #tpu.memory_space<vmem>>, %arg14: memref<3072x768xbf16, #tpu.memory_space<vmem>>, %arg15: memref<768x3072xbf16, #tpu.memory_space<vmem>>, %arg16: memref<3x!tpu.dma_semaphore, #tpu.memory_space<semaphore_mem>>) attributes {dimension_semantics = [#tpu.dimension_semantics<arbitrary>], iteration_bounds = array<i64: 24>, scalar_prefetch = 1 : i64, scratch_operands = 7 : i64, tpu.core_type = #tpu.core_type<tc>, window_params = [{transform_indices = @transform_0, window_bounds = array<i64: 256, 768>}, {}, {}, {}, {transform_indices = @transform_4, window_bounds = array<i64: 1, 1, 3072>}, {transform_indices = @transform_5, window_bounds = array<i64: 1, 1, 3072>}, {transform_indices = @transform_6, window_bounds = array<i64: 1, 1, 768>}, {transform_indices = @transform_7, window_bounds = array<i64: 256, 768>}]} {
    %get3A = arith.index_cast %arg0 : i32 to index
    %get3A_0 = memref.load %arg1[%get3A] : memref<24xi32, #tpu.memory_space<smem>>
    %sub3A = arith.constant 1 : i32
    %sub3A_1 = arith.subi %arg0, %sub3A : i32
    %max3A = arith.constant 0 : i32
    %max3A_2 = arith.maxsi %sub3A_1, %max3A : i32
    %get3A_3 = arith.index_cast %max3A_2 : i32 to index
    %get3A_4 = memref.load %arg1[%get3A_3] : memref<24xi32, #tpu.memory_space<smem>>
    %eq3A = arith.constant 0 : i32
    %eq3A_5 = arith.cmpi eq, %arg0, %eq3A : i32
    %ne3A = arith.cmpi ne, %get3A_0, %get3A_4 : i32
    %or3A = arith.ori %eq3A_5, %ne3A : i1
    %eq3A_6 = arith.constant 0 : i32
    %eq3A_7 = arith.cmpi eq, %arg0, %eq3A_6 : i32
    %convert_element_type3A = arith.extui %eq3A_7 : i1 to i32
    %cond3A = arith.constant 0 : i32
    %cond3A_8 = arith.cmpi ne, %convert_element_type3A, %cond3A : i32
    scf.if %cond3A_8 {
      %dma_start3A = arith.constant 0 : i32
      %dma_start3A_59 = tpu.memref_slice %arg16[%dma_start3A] : memref<3x!tpu.dma_semaphore, #tpu.memory_space<semaphore_mem>> -> memref<1x!tpu.dma_semaphore, #tpu.memory_space<semaphore_mem>>
      %dma_start3A_60 = tpu.memref_squeeze %dma_start3A_59 : memref<1x!tpu.dma_semaphore, #tpu.memory_space<semaphore_mem>> -> memref<!tpu.dma_semaphore, #tpu.memory_space<semaphore_mem>>
      %dma_start3A_61 = arith.constant 0 : i32
      %dma_start3A_62 = arith.constant 0 : i32
      %dma_start3A_63 = tpu.memref_slice %arg10[%dma_start3A_61, %dma_start3A_62] : memref<3072x768xf32, #tpu.memory_space<vmem>> -> memref<768x768xf32, #tpu.memory_space<vmem>>
      %dma_start3A_64 = arith.constant 0 : i32
      %dma_start3A_65 = arith.constant 0 : i32
      %dma_start3A_66 = tpu.memref_slice %arg3[%get3A_0, %dma_start3A_64, %dma_start3A_65] : memref<8x3072x768xf32, #tpu.memory_space<hbm>> -> memref<1x768x768xf32, #tpu.memory_space<hbm>>
      %dma_start3A_67 = tpu.memref_squeeze %dma_start3A_66 : memref<1x768x768xf32, #tpu.memory_space<hbm>> -> memref<768x768xf32, #tpu.memory_space<hbm>>
      tpu.enqueue_dma source(%dma_start3A_67 : memref<768x768xf32, #tpu.memory_space<hbm>>) target(%dma_start3A_63 : memref<768x768xf32, #tpu.memory_space<vmem>>) target_semaphore(%dma_start3A_60 : memref<!tpu.dma_semaphore, #tpu.memory_space<semaphore_mem>>)
      %dma_start3A_68 = arith.constant 0 : i32
      %dma_start3A_69 = tpu.memref_slice %arg16[%dma_start3A_68] : memref<3x!tpu.dma_semaphore, #tpu.memory_space<semaphore_mem>> -> memref<1x!tpu.dma_semaphore, #tpu.memory_space<semaphore_mem>>
      %dma_start3A_70 = tpu.memref_squeeze %dma_start3A_69 : memref<1x!tpu.dma_semaphore, #tpu.memory_space<semaphore_mem>> -> memref<!tpu.dma_semaphore, #tpu.memory_space<semaphore_mem>>
      %dma_start3A_71 = arith.constant 768 : i32
      %dma_start3A_72 = arith.constant 0 : i32
      %dma_start3A_73 = tpu.memref_slice %arg10[%dma_start3A_71, %dma_start3A_72] : memref<3072x768xf32, #tpu.memory_space<vmem>> -> memref<768x768xf32, #tpu.memory_space<vmem>>
      %dma_start3A_74 = arith.constant 768 : i32
      %dma_start3A_75 = arith.constant 0 : i32
      %dma_start3A_76 = tpu.memref_slice %arg3[%get3A_0, %dma_start3A_74, %dma_start3A_75] : memref<8x3072x768xf32, #tpu.memory_space<hbm>> -> memref<1x768x768xf32, #tpu.memory_space<hbm>>
      %dma_start3A_77 = tpu.memref_squeeze %dma_start3A_76 : memref<1x768x768xf32, #tpu.memory_space<hbm>> -> memref<768x768xf32, #tpu.memory_space<hbm>>
      tpu.enqueue_dma source(%dma_start3A_77 : memref<768x768xf32, #tpu.memory_space<hbm>>) target(%dma_start3A_73 : memref<768x768xf32, #tpu.memory_space<vmem>>) target_semaphore(%dma_start3A_70 : memref<!tpu.dma_semaphore, #tpu.memory_space<semaphore_mem>>)
      %dma_start3A_78 = arith.constant 0 : i32
      %dma_start3A_79 = tpu.memref_slice %arg16[%dma_start3A_78] : memref<3x!tpu.dma_semaphore, #tpu.memory_space<semaphore_mem>> -> memref<1x!tpu.dma_semaphore, #tpu.memory_space<semaphore_mem>>
      %dma_start3A_80 = tpu.memref_squeeze %dma_start3A_79 : memref<1x!tpu.dma_semaphore, #tpu.memory_space<semaphore_mem>> -> memref<!tpu.dma_semaphore, #tpu.memory_space<semaphore_mem>>
      %dma_start3A_81 = arith.constant 1536 : i32
      %dma_start3A_82 = arith.constant 0 : i32
      %dma_start3A_83 = tpu.memref_slice %arg10[%dma_start3A_81, %dma_start3A_82] : memref<3072x768xf32, #tpu.memory_space<vmem>> -> memref<768x768xf32, #tpu.memory_space<vmem>>
      %dma_start3A_84 = arith.constant 1536 : i32
      %dma_start3A_85 = arith.constant 0 : i32
      %dma_start3A_86 = tpu.memref_slice %arg3[%get3A_0, %dma_start3A_84, %dma_start3A_85] : memref<8x3072x768xf32, #tpu.memory_space<hbm>> -> memref<1x768x768xf32, #tpu.memory_space<hbm>>
      %dma_start3A_87 = tpu.memref_squeeze %dma_start3A_86 : memref<1x768x768xf32, #tpu.memory_space<hbm>> -> memref<768x768xf32, #tpu.memory_space<hbm>>
      tpu.enqueue_dma source(%dma_start3A_87 : memref<768x768xf32, #tpu.memory_space<hbm>>) target(%dma_start3A_83 : memref<768x768xf32, #tpu.memory_space<vmem>>) target_semaphore(%dma_start3A_80 : memref<!tpu.dma_semaphore, #tpu.memory_space<semaphore_mem>>)
      %dma_start3A_88 = arith.constant 0 : i32
      %dma_start3A_89 = tpu.memref_slice %arg16[%dma_start3A_88] : memref<3x!tpu.dma_semaphore, #tpu.memory_space<semaphore_mem>> -> memref<1x!tpu.dma_semaphore, #tpu.memory_space<semaphore_mem>>
      %dma_start3A_90 = tpu.memref_squeeze %dma_start3A_89 : memref<1x!tpu.dma_semaphore, #tpu.memory_space<semaphore_mem>> -> memref<!tpu.dma_semaphore, #tpu.memory_space<semaphore_mem>>
      %dma_start3A_91 = arith.constant 2304 : i32
      %dma_start3A_92 = arith.constant 0 : i32
      %dma_start3A_93 = tpu.memref_slice %arg10[%dma_start3A_91, %dma_start3A_92] : memref<3072x768xf32, #tpu.memory_space<vmem>> -> memref<768x768xf32, #tpu.memory_space<vmem>>
      %dma_start3A_94 = arith.constant 2304 : i32
      %dma_start3A_95 = arith.constant 0 : i32
      %dma_start3A_96 = tpu.memref_slice %arg3[%get3A_0, %dma_start3A_94, %dma_start3A_95] : memref<8x3072x768xf32, #tpu.memory_space<hbm>> -> memref<1x768x768xf32, #tpu.memory_space<hbm>>
      %dma_start3A_97 = tpu.memref_squeeze %dma_start3A_96 : memref<1x768x768xf32, #tpu.memory_space<hbm>> -> memref<768x768xf32, #tpu.memory_space<hbm>>
      tpu.enqueue_dma source(%dma_start3A_97 : memref<768x768xf32, #tpu.memory_space<hbm>>) target(%dma_start3A_93 : memref<768x768xf32, #tpu.memory_space<vmem>>) target_semaphore(%dma_start3A_90 : memref<!tpu.dma_semaphore, #tpu.memory_space<semaphore_mem>>)
      %dma_start3A_98 = arith.constant 1 : i32
      %dma_start3A_99 = tpu.memref_slice %arg16[%dma_start3A_98] : memref<3x!tpu.dma_semaphore, #tpu.memory_space<semaphore_mem>> -> memref<1x!tpu.dma_semaphore, #tpu.memory_space<semaphore_mem>>
      %dma_start3A_100 = tpu.memref_squeeze %dma_start3A_99 : memref<1x!tpu.dma_semaphore, #tpu.memory_space<semaphore_mem>> -> memref<!tpu.dma_semaphore, #tpu.memory_space<semaphore_mem>>
      %dma_start3A_101 = arith.constant 0 : i32
      %dma_start3A_102 = arith.constant 0 : i32
      %dma_start3A_103 = tpu.memref_slice %arg11[%dma_start3A_101, %dma_start3A_102] : memref<3072x768xf32, #tpu.memory_space<vmem>> -> memref<768x768xf32, #tpu.memory_space<vmem>>
      %dma_start3A_104 = arith.constant 0 : i32
      %dma_start3A_105 = arith.constant 0 : i32
      %dma_start3A_106 = tpu.memref_slice %arg4[%get3A_0, %dma_start3A_104, %dma_start3A_105] : memref<8x3072x768xf32, #tpu.memory_space<hbm>> -> memref<1x768x768xf32, #tpu.memory_space<hbm>>
      %dma_start3A_107 = tpu.memref_squeeze %dma_start3A_106 : memref<1x768x768xf32, #tpu.memory_space<hbm>> -> memref<768x768xf32, #tpu.memory_space<hbm>>
      tpu.enqueue_dma source(%dma_start3A_107 : memref<768x768xf32, #tpu.memory_space<hbm>>) target(%dma_start3A_103 : memref<768x768xf32, #tpu.memory_space<vmem>>) target_semaphore(%dma_start3A_100 : memref<!tpu.dma_semaphore, #tpu.memory_space<semaphore_mem>>)
      %dma_start3A_108 = arith.constant 1 : i32
      %dma_start3A_109 = tpu.memref_slice %arg16[%dma_start3A_108] : memref<3x!tpu.dma_semaphore, #tpu.memory_space<semaphore_mem>> -> memref<1x!tpu.dma_semaphore, #tpu.memory_space<semaphore_mem>>
      %dma_start3A_110 = tpu.memref_squeeze %dma_start3A_109 : memref<1x!tpu.dma_semaphore, #tpu.memory_space<semaphore_mem>> -> memref<!tpu.dma_semaphore, #tpu.memory_space<semaphore_mem>>
      %dma_start3A_111 = arith.constant 768 : i32
      %dma_start3A_112 = arith.constant 0 : i32
      %dma_start3A_113 = tpu.memref_slice %arg11[%dma_start3A_111, %dma_start3A_112] : memref<3072x768xf32, #tpu.memory_space<vmem>> -> memref<768x768xf32, #tpu.memory_space<vmem>>
      %dma_start3A_114 = arith.constant 768 : i32
      %dma_start3A_115 = arith.constant 0 : i32
      %dma_start3A_116 = tpu.memref_slice %arg4[%get3A_0, %dma_start3A_114, %dma_start3A_115] : memref<8x3072x768xf32, #tpu.memory_space<hbm>> -> memref<1x768x768xf32, #tpu.memory_space<hbm>>
      %dma_start3A_117 = tpu.memref_squeeze %dma_start3A_116 : memref<1x768x768xf32, #tpu.memory_space<hbm>> -> memref<768x768xf32, #tpu.memory_space<hbm>>
      tpu.enqueue_dma source(%dma_start3A_117 : memref<768x768xf32, #tpu.memory_space<hbm>>) target(%dma_start3A_113 : memref<768x768xf32, #tpu.memory_space<vmem>>) target_semaphore(%dma_start3A_110 : memref<!tpu.dma_semaphore, #tpu.memory_space<semaphore_mem>>)
      %dma_start3A_118 = arith.constant 1 : i32
      %dma_start3A_119 = tpu.memref_slice %arg16[%dma_start3A_118] : memref<3x!tpu.dma_semaphore, #tpu.memory_space<semaphore_mem>> -> memref<1x!tpu.dma_semaphore, #tpu.memory_space<semaphore_mem>>
      %dma_start3A_120 = tpu.memref_squeeze %dma_start3A_119 : memref<1x!tpu.dma_semaphore, #tpu.memory_space<semaphore_mem>> -> memref<!tpu.dma_semaphore, #tpu.memory_space<semaphore_mem>>
      %dma_start3A_121 = arith.constant 1536 : i32
      %dma_start3A_122 = arith.constant 0 : i32
      %dma_start3A_123 = tpu.memref_slice %arg11[%dma_start3A_121, %dma_start3A_122] : memref<3072x768xf32, #tpu.memory_space<vmem>> -> memref<768x768xf32, #tpu.memory_space<vmem>>
      %dma_start3A_124 = arith.constant 1536 : i32
      %dma_start3A_125 = arith.constant 0 : i32
      %dma_start3A_126 = tpu.memref_slice %arg4[%get3A_0, %dma_start3A_124, %dma_start3A_125] : memref<8x3072x768xf32, #tpu.memory_space<hbm>> -> memref<1x768x768xf32, #tpu.memory_space<hbm>>
      %dma_start3A_127 = tpu.memref_squeeze %dma_start3A_126 : memref<1x768x768xf32, #tpu.memory_space<hbm>> -> memref<768x768xf32, #tpu.memory_space<hbm>>
      tpu.enqueue_dma source(%dma_start3A_127 : memref<768x768xf32, #tpu.memory_space<hbm>>) target(%dma_start3A_123 : memref<768x768xf32, #tpu.memory_space<vmem>>) target_semaphore(%dma_start3A_120 : memref<!tpu.dma_semaphore, #tpu.memory_space<semaphore_mem>>)
      %dma_start3A_128 = arith.constant 1 : i32
      %dma_start3A_129 = tpu.memref_slice %arg16[%dma_start3A_128] : memref<3x!tpu.dma_semaphore, #tpu.memory_space<semaphore_mem>> -> memref<1x!tpu.dma_semaphore, #tpu.memory_space<semaphore_mem>>
      %dma_start3A_130 = tpu.memref_squeeze %dma_start3A_129 : memref<1x!tpu.dma_semaphore, #tpu.memory_space<semaphore_mem>> -> memref<!tpu.dma_semaphore, #tpu.memory_space<semaphore_mem>>
      %dma_start3A_131 = arith.constant 2304 : i32
      %dma_start3A_132 = arith.constant 0 : i32
      %dma_start3A_133 = tpu.memref_slice %arg11[%dma_start3A_131, %dma_start3A_132] : memref<3072x768xf32, #tpu.memory_space<vmem>> -> memref<768x768xf32, #tpu.memory_space<vmem>>
      %dma_start3A_134 = arith.constant 2304 : i32
      %dma_start3A_135 = arith.constant 0 : i32
      %dma_start3A_136 = tpu.memref_slice %arg4[%get3A_0, %dma_start3A_134, %dma_start3A_135] : memref<8x3072x768xf32, #tpu.memory_space<hbm>> -> memref<1x768x768xf32, #tpu.memory_space<hbm>>
      %dma_start3A_137 = tpu.memref_squeeze %dma_start3A_136 : memref<1x768x768xf32, #tpu.memory_space<hbm>> -> memref<768x768xf32, #tpu.memory_space<hbm>>
      tpu.enqueue_dma source(%dma_start3A_137 : memref<768x768xf32, #tpu.memory_space<hbm>>) target(%dma_start3A_133 : memref<768x768xf32, #tpu.memory_space<vmem>>) target_semaphore(%dma_start3A_130 : memref<!tpu.dma_semaphore, #tpu.memory_space<semaphore_mem>>)
      %dma_start3A_138 = arith.constant 2 : i32
      %dma_start3A_139 = tpu.memref_slice %arg16[%dma_start3A_138] : memref<3x!tpu.dma_semaphore, #tpu.memory_space<semaphore_mem>> -> memref<1x!tpu.dma_semaphore, #tpu.memory_space<semaphore_mem>>
      %dma_start3A_140 = tpu.memref_squeeze %dma_start3A_139 : memref<1x!tpu.dma_semaphore, #tpu.memory_space<semaphore_mem>> -> memref<!tpu.dma_semaphore, #tpu.memory_space<semaphore_mem>>
      %dma_start3A_141 = arith.constant 0 : i32
      %dma_start3A_142 = arith.constant 0 : i32
      %dma_start3A_143 = tpu.memref_slice %arg12[%dma_start3A_141, %dma_start3A_142] : memref<768x3072xf32, #tpu.memory_space<vmem>> -> memref<192x3072xf32, #tpu.memory_space<vmem>>
      %dma_start3A_144 = arith.constant 0 : i32
      %dma_start3A_145 = arith.constant 0 : i32
      %dma_start3A_146 = tpu.memref_slice %arg5[%get3A_0, %dma_start3A_144, %dma_start3A_145] : memref<8x768x3072xf32, #tpu.memory_space<hbm>> -> memref<1x192x3072xf32, #tpu.memory_space<hbm>>
      %dma_start3A_147 = tpu.memref_squeeze %dma_start3A_146 : memref<1x192x3072xf32, #tpu.memory_space<hbm>> -> memref<192x3072xf32, #tpu.memory_space<hbm>>
      tpu.enqueue_dma source(%dma_start3A_147 : memref<192x3072xf32, #tpu.memory_space<hbm>>) target(%dma_start3A_143 : memref<192x3072xf32, #tpu.memory_space<vmem>>) target_semaphore(%dma_start3A_140 : memref<!tpu.dma_semaphore, #tpu.memory_space<semaphore_mem>>)
      %dma_start3A_148 = arith.constant 2 : i32
      %dma_start3A_149 = tpu.memref_slice %arg16[%dma_start3A_148] : memref<3x!tpu.dma_semaphore, #tpu.memory_space<semaphore_mem>> -> memref<1x!tpu.dma_semaphore, #tpu.memory_space<semaphore_mem>>
      %dma_start3A_150 = tpu.memref_squeeze %dma_start3A_149 : memref<1x!tpu.dma_semaphore, #tpu.memory_space<semaphore_mem>> -> memref<!tpu.dma_semaphore, #tpu.memory_space<semaphore_mem>>
      %dma_start3A_151 = arith.constant 192 : i32
      %dma_start3A_152 = arith.constant 0 : i32
      %dma_start3A_153 = tpu.memref_slice %arg12[%dma_start3A_151, %dma_start3A_152] : memref<768x3072xf32, #tpu.memory_space<vmem>> -> memref<192x3072xf32, #tpu.memory_space<vmem>>
      %dma_start3A_154 = arith.constant 192 : i32
      %dma_start3A_155 = arith.constant 0 : i32
      %dma_start3A_156 = tpu.memref_slice %arg5[%get3A_0, %dma_start3A_154, %dma_start3A_155] : memref<8x768x3072xf32, #tpu.memory_space<hbm>> -> memref<1x192x3072xf32, #tpu.memory_space<hbm>>
      %dma_start3A_157 = tpu.memref_squeeze %dma_start3A_156 : memref<1x192x3072xf32, #tpu.memory_space<hbm>> -> memref<192x3072xf32, #tpu.memory_space<hbm>>
      tpu.enqueue_dma source(%dma_start3A_157 : memref<192x3072xf32, #tpu.memory_space<hbm>>) target(%dma_start3A_153 : memref<192x3072xf32, #tpu.memory_space<vmem>>) target_semaphore(%dma_start3A_150 : memref<!tpu.dma_semaphore, #tpu.memory_space<semaphore_mem>>)
      %dma_start3A_158 = arith.constant 2 : i32
      %dma_start3A_159 = tpu.memref_slice %arg16[%dma_start3A_158] : memref<3x!tpu.dma_semaphore, #tpu.memory_space<semaphore_mem>> -> memref<1x!tpu.dma_semaphore, #tpu.memory_space<semaphore_mem>>
      %dma_start3A_160 = tpu.memref_squeeze %dma_start3A_159 : memref<1x!tpu.dma_semaphore, #tpu.memory_space<semaphore_mem>> -> memref<!tpu.dma_semaphore, #tpu.memory_space<semaphore_mem>>
      %dma_start3A_161 = arith.constant 384 : i32
      %dma_start3A_162 = arith.constant 0 : i32
      %dma_start3A_163 = tpu.memref_slice %arg12[%dma_start3A_161, %dma_start3A_162] : memref<768x3072xf32, #tpu.memory_space<vmem>> -> memref<192x3072xf32, #tpu.memory_space<vmem>>
      %dma_start3A_164 = arith.constant 384 : i32
      %dma_start3A_165 = arith.constant 0 : i32
      %dma_start3A_166 = tpu.memref_slice %arg5[%get3A_0, %dma_start3A_164, %dma_start3A_165] : memref<8x768x3072xf32, #tpu.memory_space<hbm>> -> memref<1x192x3072xf32, #tpu.memory_space<hbm>>
      %dma_start3A_167 = tpu.memref_squeeze %dma_start3A_166 : memref<1x192x3072xf32, #tpu.memory_space<hbm>> -> memref<192x3072xf32, #tpu.memory_space<hbm>>
      tpu.enqueue_dma source(%dma_start3A_167 : memref<192x3072xf32, #tpu.memory_space<hbm>>) target(%dma_start3A_163 : memref<192x3072xf32, #tpu.memory_space<vmem>>) target_semaphore(%dma_start3A_160 : memref<!tpu.dma_semaphore, #tpu.memory_space<semaphore_mem>>)
      %dma_start3A_168 = arith.constant 2 : i32
      %dma_start3A_169 = tpu.memref_slice %arg16[%dma_start3A_168] : memref<3x!tpu.dma_semaphore, #tpu.memory_space<semaphore_mem>> -> memref<1x!tpu.dma_semaphore, #tpu.memory_space<semaphore_mem>>
      %dma_start3A_170 = tpu.memref_squeeze %dma_start3A_169 : memref<1x!tpu.dma_semaphore, #tpu.memory_space<semaphore_mem>> -> memref<!tpu.dma_semaphore, #tpu.memory_space<semaphore_mem>>
      %dma_start3A_171 = arith.constant 576 : i32
      %dma_start3A_172 = arith.constant 0 : i32
      %dma_start3A_173 = tpu.memref_slice %arg12[%dma_start3A_171, %dma_start3A_172] : memref<768x3072xf32, #tpu.memory_space<vmem>> -> memref<192x3072xf32, #tpu.memory_space<vmem>>
      %dma_start3A_174 = arith.constant 576 : i32
      %dma_start3A_175 = arith.constant 0 : i32
      %dma_start3A_176 = tpu.memref_slice %arg5[%get3A_0, %dma_start3A_174, %dma_start3A_175] : memref<8x768x3072xf32, #tpu.memory_space<hbm>> -> memref<1x192x3072xf32, #tpu.memory_space<hbm>>
      %dma_start3A_177 = tpu.memref_squeeze %dma_start3A_176 : memref<1x192x3072xf32, #tpu.memory_space<hbm>> -> memref<192x3072xf32, #tpu.memory_space<hbm>>
      tpu.enqueue_dma source(%dma_start3A_177 : memref<192x3072xf32, #tpu.memory_space<hbm>>) target(%dma_start3A_173 : memref<192x3072xf32, #tpu.memory_space<vmem>>) target_semaphore(%dma_start3A_170 : memref<!tpu.dma_semaphore, #tpu.memory_space<semaphore_mem>>)
    } else {
    }
    %convert_element_type3A_9 = arith.extui %or3A : i1 to i32
    %cond3A_10 = arith.constant 0 : i32
    %cond3A_11 = arith.cmpi ne, %convert_element_type3A_9, %cond3A_10 : i32
    scf.if %cond3A_11 {
      %dma_wait3A = arith.constant 0 : i32
      %dma_wait3A_59 = arith.constant 0 : i32
      %dma_wait3A_60 = tpu.memref_slice %arg16[%dma_wait3A_59] : memref<3x!tpu.dma_semaphore, #tpu.memory_space<semaphore_mem>> -> memref<1x!tpu.dma_semaphore, #tpu.memory_space<semaphore_mem>>
      %dma_wait3A_61 = tpu.memref_squeeze %dma_wait3A_60 : memref<1x!tpu.dma_semaphore, #tpu.memory_space<semaphore_mem>> -> memref<!tpu.dma_semaphore, #tpu.memory_space<semaphore_mem>>
      %dma_wait3A_62 = arith.constant 0 : i32
      %dma_wait3A_63 = arith.constant 0 : i32
      %dma_wait3A_64 = tpu.memref_slice %arg10[%dma_wait3A_62, %dma_wait3A_63] : memref<3072x768xf32, #tpu.memory_space<vmem>> -> memref<768x768xf32, #tpu.memory_space<vmem>>
      %dma_wait3A_65 = arith.constant 0 : i32
      %dma_wait3A_66 = arith.constant 0 : i32
      %dma_wait3A_67 = tpu.memref_slice %arg3[%dma_wait3A, %dma_wait3A_65, %dma_wait3A_66] : memref<8x3072x768xf32, #tpu.memory_space<hbm>> -> memref<1x768x768xf32, #tpu.memory_space<hbm>>
      %dma_wait3A_68 = tpu.memref_squeeze %dma_wait3A_67 : memref<1x768x768xf32, #tpu.memory_space<hbm>> -> memref<768x768xf32, #tpu.memory_space<hbm>>
      tpu.wait_dma2 semaphore(%dma_wait3A_61 : memref<!tpu.dma_semaphore, #tpu.memory_space<semaphore_mem>>) src(%dma_wait3A_68 : memref<768x768xf32, #tpu.memory_space<hbm>>) dst(%dma_wait3A_64 : memref<768x768xf32, #tpu.memory_space<vmem>>)
      %dma_wait3A_69 = arith.constant 0 : i32
      %dma_wait3A_70 = arith.constant 0 : i32
      %dma_wait3A_71 = tpu.memref_slice %arg16[%dma_wait3A_70] : memref<3x!tpu.dma_semaphore, #tpu.memory_space<semaphore_mem>> -> memref<1x!tpu.dma_semaphore, #tpu.memory_space<semaphore_mem>>
      %dma_wait3A_72 = tpu.memref_squeeze %dma_wait3A_71 : memref<1x!tpu.dma_semaphore, #tpu.memory_space<semaphore_mem>> -> memref<!tpu.dma_semaphore, #tpu.memory_space<semaphore_mem>>
      %dma_wait3A_73 = arith.constant 768 : i32
      %dma_wait3A_74 = arith.constant 0 : i32
      %dma_wait3A_75 = tpu.memref_slice %arg10[%dma_wait3A_73, %dma_wait3A_74] : memref<3072x768xf32, #tpu.memory_space<vmem>> -> memref<768x768xf32, #tpu.memory_space<vmem>>
      %dma_wait3A_76 = arith.constant 768 : i32
      %dma_wait3A_77 = arith.constant 0 : i32
      %dma_wait3A_78 = tpu.memref_slice %arg3[%dma_wait3A_69, %dma_wait3A_76, %dma_wait3A_77] : memref<8x3072x768xf32, #tpu.memory_space<hbm>> -> memref<1x768x768xf32, #tpu.memory_space<hbm>>
      %dma_wait3A_79 = tpu.memref_squeeze %dma_wait3A_78 : memref<1x768x768xf32, #tpu.memory_space<hbm>> -> memref<768x768xf32, #tpu.memory_space<hbm>>
      tpu.wait_dma2 semaphore(%dma_wait3A_72 : memref<!tpu.dma_semaphore, #tpu.memory_space<semaphore_mem>>) src(%dma_wait3A_79 : memref<768x768xf32, #tpu.memory_space<hbm>>) dst(%dma_wait3A_75 : memref<768x768xf32, #tpu.memory_space<vmem>>)
      %dma_wait3A_80 = arith.constant 0 : i32
      %dma_wait3A_81 = arith.constant 0 : i32
      %dma_wait3A_82 = tpu.memref_slice %arg16[%dma_wait3A_81] : memref<3x!tpu.dma_semaphore, #tpu.memory_space<semaphore_mem>> -> memref<1x!tpu.dma_semaphore, #tpu.memory_space<semaphore_mem>>
      %dma_wait3A_83 = tpu.memref_squeeze %dma_wait3A_82 : memref<1x!tpu.dma_semaphore, #tpu.memory_space<semaphore_mem>> -> memref<!tpu.dma_semaphore, #tpu.memory_space<semaphore_mem>>
      %dma_wait3A_84 = arith.constant 1536 : i32
      %dma_wait3A_85 = arith.constant 0 : i32
      %dma_wait3A_86 = tpu.memref_slice %arg10[%dma_wait3A_84, %dma_wait3A_85] : memref<3072x768xf32, #tpu.memory_space<vmem>> -> memref<768x768xf32, #tpu.memory_space<vmem>>
      %dma_wait3A_87 = arith.constant 1536 : i32
      %dma_wait3A_88 = arith.constant 0 : i32
      %dma_wait3A_89 = tpu.memref_slice %arg3[%dma_wait3A_80, %dma_wait3A_87, %dma_wait3A_88] : memref<8x3072x768xf32, #tpu.memory_space<hbm>> -> memref<1x768x768xf32, #tpu.memory_space<hbm>>
      %dma_wait3A_90 = tpu.memref_squeeze %dma_wait3A_89 : memref<1x768x768xf32, #tpu.memory_space<hbm>> -> memref<768x768xf32, #tpu.memory_space<hbm>>
      tpu.wait_dma2 semaphore(%dma_wait3A_83 : memref<!tpu.dma_semaphore, #tpu.memory_space<semaphore_mem>>) src(%dma_wait3A_90 : memref<768x768xf32, #tpu.memory_space<hbm>>) dst(%dma_wait3A_86 : memref<768x768xf32, #tpu.memory_space<vmem>>)
      %dma_wait3A_91 = arith.constant 0 : i32
      %dma_wait3A_92 = arith.constant 0 : i32
      %dma_wait3A_93 = tpu.memref_slice %arg16[%dma_wait3A_92] : memref<3x!tpu.dma_semaphore, #tpu.memory_space<semaphore_mem>> -> memref<1x!tpu.dma_semaphore, #tpu.memory_space<semaphore_mem>>
      %dma_wait3A_94 = tpu.memref_squeeze %dma_wait3A_93 : memref<1x!tpu.dma_semaphore, #tpu.memory_space<semaphore_mem>> -> memref<!tpu.dma_semaphore, #tpu.memory_space<semaphore_mem>>
      %dma_wait3A_95 = arith.constant 2304 : i32
      %dma_wait3A_96 = arith.constant 0 : i32
      %dma_wait3A_97 = tpu.memref_slice %arg10[%dma_wait3A_95, %dma_wait3A_96] : memref<3072x768xf32, #tpu.memory_space<vmem>> -> memref<768x768xf32, #tpu.memory_space<vmem>>
      %dma_wait3A_98 = arith.constant 2304 : i32
      %dma_wait3A_99 = arith.constant 0 : i32
      %dma_wait3A_100 = tpu.memref_slice %arg3[%dma_wait3A_91, %dma_wait3A_98, %dma_wait3A_99] : memref<8x3072x768xf32, #tpu.memory_space<hbm>> -> memref<1x768x768xf32, #tpu.memory_space<hbm>>
      %dma_wait3A_101 = tpu.memref_squeeze %dma_wait3A_100 : memref<1x768x768xf32, #tpu.memory_space<hbm>> -> memref<768x768xf32, #tpu.memory_space<hbm>>
      tpu.wait_dma2 semaphore(%dma_wait3A_94 : memref<!tpu.dma_semaphore, #tpu.memory_space<semaphore_mem>>) src(%dma_wait3A_101 : memref<768x768xf32, #tpu.memory_space<hbm>>) dst(%dma_wait3A_97 : memref<768x768xf32, #tpu.memory_space<vmem>>)
      %get3A_102 = arith.constant 0 : index
      %get3A_103 = arith.constant 0 : index
      %get3A_104 = vector.load %arg10[%get3A_102, %get3A_103] : memref<3072x768xf32, #tpu.memory_space<vmem>>, vector<3072x768xf32>
      %convert_element_type3A_105 = arith.truncf %get3A_104 : vector<3072x768xf32> to vector<3072x768xbf16>
      %swap3A_106 = arith.constant 0 : index
      %swap3A_107 = arith.constant 0 : index
      %swap3A_108 = vector.load %arg13[%swap3A_106, %swap3A_107] : memref<3072x768xbf16, #tpu.memory_space<vmem>>, vector<3072x768xbf16>
      tpu.vector_store %arg13[%swap3A_106, %swap3A_107], %convert_element_type3A_105 {strides = array<i32>} : memref<3072x768xbf16, #tpu.memory_space<vmem>>, vector<3072x768xbf16>,
      %dma_wait3A_109 = arith.constant 0 : i32
      %dma_wait3A_110 = arith.constant 1 : i32
      %dma_wait3A_111 = tpu.memref_slice %arg16[%dma_wait3A_110] : memref<3x!tpu.dma_semaphore, #tpu.memory_space<semaphore_mem>> -> memref<1x!tpu.dma_semaphore, #tpu.memory_space<semaphore_mem>>
      %dma_wait3A_112 = tpu.memref_squeeze %dma_wait3A_111 : memref<1x!tpu.dma_semaphore, #tpu.memory_space<semaphore_mem>> -> memref<!tpu.dma_semaphore, #tpu.memory_space<semaphore_mem>>
      %dma_wait3A_113 = arith.constant 0 : i32
      %dma_wait3A_114 = arith.constant 0 : i32
      %dma_wait3A_115 = tpu.memref_slice %arg11[%dma_wait3A_113, %dma_wait3A_114] : memref<3072x768xf32, #tpu.memory_space<vmem>> -> memref<768x768xf32, #tpu.memory_space<vmem>>
      %dma_wait3A_116 = arith.constant 0 : i32
      %dma_wait3A_117 = arith.constant 0 : i32
      %dma_wait3A_118 = tpu.memref_slice %arg4[%dma_wait3A_109, %dma_wait3A_116, %dma_wait3A_117] : memref<8x3072x768xf32, #tpu.memory_space<hbm>> -> memref<1x768x768xf32, #tpu.memory_space<hbm>>
      %dma_wait3A_119 = tpu.memref_squeeze %dma_wait3A_118 : memref<1x768x768xf32, #tpu.memory_space<hbm>> -> memref<768x768xf32, #tpu.memory_space<hbm>>
      tpu.wait_dma2 semaphore(%dma_wait3A_112 : memref<!tpu.dma_semaphore, #tpu.memory_space<semaphore_mem>>) src(%dma_wait3A_119 : memref<768x768xf32, #tpu.memory_space<hbm>>) dst(%dma_wait3A_115 : memref<768x768xf32, #tpu.memory_space<vmem>>)
      %dma_wait3A_120 = arith.constant 0 : i32
      %dma_wait3A_121 = arith.constant 1 : i32
      %dma_wait3A_122 = tpu.memref_slice %arg16[%dma_wait3A_121] : memref<3x!tpu.dma_semaphore, #tpu.memory_space<semaphore_mem>> -> memref<1x!tpu.dma_semaphore, #tpu.memory_space<semaphore_mem>>
      %dma_wait3A_123 = tpu.memref_squeeze %dma_wait3A_122 : memref<1x!tpu.dma_semaphore, #tpu.memory_space<semaphore_mem>> -> memref<!tpu.dma_semaphore, #tpu.memory_space<semaphore_mem>>
      %dma_wait3A_124 = arith.constant 768 : i32
      %dma_wait3A_125 = arith.constant 0 : i32
      %dma_wait3A_126 = tpu.memref_slice %arg11[%dma_wait3A_124, %dma_wait3A_125] : memref<3072x768xf32, #tpu.memory_space<vmem>> -> memref<768x768xf32, #tpu.memory_space<vmem>>
      %dma_wait3A_127 = arith.constant 768 : i32
      %dma_wait3A_128 = arith.constant 0 : i32
      %dma_wait3A_129 = tpu.memref_slice %arg4[%dma_wait3A_120, %dma_wait3A_127, %dma_wait3A_128] : memref<8x3072x768xf32, #tpu.memory_space<hbm>> -> memref<1x768x768xf32, #tpu.memory_space<hbm>>
      %dma_wait3A_130 = tpu.memref_squeeze %dma_wait3A_129 : memref<1x768x768xf32, #tpu.memory_space<hbm>> -> memref<768x768xf32, #tpu.memory_space<hbm>>
      tpu.wait_dma2 semaphore(%dma_wait3A_123 : memref<!tpu.dma_semaphore, #tpu.memory_space<semaphore_mem>>) src(%dma_wait3A_130 : memref<768x768xf32, #tpu.memory_space<hbm>>) dst(%dma_wait3A_126 : memref<768x768xf32, #tpu.memory_space<vmem>>)
      %dma_wait3A_131 = arith.constant 0 : i32
      %dma_wait3A_132 = arith.constant 1 : i32
      %dma_wait3A_133 = tpu.memref_slice %arg16[%dma_wait3A_132] : memref<3x!tpu.dma_semaphore, #tpu.memory_space<semaphore_mem>> -> memref<1x!tpu.dma_semaphore, #tpu.memory_space<semaphore_mem>>
      %dma_wait3A_134 = tpu.memref_squeeze %dma_wait3A_133 : memref<1x!tpu.dma_semaphore, #tpu.memory_space<semaphore_mem>> -> memref<!tpu.dma_semaphore, #tpu.memory_space<semaphore_mem>>
      %dma_wait3A_135 = arith.constant 1536 : i32
      %dma_wait3A_136 = arith.constant 0 : i32
      %dma_wait3A_137 = tpu.memref_slice %arg11[%dma_wait3A_135, %dma_wait3A_136] : memref<3072x768xf32, #tpu.memory_space<vmem>> -> memref<768x768xf32, #tpu.memory_space<vmem>>
      %dma_wait3A_138 = arith.constant 1536 : i32
      %dma_wait3A_139 = arith.constant 0 : i32
      %dma_wait3A_140 = tpu.memref_slice %arg4[%dma_wait3A_131, %dma_wait3A_138, %dma_wait3A_139] : memref<8x3072x768xf32, #tpu.memory_space<hbm>> -> memref<1x768x768xf32, #tpu.memory_space<hbm>>
      %dma_wait3A_141 = tpu.memref_squeeze %dma_wait3A_140 : memref<1x768x768xf32, #tpu.memory_space<hbm>> -> memref<768x768xf32, #tpu.memory_space<hbm>>
      tpu.wait_dma2 semaphore(%dma_wait3A_134 : memref<!tpu.dma_semaphore, #tpu.memory_space<semaphore_mem>>) src(%dma_wait3A_141 : memref<768x768xf32, #tpu.memory_space<hbm>>) dst(%dma_wait3A_137 : memref<768x768xf32, #tpu.memory_space<vmem>>)
      %dma_wait3A_142 = arith.constant 0 : i32
      %dma_wait3A_143 = arith.constant 1 : i32
      %dma_wait3A_144 = tpu.memref_slice %arg16[%dma_wait3A_143] : memref<3x!tpu.dma_semaphore, #tpu.memory_space<semaphore_mem>> -> memref<1x!tpu.dma_semaphore, #tpu.memory_space<semaphore_mem>>
      %dma_wait3A_145 = tpu.memref_squeeze %dma_wait3A_144 : memref<1x!tpu.dma_semaphore, #tpu.memory_space<semaphore_mem>> -> memref<!tpu.dma_semaphore, #tpu.memory_space<semaphore_mem>>
      %dma_wait3A_146 = arith.constant 2304 : i32
      %dma_wait3A_147 = arith.constant 0 : i32
      %dma_wait3A_148 = tpu.memref_slice %arg11[%dma_wait3A_146, %dma_wait3A_147] : memref<3072x768xf32, #tpu.memory_space<vmem>> -> memref<768x768xf32, #tpu.memory_space<vmem>>
      %dma_wait3A_149 = arith.constant 2304 : i32
      %dma_wait3A_150 = arith.constant 0 : i32
      %dma_wait3A_151 = tpu.memref_slice %arg4[%dma_wait3A_142, %dma_wait3A_149, %dma_wait3A_150] : memref<8x3072x768xf32, #tpu.memory_space<hbm>> -> memref<1x768x768xf32, #tpu.memory_space<hbm>>
      %dma_wait3A_152 = tpu.memref_squeeze %dma_wait3A_151 : memref<1x768x768xf32, #tpu.memory_space<hbm>> -> memref<768x768xf32, #tpu.memory_space<hbm>>
      tpu.wait_dma2 semaphore(%dma_wait3A_145 : memref<!tpu.dma_semaphore, #tpu.memory_space<semaphore_mem>>) src(%dma_wait3A_152 : memref<768x768xf32, #tpu.memory_space<hbm>>) dst(%dma_wait3A_148 : memref<768x768xf32, #tpu.memory_space<vmem>>)
      %get3A_153 = arith.constant 0 : index
      %get3A_154 = arith.constant 0 : index
      %get3A_155 = vector.load %arg11[%get3A_153, %get3A_154] : memref<3072x768xf32, #tpu.memory_space<vmem>>, vector<3072x768xf32>
      %convert_element_type3A_156 = arith.truncf %get3A_155 : vector<3072x768xf32> to vector<3072x768xbf16>
      %swap3A_157 = arith.constant 0 : index
      %swap3A_158 = arith.constant 0 : index
      %swap3A_159 = vector.load %arg14[%swap3A_157, %swap3A_158] : memref<3072x768xbf16, #tpu.memory_space<vmem>>, vector<3072x768xbf16>
      tpu.vector_store %arg14[%swap3A_157, %swap3A_158], %convert_element_type3A_156 {strides = array<i32>} : memref<3072x768xbf16, #tpu.memory_space<vmem>>, vector<3072x768xbf16>,
      %dma_wait3A_160 = arith.constant 0 : i32
      %dma_wait3A_161 = arith.constant 2 : i32
      %dma_wait3A_162 = tpu.memref_slice %arg16[%dma_wait3A_161] : memref<3x!tpu.dma_semaphore, #tpu.memory_space<semaphore_mem>> -> memref<1x!tpu.dma_semaphore, #tpu.memory_space<semaphore_mem>>
      %dma_wait3A_163 = tpu.memref_squeeze %dma_wait3A_162 : memref<1x!tpu.dma_semaphore, #tpu.memory_space<semaphore_mem>> -> memref<!tpu.dma_semaphore, #tpu.memory_space<semaphore_mem>>
      %dma_wait3A_164 = arith.constant 0 : i32
      %dma_wait3A_165 = arith.constant 0 : i32
      %dma_wait3A_166 = tpu.memref_slice %arg12[%dma_wait3A_164, %dma_wait3A_165] : memref<768x3072xf32, #tpu.memory_space<vmem>> -> memref<192x3072xf32, #tpu.memory_space<vmem>>
      %dma_wait3A_167 = arith.constant 0 : i32
      %dma_wait3A_168 = arith.constant 0 : i32
      %dma_wait3A_169 = tpu.memref_slice %arg5[%dma_wait3A_160, %dma_wait3A_167, %dma_wait3A_168] : memref<8x768x3072xf32, #tpu.memory_space<hbm>> -> memref<1x192x3072xf32, #tpu.memory_space<hbm>>
      %dma_wait3A_170 = tpu.memref_squeeze %dma_wait3A_169 : memref<1x192x3072xf32, #tpu.memory_space<hbm>> -> memref<192x3072xf32, #tpu.memory_space<hbm>>
      tpu.wait_dma2 semaphore(%dma_wait3A_163 : memref<!tpu.dma_semaphore, #tpu.memory_space<semaphore_mem>>) src(%dma_wait3A_170 : memref<192x3072xf32, #tpu.memory_space<hbm>>) dst(%dma_wait3A_166 : memref<192x3072xf32, #tpu.memory_space<vmem>>)
      %dma_wait3A_171 = arith.constant 0 : i32
      %dma_wait3A_172 = arith.constant 2 : i32
      %dma_wait3A_173 = tpu.memref_slice %arg16[%dma_wait3A_172] : memref<3x!tpu.dma_semaphore, #tpu.memory_space<semaphore_mem>> -> memref<1x!tpu.dma_semaphore, #tpu.memory_space<semaphore_mem>>
      %dma_wait3A_174 = tpu.memref_squeeze %dma_wait3A_173 : memref<1x!tpu.dma_semaphore, #tpu.memory_space<semaphore_mem>> -> memref<!tpu.dma_semaphore, #tpu.memory_space<semaphore_mem>>
      %dma_wait3A_175 = arith.constant 192 : i32
      %dma_wait3A_176 = arith.constant 0 : i32
      %dma_wait3A_177 = tpu.memref_slice %arg12[%dma_wait3A_175, %dma_wait3A_176] : memref<768x3072xf32, #tpu.memory_space<vmem>> -> memref<192x3072xf32, #tpu.memory_space<vmem>>
      %dma_wait3A_178 = arith.constant 192 : i32
      %dma_wait3A_179 = arith.constant 0 : i32
      %dma_wait3A_180 = tpu.memref_slice %arg5[%dma_wait3A_171, %dma_wait3A_178, %dma_wait3A_179] : memref<8x768x3072xf32, #tpu.memory_space<hbm>> -> memref<1x192x3072xf32, #tpu.memory_space<hbm>>
      %dma_wait3A_181 = tpu.memref_squeeze %dma_wait3A_180 : memref<1x192x3072xf32, #tpu.memory_space<hbm>> -> memref<192x3072xf32, #tpu.memory_space<hbm>>
      tpu.wait_dma2 semaphore(%dma_wait3A_174 : memref<!tpu.dma_semaphore, #tpu.memory_space<semaphore_mem>>) src(%dma_wait3A_181 : memref<192x3072xf32, #tpu.memory_space<hbm>>) dst(%dma_wait3A_177 : memref<192x3072xf32, #tpu.memory_space<vmem>>)
      %dma_wait3A_182 = arith.constant 0 : i32
      %dma_wait3A_183 = arith.constant 2 : i32
      %dma_wait3A_184 = tpu.memref_slice %arg16[%dma_wait3A_183] : memref<3x!tpu.dma_semaphore, #tpu.memory_space<semaphore_mem>> -> memref<1x!tpu.dma_semaphore, #tpu.memory_space<semaphore_mem>>
      %dma_wait3A_185 = tpu.memref_squeeze %dma_wait3A_184 : memref<1x!tpu.dma_semaphore, #tpu.memory_space<semaphore_mem>> -> memref<!tpu.dma_semaphore, #tpu.memory_space<semaphore_mem>>
      %dma_wait3A_186 = arith.constant 384 : i32
      %dma_wait3A_187 = arith.constant 0 : i32
      %dma_wait3A_188 = tpu.memref_slice %arg12[%dma_wait3A_186, %dma_wait3A_187] : memref<768x3072xf32, #tpu.memory_space<vmem>> -> memref<192x3072xf32, #tpu.memory_space<vmem>>
      %dma_wait3A_189 = arith.constant 384 : i32
      %dma_wait3A_190 = arith.constant 0 : i32
      %dma_wait3A_191 = tpu.memref_slice %arg5[%dma_wait3A_182, %dma_wait3A_189, %dma_wait3A_190] : memref<8x768x3072xf32, #tpu.memory_space<hbm>> -> memref<1x192x3072xf32, #tpu.memory_space<hbm>>
      %dma_wait3A_192 = tpu.memref_squeeze %dma_wait3A_191 : memref<1x192x3072xf32, #tpu.memory_space<hbm>> -> memref<192x3072xf32, #tpu.memory_space<hbm>>
      tpu.wait_dma2 semaphore(%dma_wait3A_185 : memref<!tpu.dma_semaphore, #tpu.memory_space<semaphore_mem>>) src(%dma_wait3A_192 : memref<192x3072xf32, #tpu.memory_space<hbm>>) dst(%dma_wait3A_188 : memref<192x3072xf32, #tpu.memory_space<vmem>>)
      %dma_wait3A_193 = arith.constant 0 : i32
      %dma_wait3A_194 = arith.constant 2 : i32
      %dma_wait3A_195 = tpu.memref_slice %arg16[%dma_wait3A_194] : memref<3x!tpu.dma_semaphore, #tpu.memory_space<semaphore_mem>> -> memref<1x!tpu.dma_semaphore, #tpu.memory_space<semaphore_mem>>
      %dma_wait3A_196 = tpu.memref_squeeze %dma_wait3A_195 : memref<1x!tpu.dma_semaphore, #tpu.memory_space<semaphore_mem>> -> memref<!tpu.dma_semaphore, #tpu.memory_space<semaphore_mem>>
      %dma_wait3A_197 = arith.constant 576 : i32
      %dma_wait3A_198 = arith.constant 0 : i32
      %dma_wait3A_199 = tpu.memref_slice %arg12[%dma_wait3A_197, %dma_wait3A_198] : memref<768x3072xf32, #tpu.memory_space<vmem>> -> memref<192x3072xf32, #tpu.memory_space<vmem>>
      %dma_wait3A_200 = arith.constant 576 : i32
      %dma_wait3A_201 = arith.constant 0 : i32
      %dma_wait3A_202 = tpu.memref_slice %arg5[%dma_wait3A_193, %dma_wait3A_200, %dma_wait3A_201] : memref<8x768x3072xf32, #tpu.memory_space<hbm>> -> memref<1x192x3072xf32, #tpu.memory_space<hbm>>
      %dma_wait3A_203 = tpu.memref_squeeze %dma_wait3A_202 : memref<1x192x3072xf32, #tpu.memory_space<hbm>> -> memref<192x3072xf32, #tpu.memory_space<hbm>>
      tpu.wait_dma2 semaphore(%dma_wait3A_196 : memref<!tpu.dma_semaphore, #tpu.memory_space<semaphore_mem>>) src(%dma_wait3A_203 : memref<192x3072xf32, #tpu.memory_space<hbm>>) dst(%dma_wait3A_199 : memref<192x3072xf32, #tpu.memory_space<vmem>>)
      %get3A_204 = arith.constant 0 : index
      %get3A_205 = arith.constant 0 : index
      %get3A_206 = vector.load %arg12[%get3A_204, %get3A_205] : memref<768x3072xf32, #tpu.memory_space<vmem>>, vector<768x3072xf32>
      %convert_element_type3A_207 = arith.truncf %get3A_206 : vector<768x3072xf32> to vector<768x3072xbf16>
      %swap3A_208 = arith.constant 0 : index
      %swap3A_209 = arith.constant 0 : index
      %swap3A_210 = vector.load %arg15[%swap3A_208, %swap3A_209] : memref<768x3072xbf16, #tpu.memory_space<vmem>>, vector<768x3072xbf16>
      tpu.vector_store %arg15[%swap3A_208, %swap3A_209], %convert_element_type3A_207 {strides = array<i32>} : memref<768x3072xbf16, #tpu.memory_space<vmem>>, vector<768x3072xbf16>,
      %add3A_211 = arith.constant 1 : i32
      %add3A_212 = arith.addi %arg0, %add3A_211 : i32
      %while3A = scf.while (%while3A_217 = %add3A_212) : (i32) -> i32 {
        %lt3A_218 = arith.constant 24 : i32
        %lt3A_219 = arith.cmpi slt, %while3A_217, %lt3A_218 : i32
        %get3A_220 = arith.index_cast %while3A_217 : i32 to index
        %get3A_221 = memref.load %arg1[%get3A_220] : memref<24xi32, #tpu.memory_space<smem>>
        %eq3A_222 = arith.cmpi eq, %get3A_221, %get3A_0 : i32
        %and3A = arith.andi %lt3A_219, %eq3A_222 : i1
        scf.condition(%and3A) %while3A_217 : i32
      } do {
      ^bb0(%while3A_217: i32):
        %add3A_218 = arith.constant 1 : i32
        %add3A_219 = arith.addi %while3A_217, %add3A_218 : i32
        scf.yield %add3A_219 : i32
      }
      %lt3A = arith.constant 24 : i32
      %lt3A_213 = arith.cmpi slt, %while3A, %lt3A : i32
      %convert_element_type3A_214 = arith.extui %lt3A_213 : i1 to i32
      %cond3A_215 = arith.constant 0 : i32
      %cond3A_216 = arith.cmpi ne, %convert_element_type3A_214, %cond3A_215 : i32
      scf.if %cond3A_216 {
        %get3A_217 = arith.index_cast %while3A : i32 to index
        %get3A_218 = memref.load %arg1[%get3A_217] : memref<24xi32, #tpu.memory_space<smem>>
        %dma_start3A = arith.constant 0 : i32
        %dma_start3A_219 = tpu.memref_slice %arg16[%dma_start3A] : memref<3x!tpu.dma_semaphore, #tpu.memory_space<semaphore_mem>> -> memref<1x!tpu.dma_semaphore, #tpu.memory_space<semaphore_mem>>
        %dma_start3A_220 = tpu.memref_squeeze %dma_start3A_219 : memref<1x!tpu.dma_semaphore, #tpu.memory_space<semaphore_mem>> -> memref<!tpu.dma_semaphore, #tpu.memory_space<semaphore_mem>>
        %dma_start3A_221 = arith.constant 0 : i32
        %dma_start3A_222 = arith.constant 0 : i32
        %dma_start3A_223 = tpu.memref_slice %arg10[%dma_start3A_221, %dma_start3A_222] : memref<3072x768xf32, #tpu.memory_space<vmem>> -> memref<768x768xf32, #tpu.memory_space<vmem>>
        %dma_start3A_224 = arith.constant 0 : i32
        %dma_start3A_225 = arith.constant 0 : i32
        %dma_start3A_226 = tpu.memref_slice %arg3[%get3A_218, %dma_start3A_224, %dma_start3A_225] : memref<8x3072x768xf32, #tpu.memory_space<hbm>> -> memref<1x768x768xf32, #tpu.memory_space<hbm>>
        %dma_start3A_227 = tpu.memref_squeeze %dma_start3A_226 : memref<1x768x768xf32, #tpu.memory_space<hbm>> -> memref<768x768xf32, #tpu.memory_space<hbm>>
        tpu.enqueue_dma source(%dma_start3A_227 : memref<768x768xf32, #tpu.memory_space<hbm>>) target(%dma_start3A_223 : memref<768x768xf32, #tpu.memory_space<vmem>>) target_semaphore(%dma_start3A_220 : memref<!tpu.dma_semaphore, #tpu.memory_space<semaphore_mem>>)
        %dma_start3A_228 = arith.constant 0 : i32
        %dma_start3A_229 = tpu.memref_slice %arg16[%dma_start3A_228] : memref<3x!tpu.dma_semaphore, #tpu.memory_space<semaphore_mem>> -> memref<1x!tpu.dma_semaphore, #tpu.memory_space<semaphore_mem>>
        %dma_start3A_230 = tpu.memref_squeeze %dma_start3A_229 : memref<1x!tpu.dma_semaphore, #tpu.memory_space<semaphore_mem>> -> memref<!tpu.dma_semaphore, #tpu.memory_space<semaphore_mem>>
        %dma_start3A_231 = arith.constant 768 : i32
        %dma_start3A_232 = arith.constant 0 : i32
        %dma_start3A_233 = tpu.memref_slice %arg10[%dma_start3A_231, %dma_start3A_232] : memref<3072x768xf32, #tpu.memory_space<vmem>> -> memref<768x768xf32, #tpu.memory_space<vmem>>
        %dma_start3A_234 = arith.constant 768 : i32
        %dma_start3A_235 = arith.constant 0 : i32
        %dma_start3A_236 = tpu.memref_slice %arg3[%get3A_218, %dma_start3A_234, %dma_start3A_235] : memref<8x3072x768xf32, #tpu.memory_space<hbm>> -> memref<1x768x768xf32, #tpu.memory_space<hbm>>
        %dma_start3A_237 = tpu.memref_squeeze %dma_start3A_236 : memref<1x768x768xf32, #tpu.memory_space<hbm>> -> memref<768x768xf32, #tpu.memory_space<hbm>>
        tpu.enqueue_dma source(%dma_start3A_237 : memref<768x768xf32, #tpu.memory_space<hbm>>) target(%dma_start3A_233 : memref<768x768xf32, #tpu.memory_space<vmem>>) target_semaphore(%dma_start3A_230 : memref<!tpu.dma_semaphore, #tpu.memory_space<semaphore_mem>>)
        %dma_start3A_238 = arith.constant 0 : i32
        %dma_start3A_239 = tpu.memref_slice %arg16[%dma_start3A_238] : memref<3x!tpu.dma_semaphore, #tpu.memory_space<semaphore_mem>> -> memref<1x!tpu.dma_semaphore, #tpu.memory_space<semaphore_mem>>
        %dma_start3A_240 = tpu.memref_squeeze %dma_start3A_239 : memref<1x!tpu.dma_semaphore, #tpu.memory_space<semaphore_mem>> -> memref<!tpu.dma_semaphore, #tpu.memory_space<semaphore_mem>>
        %dma_start3A_241 = arith.constant 1536 : i32
        %dma_start3A_242 = arith.constant 0 : i32
        %dma_start3A_243 = tpu.memref_slice %arg10[%dma_start3A_241, %dma_start3A_242] : memref<3072x768xf32, #tpu.memory_space<vmem>> -> memref<768x768xf32, #tpu.memory_space<vmem>>
        %dma_start3A_244 = arith.constant 1536 : i32
        %dma_start3A_245 = arith.constant 0 : i32
        %dma_start3A_246 = tpu.memref_slice %arg3[%get3A_218, %dma_start3A_244, %dma_start3A_245] : memref<8x3072x768xf32, #tpu.memory_space<hbm>> -> memref<1x768x768xf32, #tpu.memory_space<hbm>>
        %dma_start3A_247 = tpu.memref_squeeze %dma_start3A_246 : memref<1x768x768xf32, #tpu.memory_space<hbm>> -> memref<768x768xf32, #tpu.memory_space<hbm>>
        tpu.enqueue_dma source(%dma_start3A_247 : memref<768x768xf32, #tpu.memory_space<hbm>>) target(%dma_start3A_243 : memref<768x768xf32, #tpu.memory_space<vmem>>) target_semaphore(%dma_start3A_240 : memref<!tpu.dma_semaphore, #tpu.memory_space<semaphore_mem>>)
        %dma_start3A_248 = arith.constant 0 : i32
        %dma_start3A_249 = tpu.memref_slice %arg16[%dma_start3A_248] : memref<3x!tpu.dma_semaphore, #tpu.memory_space<semaphore_mem>> -> memref<1x!tpu.dma_semaphore, #tpu.memory_space<semaphore_mem>>
        %dma_start3A_250 = tpu.memref_squeeze %dma_start3A_249 : memref<1x!tpu.dma_semaphore, #tpu.memory_space<semaphore_mem>> -> memref<!tpu.dma_semaphore, #tpu.memory_space<semaphore_mem>>
        %dma_start3A_251 = arith.constant 2304 : i32
        %dma_start3A_252 = arith.constant 0 : i32
        %dma_start3A_253 = tpu.memref_slice %arg10[%dma_start3A_251, %dma_start3A_252] : memref<3072x768xf32, #tpu.memory_space<vmem>> -> memref<768x768xf32, #tpu.memory_space<vmem>>
        %dma_start3A_254 = arith.constant 2304 : i32
        %dma_start3A_255 = arith.constant 0 : i32
        %dma_start3A_256 = tpu.memref_slice %arg3[%get3A_218, %dma_start3A_254, %dma_start3A_255] : memref<8x3072x768xf32, #tpu.memory_space<hbm>> -> memref<1x768x768xf32, #tpu.memory_space<hbm>>
        %dma_start3A_257 = tpu.memref_squeeze %dma_start3A_256 : memref<1x768x768xf32, #tpu.memory_space<hbm>> -> memref<768x768xf32, #tpu.memory_space<hbm>>
        tpu.enqueue_dma source(%dma_start3A_257 : memref<768x768xf32, #tpu.memory_space<hbm>>) target(%dma_start3A_253 : memref<768x768xf32, #tpu.memory_space<vmem>>) target_semaphore(%dma_start3A_250 : memref<!tpu.dma_semaphore, #tpu.memory_space<semaphore_mem>>)
        %dma_start3A_258 = arith.constant 1 : i32
        %dma_start3A_259 = tpu.memref_slice %arg16[%dma_start3A_258] : memref<3x!tpu.dma_semaphore, #tpu.memory_space<semaphore_mem>> -> memref<1x!tpu.dma_semaphore, #tpu.memory_space<semaphore_mem>>
        %dma_start3A_260 = tpu.memref_squeeze %dma_start3A_259 : memref<1x!tpu.dma_semaphore, #tpu.memory_space<semaphore_mem>> -> memref<!tpu.dma_semaphore, #tpu.memory_space<semaphore_mem>>
        %dma_start3A_261 = arith.constant 0 : i32
        %dma_start3A_262 = arith.constant 0 : i32
        %dma_start3A_263 = tpu.memref_slice %arg11[%dma_start3A_261, %dma_start3A_262] : memref<3072x768xf32, #tpu.memory_space<vmem>> -> memref<768x768xf32, #tpu.memory_space<vmem>>
        %dma_start3A_264 = arith.constant 0 : i32
        %dma_start3A_265 = arith.constant 0 : i32
        %dma_start3A_266 = tpu.memref_slice %arg4[%get3A_218, %dma_start3A_264, %dma_start3A_265] : memref<8x3072x768xf32, #tpu.memory_space<hbm>> -> memref<1x768x768xf32, #tpu.memory_space<hbm>>
        %dma_start3A_267 = tpu.memref_squeeze %dma_start3A_266 : memref<1x768x768xf32, #tpu.memory_space<hbm>> -> memref<768x768xf32, #tpu.memory_space<hbm>>
        tpu.enqueue_dma source(%dma_start3A_267 : memref<768x768xf32, #tpu.memory_space<hbm>>) target(%dma_start3A_263 : memref<768x768xf32, #tpu.memory_space<vmem>>) target_semaphore(%dma_start3A_260 : memref<!tpu.dma_semaphore, #tpu.memory_space<semaphore_mem>>)
        %dma_start3A_268 = arith.constant 1 : i32
        %dma_start3A_269 = tpu.memref_slice %arg16[%dma_start3A_268] : memref<3x!tpu.dma_semaphore, #tpu.memory_space<semaphore_mem>> -> memref<1x!tpu.dma_semaphore, #tpu.memory_space<semaphore_mem>>
        %dma_start3A_270 = tpu.memref_squeeze %dma_start3A_269 : memref<1x!tpu.dma_semaphore, #tpu.memory_space<semaphore_mem>> -> memref<!tpu.dma_semaphore, #tpu.memory_space<semaphore_mem>>
        %dma_start3A_271 = arith.constant 768 : i32
        %dma_start3A_272 = arith.constant 0 : i32
        %dma_start3A_273 = tpu.memref_slice %arg11[%dma_start3A_271, %dma_start3A_272] : memref<3072x768xf32, #tpu.memory_space<vmem>> -> memref<768x768xf32, #tpu.memory_space<vmem>>
        %dma_start3A_274 = arith.constant 768 : i32
        %dma_start3A_275 = arith.constant 0 : i32
        %dma_start3A_276 = tpu.memref_slice %arg4[%get3A_218, %dma_start3A_274, %dma_start3A_275] : memref<8x3072x768xf32, #tpu.memory_space<hbm>> -> memref<1x768x768xf32, #tpu.memory_space<hbm>>
        %dma_start3A_277 = tpu.memref_squeeze %dma_start3A_276 : memref<1x768x768xf32, #tpu.memory_space<hbm>> -> memref<768x768xf32, #tpu.memory_space<hbm>>
        tpu.enqueue_dma source(%dma_start3A_277 : memref<768x768xf32, #tpu.memory_space<hbm>>) target(%dma_start3A_273 : memref<768x768xf32, #tpu.memory_space<vmem>>) target_semaphore(%dma_start3A_270 : memref<!tpu.dma_semaphore, #tpu.memory_space<semaphore_mem>>)
        %dma_start3A_278 = arith.constant 1 : i32
        %dma_start3A_279 = tpu.memref_slice %arg16[%dma_start3A_278] : memref<3x!tpu.dma_semaphore, #tpu.memory_space<semaphore_mem>> -> memref<1x!tpu.dma_semaphore, #tpu.memory_space<semaphore_mem>>
        %dma_start3A_280 = tpu.memref_squeeze %dma_start3A_279 : memref<1x!tpu.dma_semaphore, #tpu.memory_space<semaphore_mem>> -> memref<!tpu.dma_semaphore, #tpu.memory_space<semaphore_mem>>
        %dma_start3A_281 = arith.constant 1536 : i32
        %dma_start3A_282 = arith.constant 0 : i32
        %dma_start3A_283 = tpu.memref_slice %arg11[%dma_start3A_281, %dma_start3A_282] : memref<3072x768xf32, #tpu.memory_space<vmem>> -> memref<768x768xf32, #tpu.memory_space<vmem>>
        %dma_start3A_284 = arith.constant 1536 : i32
        %dma_start3A_285 = arith.constant 0 : i32
        %dma_start3A_286 = tpu.memref_slice %arg4[%get3A_218, %dma_start3A_284, %dma_start3A_285] : memref<8x3072x768xf32, #tpu.memory_space<hbm>> -> memref<1x768x768xf32, #tpu.memory_space<hbm>>
        %dma_start3A_287 = tpu.memref_squeeze %dma_start3A_286 : memref<1x768x768xf32, #tpu.memory_space<hbm>> -> memref<768x768xf32, #tpu.memory_space<hbm>>
        tpu.enqueue_dma source(%dma_start3A_287 : memref<768x768xf32, #tpu.memory_space<hbm>>) target(%dma_start3A_283 : memref<768x768xf32, #tpu.memory_space<vmem>>) target_semaphore(%dma_start3A_280 : memref<!tpu.dma_semaphore, #tpu.memory_space<semaphore_mem>>)
        %dma_start3A_288 = arith.constant 1 : i32
        %dma_start3A_289 = tpu.memref_slice %arg16[%dma_start3A_288] : memref<3x!tpu.dma_semaphore, #tpu.memory_space<semaphore_mem>> -> memref<1x!tpu.dma_semaphore, #tpu.memory_space<semaphore_mem>>
        %dma_start3A_290 = tpu.memref_squeeze %dma_start3A_289 : memref<1x!tpu.dma_semaphore, #tpu.memory_space<semaphore_mem>> -> memref<!tpu.dma_semaphore, #tpu.memory_space<semaphore_mem>>
        %dma_start3A_291 = arith.constant 2304 : i32
        %dma_start3A_292 = arith.constant 0 : i32
        %dma_start3A_293 = tpu.memref_slice %arg11[%dma_start3A_291, %dma_start3A_292] : memref<3072x768xf32, #tpu.memory_space<vmem>> -> memref<768x768xf32, #tpu.memory_space<vmem>>
        %dma_start3A_294 = arith.constant 2304 : i32
        %dma_start3A_295 = arith.constant 0 : i32
        %dma_start3A_296 = tpu.memref_slice %arg4[%get3A_218, %dma_start3A_294, %dma_start3A_295] : memref<8x3072x768xf32, #tpu.memory_space<hbm>> -> memref<1x768x768xf32, #tpu.memory_space<hbm>>
        %dma_start3A_297 = tpu.memref_squeeze %dma_start3A_296 : memref<1x768x768xf32, #tpu.memory_space<hbm>> -> memref<768x768xf32, #tpu.memory_space<hbm>>
        tpu.enqueue_dma source(%dma_start3A_297 : memref<768x768xf32, #tpu.memory_space<hbm>>) target(%dma_start3A_293 : memref<768x768xf32, #tpu.memory_space<vmem>>) target_semaphore(%dma_start3A_290 : memref<!tpu.dma_semaphore, #tpu.memory_space<semaphore_mem>>)
        %dma_start3A_298 = arith.constant 2 : i32
        %dma_start3A_299 = tpu.memref_slice %arg16[%dma_start3A_298] : memref<3x!tpu.dma_semaphore, #tpu.memory_space<semaphore_mem>> -> memref<1x!tpu.dma_semaphore, #tpu.memory_space<semaphore_mem>>
        %dma_start3A_300 = tpu.memref_squeeze %dma_start3A_299 : memref<1x!tpu.dma_semaphore, #tpu.memory_space<semaphore_mem>> -> memref<!tpu.dma_semaphore, #tpu.memory_space<semaphore_mem>>
        %dma_start3A_301 = arith.constant 0 : i32
        %dma_start3A_302 = arith.constant 0 : i32
        %dma_start3A_303 = tpu.memref_slice %arg12[%dma_start3A_301, %dma_start3A_302] : memref<768x3072xf32, #tpu.memory_space<vmem>> -> memref<192x3072xf32, #tpu.memory_space<vmem>>
        %dma_start3A_304 = arith.constant 0 : i32
        %dma_start3A_305 = arith.constant 0 : i32
        %dma_start3A_306 = tpu.memref_slice %arg5[%get3A_218, %dma_start3A_304, %dma_start3A_305] : memref<8x768x3072xf32, #tpu.memory_space<hbm>> -> memref<1x192x3072xf32, #tpu.memory_space<hbm>>
        %dma_start3A_307 = tpu.memref_squeeze %dma_start3A_306 : memref<1x192x3072xf32, #tpu.memory_space<hbm>> -> memref<192x3072xf32, #tpu.memory_space<hbm>>
        tpu.enqueue_dma source(%dma_start3A_307 : memref<192x3072xf32, #tpu.memory_space<hbm>>) target(%dma_start3A_303 : memref<192x3072xf32, #tpu.memory_space<vmem>>) target_semaphore(%dma_start3A_300 : memref<!tpu.dma_semaphore, #tpu.memory_space<semaphore_mem>>)
        %dma_start3A_308 = arith.constant 2 : i32
        %dma_start3A_309 = tpu.memref_slice %arg16[%dma_start3A_308] : memref<3x!tpu.dma_semaphore, #tpu.memory_space<semaphore_mem>> -> memref<1x!tpu.dma_semaphore, #tpu.memory_space<semaphore_mem>>
        %dma_start3A_310 = tpu.memref_squeeze %dma_start3A_309 : memref<1x!tpu.dma_semaphore, #tpu.memory_space<semaphore_mem>> -> memref<!tpu.dma_semaphore, #tpu.memory_space<semaphore_mem>>
        %dma_start3A_311 = arith.constant 192 : i32
        %dma_start3A_312 = arith.constant 0 : i32
        %dma_start3A_313 = tpu.memref_slice %arg12[%dma_start3A_311, %dma_start3A_312] : memref<768x3072xf32, #tpu.memory_space<vmem>> -> memref<192x3072xf32, #tpu.memory_space<vmem>>
        %dma_start3A_314 = arith.constant 192 : i32
        %dma_start3A_315 = arith.constant 0 : i32
        %dma_start3A_316 = tpu.memref_slice %arg5[%get3A_218, %dma_start3A_314, %dma_start3A_315] : memref<8x768x3072xf32, #tpu.memory_space<hbm>> -> memref<1x192x3072xf32, #tpu.memory_space<hbm>>
        %dma_start3A_317 = tpu.memref_squeeze %dma_start3A_316 : memref<1x192x3072xf32, #tpu.memory_space<hbm>> -> memref<192x3072xf32, #tpu.memory_space<hbm>>
        tpu.enqueue_dma source(%dma_start3A_317 : memref<192x3072xf32, #tpu.memory_space<hbm>>) target(%dma_start3A_313 : memref<192x3072xf32, #tpu.memory_space<vmem>>) target_semaphore(%dma_start3A_310 : memref<!tpu.dma_semaphore, #tpu.memory_space<semaphore_mem>>)
        %dma_start3A_318 = arith.constant 2 : i32
        %dma_start3A_319 = tpu.memref_slice %arg16[%dma_start3A_318] : memref<3x!tpu.dma_semaphore, #tpu.memory_space<semaphore_mem>> -> memref<1x!tpu.dma_semaphore, #tpu.memory_space<semaphore_mem>>
        %dma_start3A_320 = tpu.memref_squeeze %dma_start3A_319 : memref<1x!tpu.dma_semaphore, #tpu.memory_space<semaphore_mem>> -> memref<!tpu.dma_semaphore, #tpu.memory_space<semaphore_mem>>
        %dma_start3A_321 = arith.constant 384 : i32
        %dma_start3A_322 = arith.constant 0 : i32
        %dma_start3A_323 = tpu.memref_slice %arg12[%dma_start3A_321, %dma_start3A_322] : memref<768x3072xf32, #tpu.memory_space<vmem>> -> memref<192x3072xf32, #tpu.memory_space<vmem>>
        %dma_start3A_324 = arith.constant 384 : i32
        %dma_start3A_325 = arith.constant 0 : i32
        %dma_start3A_326 = tpu.memref_slice %arg5[%get3A_218, %dma_start3A_324, %dma_start3A_325] : memref<8x768x3072xf32, #tpu.memory_space<hbm>> -> memref<1x192x3072xf32, #tpu.memory_space<hbm>>
        %dma_start3A_327 = tpu.memref_squeeze %dma_start3A_326 : memref<1x192x3072xf32, #tpu.memory_space<hbm>> -> memref<192x3072xf32, #tpu.memory_space<hbm>>
        tpu.enqueue_dma source(%dma_start3A_327 : memref<192x3072xf32, #tpu.memory_space<hbm>>) target(%dma_start3A_323 : memref<192x3072xf32, #tpu.memory_space<vmem>>) target_semaphore(%dma_start3A_320 : memref<!tpu.dma_semaphore, #tpu.memory_space<semaphore_mem>>)
        %dma_start3A_328 = arith.constant 2 : i32
        %dma_start3A_329 = tpu.memref_slice %arg16[%dma_start3A_328] : memref<3x!tpu.dma_semaphore, #tpu.memory_space<semaphore_mem>> -> memref<1x!tpu.dma_semaphore, #tpu.memory_space<semaphore_mem>>
        %dma_start3A_330 = tpu.memref_squeeze %dma_start3A_329 : memref<1x!tpu.dma_semaphore, #tpu.memory_space<semaphore_mem>> -> memref<!tpu.dma_semaphore, #tpu.memory_space<semaphore_mem>>
        %dma_start3A_331 = arith.constant 576 : i32
        %dma_start3A_332 = arith.constant 0 : i32
        %dma_start3A_333 = tpu.memref_slice %arg12[%dma_start3A_331, %dma_start3A_332] : memref<768x3072xf32, #tpu.memory_space<vmem>> -> memref<192x3072xf32, #tpu.memory_space<vmem>>
        %dma_start3A_334 = arith.constant 576 : i32
        %dma_start3A_335 = arith.constant 0 : i32
        %dma_start3A_336 = tpu.memref_slice %arg5[%get3A_218, %dma_start3A_334, %dma_start3A_335] : memref<8x768x3072xf32, #tpu.memory_space<hbm>> -> memref<1x192x3072xf32, #tpu.memory_space<hbm>>
        %dma_start3A_337 = tpu.memref_squeeze %dma_start3A_336 : memref<1x192x3072xf32, #tpu.memory_space<hbm>> -> memref<192x3072xf32, #tpu.memory_space<hbm>>
        tpu.enqueue_dma source(%dma_start3A_337 : memref<192x3072xf32, #tpu.memory_space<hbm>>) target(%dma_start3A_333 : memref<192x3072xf32, #tpu.memory_space<vmem>>) target_semaphore(%dma_start3A_330 : memref<!tpu.dma_semaphore, #tpu.memory_space<semaphore_mem>>)
      } else {
      }
    } else {
    }
    %get3A_12 = arith.constant 0 : index
    %get3A_13 = arith.constant 0 : index
    %get3A_14 = vector.load %arg2[%get3A_12, %get3A_13] : memref<256x768xf32, #tpu.memory_space<vmem>>, vector<256x768xf32>
    %convert_element_type3A_15 = arith.truncf %get3A_14 : vector<256x768xf32> to vector<256x768xbf16>
    %get3A_16 = arith.constant 0 : index
    %get3A_17 = arith.constant 0 : index
    %get3A_18 = vector.load %arg13[%get3A_16, %get3A_17] : memref<3072x768xbf16, #tpu.memory_space<vmem>>, vector<3072x768xbf16>
    %dot_general3A = arith.constant dense<0.000000e+00> : vector<256x3072xf32>
    %dot_general3A_19 = tpu.matmul %convert_element_type3A_15, %get3A_18, %dot_general3A {dimension_numbers = #tpu.dot_dimension_numbers<[1], [1], [0], [0], [0, 0, 1, 0], [], []>, transpose_lhs_hint = false} : vector<256x768xbf16>, vector<3072x768xbf16>, vector<256x3072xf32> -> vector<256x3072xf32>
    %get3A_20 = arith.constant 0 : index
    %get3A_21 = arith.constant 0 : index
    %get3A_22 = arith.constant 0 : index
    %get3A_23 = vector.load %arg6[%get3A_20, %get3A_21, %get3A_22] : memref<1x1x3072xf32, #tpu.memory_space<vmem>>, vector<1x1x3072xf32>
    %get3A_24 = vector.shape_cast %get3A_23 : vector<1x1x3072xf32> to vector<1x3072xf32>
    %add3A = vector.broadcast %get3A_24 : vector<1x3072xf32> to vector<256x3072xf32>
    %add3A_25 = arith.addf %dot_general3A_19, %add3A : vector<256x3072xf32>
    %get3A_26 = arith.constant 0 : index
    %get3A_27 = arith.constant 0 : index
    %get3A_28 = vector.load %arg14[%get3A_26, %get3A_27] : memref<3072x768xbf16, #tpu.memory_space<vmem>>, vector<3072x768xbf16>
    %dot_general3A_29 = arith.constant dense<0.000000e+00> : vector<256x3072xf32>
    %dot_general3A_30 = tpu.matmul %convert_element_type3A_15, %get3A_28, %dot_general3A_29 {dimension_numbers = #tpu.dot_dimension_numbers<[1], [1], [0], [0], [0, 0, 1, 0], [], []>, transpose_lhs_hint = false} : vector<256x768xbf16>, vector<3072x768xbf16>, vector<256x3072xf32> -> vector<256x3072xf32>
    %get3A_31 = arith.constant 0 : index
    %get3A_32 = arith.constant 0 : index
    %get3A_33 = arith.constant 0 : index
    %get3A_34 = vector.load %arg7[%get3A_31, %get3A_32, %get3A_33] : memref<1x1x3072xf32, #tpu.memory_space<vmem>>, vector<1x1x3072xf32>
    %get3A_35 = vector.shape_cast %get3A_34 : vector<1x1x3072xf32> to vector<1x3072xf32>
    %add3A_36 = vector.broadcast %get3A_35 : vector<1x3072xf32> to vector<256x3072xf32>
    %add3A_37 = arith.addf %dot_general3A_30, %add3A_36 : vector<256x3072xf32>
    %logistic3A = arith.negf %add3A_25 : vector<256x3072xf32>
    %logistic3A_38 = math.exp %logistic3A : vector<256x3072xf32>
    %logistic3A_39 = arith.constant 1.000000e+00 : f32
    %logistic3A_40 = vector.broadcast %logistic3A_39 : f32 to vector<256x3072xf32>
    %logistic3A_41 = arith.addf %logistic3A_40, %logistic3A_38 : vector<256x3072xf32>
    %logistic3A_42 = arith.divf %logistic3A_40, %logistic3A_41 : vector<256x3072xf32>
    %mul3A = arith.mulf %add3A_25, %logistic3A_42 : vector<256x3072xf32>
    %mul3A_43 = arith.mulf %mul3A, %add3A_37 : vector<256x3072xf32>
    %convert_element_type3A_44 = arith.truncf %mul3A_43 : vector<256x3072xf32> to vector<256x3072xbf16>
    %get3A_45 = arith.constant 0 : index
    %get3A_46 = arith.constant 0 : index
    %get3A_47 = vector.load %arg15[%get3A_45, %get3A_46] : memref<768x3072xbf16, #tpu.memory_space<vmem>>, vector<768x3072xbf16>
    %dot_general3A_48 = arith.constant dense<0.000000e+00> : vector<256x768xf32>
    %dot_general3A_49 = tpu.matmul %convert_element_type3A_44, %get3A_47, %dot_general3A_48 {dimension_numbers = #tpu.dot_dimension_numbers<[1], [1], [0], [0], [0, 0, 1, 0], [], []>, transpose_lhs_hint = false} : vector<256x3072xbf16>, vector<768x3072xbf16>, vector<256x768xf32> -> vector<256x768xf32>
    %get3A_50 = arith.constant 0 : index
    %get3A_51 = arith.constant 0 : index
    %get3A_52 = arith.constant 0 : index
    %get3A_53 = vector.load %arg8[%get3A_50, %get3A_51, %get3A_52] : memref<1x1x768xf32, #tpu.memory_space<vmem>>, vector<1x1x768xf32>
    %get3A_54 = vector.shape_cast %get3A_53 : vector<1x1x768xf32> to vector<1x768xf32>
    %add3A_55 = vector.broadcast %get3A_54 : vector<1x768xf32> to vector<256x768xf32>
    %add3A_56 = arith.addf %dot_general3A_49, %add3A_55 : vector<256x768xf32>
    %swap3A = arith.constant 0 : index
    %swap3A_57 = arith.constant 0 : index
    %swap3A_58 = vector.load %arg9[%swap3A, %swap3A_57] : memref<256x768xf32, #tpu.memory_space<vmem>>, vector<256x768xf32>
    tpu.vector_store %arg9[%swap3A, %swap3A_57], %add3A_56 {strides = array<i32>} : memref<256x768xf32, #tpu.memory_space<vmem>>, vector<256x768xf32>,
    return
  }
  func.func @transform_0(%arg0: i32, %arg1: memref<24xi32, #tpu.memory_space<smem>>) -> (i32, i32) {
    %c0_i32 = arith.constant 0 : i32
    %c0_i32_0 = arith.constant 0 : i32
    return %arg0, %c0_i32 : i32, i32
  }
  func.func @transform_4(%arg0: i32, %arg1: memref<24xi32, #tpu.memory_space<smem>>) -> (i32, i32, i32) {
    %get3A = arith.index_cast %arg0 : i32 to index
    %get3A_0 = memref.load %arg1[%get3A] : memref<24xi32, #tpu.memory_space<smem>>
    %c0_i32 = arith.constant 0 : i32
    %c0_i32_1 = arith.constant 0 : i32
    %c0_i32_2 = arith.constant 0 : i32
    return %get3A_0, %c0_i32, %c0_i32_1 : i32, i32, i32
  }
  func.func @transform_5(%arg0: i32, %arg1: memref<24xi32, #tpu.memory_space<smem>>) -> (i32, i32, i32) {
    %get3A = arith.index_cast %arg0 : i32 to index
    %get3A_0 = memref.load %arg1[%get3A] : memref<24xi32, #tpu.memory_space<smem>>
    %c0_i32 = arith.constant 0 : i32
    %c0_i32_1 = arith.constant 0 : i32
    %c0_i32_2 = arith.constant 0 : i32
    return %get3A_0, %c0_i32, %c0_i32_1 : i32, i32, i32
  }
  func.func @transform_6(%arg0: i32, %arg1: memref<24xi32, #tpu.memory_space<smem>>) -> (i32, i32, i32) {
    %get3A = arith.index_cast %arg0 : i32 to index
    %get3A_0 = memref.load %arg1[%get3A] : memref<24xi32, #tpu.memory_space<smem>>
    %c0_i32 = arith.constant 0 : i32
    %c0_i32_1 = arith.constant 0 : i32
    %c0_i32_2 = arith.constant 0 : i32
    return %get3A_0, %c0_i32, %c0_i32_1 : i32, i32, i32
  }
  func.func @transform_7(%arg0: i32, %arg1: memref<24xi32, #tpu.memory_space<smem>>) -> (i32, i32) {
    %c0_i32 = arith.constant 0 : i32
    %c0_i32_0 = arith.constant 0 : i32
    return %arg0, %c0_i32 : i32, i32
  }
}

</mosaic_0001>

<sc_bundles>
// kernel: kernel.6.cloned.1.call-start
scs
__scs_entry_jumppad:
0x0: {  	(pc) =	sbr.rel $0x88, $3  }
0x1: {  	(tag) =	ssettag $0x0;
	lr =	simm.s32 $0x1  }
0x2: {  	[smem:$0x3F99] =	sst lr;
	_ =	strace $0xD0000000  }
0x3: {  	_ = 	snop  }
0x4: {  	_ = 	snop  }
0x5: {  	_ = 	snop  }
0x6: {  	_ = 	snop  }
0x7: {  	_ = 	snop  }
__scs_overlays_trampoline_lowered:
0x8: {  	[smem:$0x3FA8] =	sst s0  }
0x9: {  	[smem:$0x3FA9] =	sst s1  }
0xa: {  	[smem:$0x3FAA] =	sst s2  }
0xb: {  	[smem:$0x3FAB] =	sst s3  }
0xc: {  	[smem:$0x3FAC] =	sst s4  }
0xd: {  	[smem:$0x3FAD] =	sst s5  }
0xe: {  	[smem:$0x3FAE] =	sst s6  }
0xf: {  	[smem:$0x3FAF] =	sst s7  }
0x10: {  	[smem:$0x3FB0] =	sst s8  }
0x11: {  	[smem:$0x3FB1] =	sst s9;
	s0 =	simm.s32 @!p0 $0x0  }
0x12: {  	s1 =	sld [smem:$0x3F97];
	s0 =	simm.s32 @p0 $0x1  }
0x13: {  	[smem:$0x3FB2] =	sst s0;
	s0 =	simm.s32 @!p1 $0x0  }
0x14: {  	s2 =	sld [smem:$0x3F96];
	s0 =	simm.s32 @p1 $0x1  }
0x15: {  	[smem:$0x3FB3] =	sst s0;
	s0 =	simm.s32 @!p2 $0x0  }
0x16: {  	s3 =	sld [smem:$0x3FDB];
	s0 =	simm.s32 @p2 $0x1  }
0x17: {  	s4 =	simm.s32 $0x1BF5;
	[smem:$0x3FB5] =	sst s0  }
0x18: {  	s0 =	sld [smem:$0x3F98];
	_ =	swait.ge [sflag:s4], $0x0  }
0x19: {  	s7 =	sld [smem:$0x3F99]  }
0x1a: {  	s8 =	sadd.s32 $0xFFFFE003, lr  }
0x1b: {  	s9 =	sadd.s32 $0xFFFFFEF7, lr;
	s5 =	simm.s32 $0xFFFFFFFF;
	p2 =	slt.u32 s8, $0xFFFFF086  }
0x1c: {  	p1 =	slt.u32 s9, $0xF7A;
	s5 =	simm.s32 @!p2 $0x0  }
0x1d: {  	s5 =	simm.s32 @p1 $0x1;
	p0 =	seq.s32 s7, s2  }
0x1e: {  	s7 =	smul.u32 @!p0 $0xF7A, s2;
	p2 =	seq.s32 @!p0 s5, $0x0  }
0x1f: {  	s9 =	smul.u32 $0xF7A, s1;
	s8 =	simm.s32 @!p0 $0x1BF5;
	p2 =	por !p2, p0  }
0x20: {  	[sflag:s8] =	ssyncset.s32 @!p0 $0xFFFFF086;
	s6 =	sadd.s32 @!p0 s3, s7;
	s7 =	simm.s32 @!p0 $0x108  }
0x21: {  	s3 =	sadd.s32 s3, s9;
	s6 =	sadd.s32 @!p0 $0x88, s6;
	s7 =	simm.s32 @p2 $0x1082  }
0x22: {  	[simem:s7], [sflag:s8] =	dma.local @!p0 [hbm:s6], $0xF7A  }
0x23: {  	s9 =	sor.u32 $0xD0000000, s2;
	s6 =	simm.s32 $0x108;
	_ =	swait.ge @!p0 [sflag:s8], $0x0  }
0x24: {  	s3 =	sadd.s32 $0x88, s3;
	s6 =	simm.s32 @!p1 $0x1082;
	[sflag:s4] =	ssyncset.s32 $0xFFFFF086  }
0x25: {  	[simem:s6], [sflag:s4] =	dma.local [hbm:s3], $0xF7A  }
0x26: {  	[smem:$0x3F99] =	sst s1;
	(tag) =	ssettag s2;
	_ =	strace s9  }
0x27: {  	s1 =	sld [smem:$0x3FA9]  }
0x28: {  	s2 =	sld [smem:$0x3FAA]  }
0x29: {  	s4 =	sld [smem:$0x3FAC]  }
0x2a: {  	p0 =	seq.s32 s5, $0x0;
	s5 =	sld [smem:$0x3FAD]  }
0x2b: {  	s6 =	sld [smem:$0x3FAE]  }
0x2c: {  	s7 =	sld [smem:$0x3FAF]  }
0x2d: {  	s3 =	simm.s32 $0x108;
	s8 =	sld [smem:$0x3FB0]  }
0x2e: {  	s3 =	simm.s32 @!p0 $0x1082;
	s9 =	sld [smem:$0x3FB1]  }
0x2f: {  	lr =	sadd.s32 s0, s3;
	s0 =	sld [smem:$0x3FA8]  }
0x30: {  	s3 =	sld [smem:$0x3FAB]  }
0x31: {  	[smem:$0x3FB4] =	sst s10  }
0x32: {  	s10 =	sld [smem:$0x3FB2];
	_ =	sdelay $0x3  }
0x33: {  	p0 =	seq.s32 s10, $0x1;
	s10 =	sld [smem:$0x3FB4];
	_ =	sdelay $0x3  }
0x34: {  	[smem:$0x3FB4] =	sst s10  }
0x35: {  	s10 =	sld [smem:$0x3FB3];
	_ =	sdelay $0x3  }
0x36: {  	p1 =	seq.s32 s10, $0x1;
	s10 =	sld [smem:$0x3FB4];
	_ =	sdelay $0x3  }
0x37: {  	[smem:$0x3FB4] =	sst s10  }
0x38: {  	s10 =	sld [smem:$0x3FB5]  }
0x39: {  	_ = 	snop;
	(pc) =	sbr.ind lr, $3  }
0x3a: {  	_ = 	snop  }
0x3b: {  	_ = 	snop  }
0x3c: {  	p2 =	seq.s32 s10, $0x1;
	s10 =	sld [smem:$0x3FB4]  }
0x3d: {  	_ =	shalt  }
0x3e: {  	_ =	shalt  }
0x3f: {  	_ =	shalt  }
0x40: {  	_ =	shalt  }
0x41: {  	_ =	shalt  }
0x42: {  	_ =	shalt  }
0x43: {  	_ =	shalt  }
0x44: {  	_ =	shalt  }
0x45: {  	_ =	shalt  }
0x46: {  	_ =	shalt  }
0x47: {  	_ =	shalt  }
0x48: {  	_ =	shalt  }
0x49: {  	_ =	shalt  }
0x4a: {  	_ =	shalt  }
0x4b: {  	_ =	shalt  }
0x4c: {  	_ =	shalt  }
0x4d: {  	_ =	shalt  }
0x4e: {  	_ =	shalt  }
0x4f: {  	_ =	shalt  }
0x50: {  	_ =	shalt  }
0x51: {  	_ =	shalt  }
0x52: {  	_ =	shalt  }
0x53: {  	_ =	shalt  }
0x54: {  	_ =	shalt  }
0x55: {  	_ =	shalt  }
0x56: {  	_ =	shalt  }
0x57: {  	_ =	shalt  }
0x58: {  	_ =	shalt  }
0x59: {  	_ =	shalt  }
0x5a: {  	_ =	shalt  }
0x5b: {  	_ =	shalt  }
0x5c: {  	_ =	shalt  }
0x5d: {  	_ =	shalt  }
0x5e: {  	_ =	shalt  }
0x5f: {  	_ =	shalt  }
0x60: {  	_ =	shalt  }
0x61: {  	_ =	shalt  }
0x62: {  	_ =	shalt  }
0x63: {  	_ =	shalt  }
0x64: {  	_ =	shalt  }
0x65: {  	_ =	shalt  }
0x66: {  	_ =	shalt  }
0x67: {  	_ =	shalt  }
0x68: {  	_ =	shalt  }
0x69: {  	_ =	shalt  }
0x6a: {  	_ =	shalt  }
0x6b: {  	_ =	shalt  }
0x6c: {  	_ =	shalt  }
0x6d: {  	_ =	shalt  }
0x6e: {  	_ =	shalt  }
0x6f: {  	_ =	shalt  }
0x70: {  	_ =	shalt  }
0x71: {  	_ =	shalt  }
0x72: {  	_ =	shalt  }
0x73: {  	_ =	shalt  }
0x74: {  	_ =	shalt  }
0x75: {  	_ =	shalt  }
0x76: {  	_ =	shalt  }
0x77: {  	_ =	shalt  }
0x78: {  	_ =	shalt  }
0x79: {  	_ =	shalt  }
0x7a: {  	_ =	shalt  }
0x7b: {  	_ =	shalt  }
0x7c: {  	_ =	shalt  }
0x7d: {  	_ =	shalt  }
0x7e: {  	_ =	shalt  }
0x7f: {  	_ =	shalt  }
0x80: {  	_ =	shalt  }
0x81: {  	_ =	shalt  }
0x82: {  	_ =	shalt  }
0x83: {  	_ =	shalt  }
0x84: {  	_ =	shalt  }
0x85: {  	_ =	shalt  }
0x86: {  	_ =	shalt  }
0x87: {  	_ =	shalt  }
.Lfunc_end0:
.L_simem_size_0:
called_computation_lowered:
.L_overlay_start_0:
0x88: {  	s2 =	sld [smem:$0x3FD9]  }
0x89: {  	s3 =	sld [smem:$0x3FFE];
	_ =	sdelay $0x1  }
0x8a: {  	s1 =	srdreg.scid  }
0x8b: {  	s0 =	sand.u32 $0x1, s1  }
0x8c: {  	s17 =	sshll.u32 s0, $0xA;
	s2 =	sadd.s32 s3, s2  }
0x8d: {  	s2 =	sadd.s32 s2, s17  }
0x8e: {  	[smem:$0x3FC0] =	sst s2  }
0x8f: {  	_ = 	snop  }
0x90: {  	s2 =	sld [smem:$0x3FC9];
	(tm) =	ssettm $0x1  }
0x91: {  	s18 =	sld [smem:$0x3FFB];
	_ =	sdelay $0x3  }
0x92: {  	_ =	strace s18  }
0x93: {  	s3 =	sld [smem:$0x3FFC];
	_ =	sdelay $0x3  }
0x94: {  	_ =	strace s3  }
0x95: {  	s3 =	sld [smem:$0x3FFD];
	_ =	sdelay $0x3  }
0x96: {  	_ =	strace s3  }
0x97: {  	_ =	strace $0x8FFFFFFF  }
0x98: {  	s19 =	sld [smem:$0x3FDB];
	_ =	sdelay $0x1  }
0x99: {  	s4 =	simm.s32 $_scs_section_size  }
0x9a: {  	s5 =	simm.s32 $_size__tile_overlayer_lowered;
	s6 =	simm.s32 $_tile_overlayer_lowered  }
0x9b: {  	s22 =	simm.s32 $0x1BFF;
	s21 =	sshll.u32 s6, $0x1;
	s3 =	sadd.s32 s4, s19  }
0x9c: {  	s7 =	simm.s32 $0x0;
	s20 =	sshll.u32 s5, $0x1;
	s5 =	sadd.s32 s21, s3  }
0x9d: {  	[timem:s7], [sflag:s22] =	dma.local [hbm:s5], s20  }
0x9e: {  	_ =	swait.ge [sflag:s22], s20  }
0x9f: {  	s4 =	ssub.s32 $0x0, s20;
	[sflag:s22] =	ssyncset.done $0x0  }
0xa0: {  	[sflag:s22] =	ssyncadd.s32 s4;
	_ =	sdelay $0x1  }
0xa1: {  	s23 =	simm.s32 $0x1B8B  }
0xa2: {  	_ =	swait.ge [sflag:s23], $0x1  }
0xa3: {  	[sflag:s23] =	ssyncset.done $0x0  }
0xa4: {  	s25 =	simm.s32 $0x1B8E;
	s24 =	sld [smem:$0x3FFE];
	[sflag:s23] =	ssyncadd.s32 $0xFFFFFFFF  }
0xa5: {  	s26 =	simm.s32 $execute0_lowered;
	[smem:$0x3FD2] =	sst s25  }
0xa6: {  	s5 =	sshll.u32 s26, $0x1;
	_ =	strace $0x80000046;
	[dreg:$0x1] =	wrdreg $0xFFFFFFFF  }
0xa7: {  	s28 =	simm.s32 $_size_execute0_lowered;
	s3 =	sadd.s32 s3, s5;
	[dreg:$0x0] =	wrdreg $0x0  }
0xa8: {  	s5 =	sshll.u32 s28, $0x1;
	[dreg:$0x2] =	wrdreg s3  }
0xa9: {  	[dreg:$0x3] =	wrdreg s5  }
0xaa: {  	[dreg:$0x4] =	wrdreg $0xC0  }
0xab: {  	_ =	task [dreg:s7], $0x5FFFF  }
0xac: {  	[dreg:$0x1] =	wrdreg $0xFFFFFFFF  }
0xad: {  	[dreg:$0x0] =	wrdreg $0x60  }
0xae: {  	[dreg:$0x2] =	wrdreg s2  }
0xaf: {  	[dreg:$0x3] =	wrdreg s24  }
0xb0: {  	[dreg:$0x4] =	wrdreg $0x9  }
0xb1: {  	_ =	task.clear_ibuf [dreg:s7], $0x5FFFF;
	_ =	strace $0x90000046  }
0xb2: {  	s29 =	simm.s32 $0x9;
	_ =	strace $0x80000048  }
0xb3: {  	_ =	swait.ge [sflag:s29], $0x1  }
0xb4: {  	[sflag:s29] =	ssyncadd.s32 $0xFFFFFFFF  }
0xb5: {  	_ =	strace $0x90000048  }
0xb6: {  	_ =	sfence  }
0xb7: {  	s30 =	sld [smem:$0x0];
	_ =	sdelay $0x2  }
0xb8: {  	s31 =	sshll.u32 s1, $0xD;
	s1 =	sshrl.u32 s1, $0x2  }
0xb9: {  	s3 =	sand.u32 $0x4000, s31;
	s1 =	sadd.s32 s1, s30  }
0xba: {  	s0 =	sor.u32 s3, s0;
	s1 =	sshll.u32 s1, $0x11  }
0xbb: {  	s0 =	sor.u32 s1, s0  }
0xbc: {  	s0 =	sadd.s32 $0x8F2B, s0  }
0xbd: {  	[sflag:s0] =	ssyncadd.remote.s32 $0x1  }
0xbe: {  	_ =	sfence.sel $0xFFFF  }
0xbf: {  	[dreg:$0x0] =	wrdreg $0xFFFFFFFF;
	(pc) =	sbr.abs _section_cstart, $3  }
0xc0: {  	[dreg:$0x1] =	wrdreg $0xFFFFFFFF  }
0xc1: {  	_ =	task.clear_ibuf [dreg:s7], $0x2FFFF;
	_ =	strace $0x9FFFFFFF  }
0xc2: {  	(tm) =	ssettm $0x7FFFFFFF  }
0xc3: {  	_ =	shalt  }
tec
execute0_lowered:
.L_overlay_start_1:
0x0: {  	(tag) =	ssettag $0x1  }
0x1: {  	s0 =	rddreg [dreg:$0x0]  }
0x2: {  	s1 =	rddreg [dreg:$0x1];
	s2 =	srdreg.scid  }
0x3: {  	s3 =	stileid.u32;
	s26 =	simm.s32 $0x80;
	s9 =	simm.s32 $0x2  }
0x4: {  	s12 =	simm.s32 $0x1900;
	s13 =	simm.s32 $0x2100;
	s14 =	simm.s32 $0x2900  }
0x5: {  	s15 =	simm.s32 $0x3100;
	s16 =	simm.s32 $0x3900;
	s17 =	simm.s32 $0x4100  }
0x6: {  	s18 =	simm.s32 $0x4900;
	s19 =	simm.s32 $0x5100;
	s20 =	simm.s32 $0x5900  }
0x7: {  	s21 =	simm.s32 $0x6100;
	s22 =	simm.s32 $0x6900;
	s23 =	simm.s32 $0x7100  }
0x8: {  	s24 =	simm.s32 $0x7900;
	s28 =	simm.s32 $0x9100;
	s29 =	simm.s32 $0x9900  }
0x9: {  	s30 =	simm.s32 $0xA100;
	s31 =	simm.s32 $0xA900;
	s4 =	sand.u32 $0x1, s2  }
0xa: {  	s2 =	simm.s32 $0x0;
	s3 =	sshll.u32 s3, $0x4;
	s5 =	sshll.u32 s4, $0x3  }
0xb: {  	[smem:$0x7FF] =	sst s2;
	s4 =	ssub.s32 $0x2, s4;
	s5 =	sor.u32 s5, s3  }
0xc: {  	_ =	strace $0x80000047;
	s3 =	sadd.s32 $0x10E00, s1;
	s8 =	sshrl.u32 s4, $0x1  }
0xd: {  	[dreg:$0x6] =	wrdreg s26;
	s26 =	simm.s32 $0x8900;
	s6 =	sadd.s32 s5, s1  }
0xe: {  	s5 =	smul.u32 $0x300, s5;
	s25 =	ssub.s32 s4, s8;
	s7 =	sadd.s32 $0x10C00, s6  }
0xf: {  	s4 =	sadd.s32 $0x10F00, s1;
	s6 =	sadd.s32 $0x10D00, s6;
	[dreg:$0x3] =	wrdreg s7  }
0x10: {  	v2 =	vlaneseq.u32;
	s8 =	simm.s32 $0xB900;
	[dreg:$0x4] =	wrdreg s6;
	s0 =	sadd.s32 s0, s5  }
0x11: {  	vm0 =	vmmov $0xffff;
	v1 =	vshrl.u32 v2, $0x3;
	s5 =	sadd.s32 $0x11000, s1;
	s6 =	smax.u32 s25, $0x1;
	s7 =	simm.s32 $0x3  }
0x12: {  	v0 =	vand.u32 $0x7, v2;
	v2 =	vor.u32 $0x8, v2;
	v1 =	vmul.u32 $0x8, v1;
	s1 =	simm.s32 $0x100;
	s25 =	simm.s32 $0x8100;
	[dreg:$0x5] =	wrdreg s0  }
.LBB2_1:
0x13: {  	s10 =	rddreg [dreg:$0x3]  }
0x14: {  	[tilespmem:s2], [sflag:$0x3] =	stream.linear.gather [hbm4b:s10+s2], $0x40, $0x38;
	[tilespmem:$0xC100] =	vst v63  }
0x15: {  	_ =	swait.ge [sflag:s7], $0x40  }
0x16: {  	s0 =	rddreg [dreg:$0x4];
	[sflag:s7] =	ssyncset.done $0x0  }
0x17: {  	s11 =	rddreg [dreg:$0x6];
	[sflag:s7] =	ssyncadd.s32 $0xFFFFFFC0  }
0x18: {  	[tilespmem:s11], [sflag:$0x3] =	stream.linear.gather [hbm4b:s0+s2], $0x40, $0x38;
	[tilespmem:$0xC100] =	vst v63  }
0x19: {  	_ =	swait.ge [sflag:s7], $0x40  }
0x1a: {  	[sflag:s7] =	ssyncset.done $0x0  }
0x1b: {  	s0 =	rddreg [dreg:$0x5];
	[sflag:s7] =	ssyncadd.s32 $0xFFFFFFC0  }
0x1c: {  	[tilespmem:s1], [sflag:$0x3] =	stream.linear.gather [hbm4b:s0+s2], $0xC000, $0x38;
	[tilespmem:$0xC100] =	vst v63  }
0x1d: {  	_ =	swait.ge [sflag:s7], $0xC000  }
0x1e: {  	[sflag:s7] =	ssyncset.done $0x0  }
0x1f: {  	[sflag:s7] =	ssyncadd.s32 $0xFFFF4000  }
0x20: {  	v3 =	vld [tilespmem:$0x0];
	_ =	sdelay $0x4  }
0x21: {  	v4 =	vshrl.u32 v3, $0x3  }
0x22: {  	v4 =	vmul.u32 $0x30, v4  }
0x23: {  	v3 =	vand.u32 $0x7, v3  }
0x24: {  	v3 =	vor.u32 v3, v4  }
0x25: {  	v4 =	vperm.xlane v3, v0;
	_ =	sdelay $0x1  }
0x26: {  	v4 =	vadd.s32 v1, v4;
	_ =	sdelay $0x3  }
0x27: {  	v3 =	vperm.xlane v3, v2  }
0x28: {  	[hbm4b:s3+s2] =	stream.indirect_vreg.scatter [tilespmem:s1], [sflag:$0x1], $0x80, v4, vm0, $0xb8;
	[tilespmem:$0xC100] =	vst v63  }
0x29: {  	s10 =	simm.s32 $0x900;
	v3 =	vadd.s32 v1, v3  }
0x2a: {  	[hbm4b:s4+s2] =	stream.indirect_vreg.scatter [tilespmem:s10], [sflag:$0x1], $0x80, v4, vm0, $0xb8;
	[tilespmem:$0xC100] =	vst v63  }
0x2b: {  	s11 =	simm.s32 $0x1100  }
0x2c: {  	[hbm4b:s5+s2] =	stream.indirect_vreg.scatter [tilespmem:s11], [sflag:$0x1], $0x80, v4, vm0, $0xb8;
	[tilespmem:$0xC100] =	vst v63  }
0x2d: {  	_ = 	snop  }
0x2e: {  	[hbm4b:s3+s2] =	stream.indirect_vreg.scatter [tilespmem:s12], [sflag:$0x1], $0x80, v3, vm0, $0xb8;
	[tilespmem:$0xC100] =	vst v63  }
0x2f: {  	_ = 	snop  }
0x30: {  	[hbm4b:s4+s2] =	stream.indirect_vreg.scatter [tilespmem:s13], [sflag:$0x1], $0x80, v3, vm0, $0xb8;
	[tilespmem:$0xC100] =	vst v63  }
0x31: {  	_ = 	snop  }
0x32: {  	[hbm4b:s5+s2] =	stream.indirect_vreg.scatter [tilespmem:s14], [sflag:$0x1], $0x80, v3, vm0, $0xb8;
	[tilespmem:$0xC100] =	vst v63  }
0x33: {  	v3 =	vld [tilespmem:$0x10];
	_ =	sdelay $0x4  }
0x34: {  	v57 =	vshrl.u32 v3, $0x3  }
0x35: {  	v4 =	vmul.u32 $0x30, v57  }
0x36: {  	v3 =	vand.u32 $0x7, v3  }
0x37: {  	v3 =	vor.u32 v3, v4  }
0x38: {  	v4 =	vperm.xlane v3, v0;
	_ =	sdelay $0x1  }
0x39: {  	v4 =	vadd.s32 v1, v4;
	_ =	sdelay $0x3  }
0x3a: {  	v3 =	vperm.xlane v3, v2  }
0x3b: {  	[hbm4b:s3+s2] =	stream.indirect_vreg.scatter [tilespmem:s15], [sflag:$0x1], $0x80, v4, vm0, $0xb8;
	[tilespmem:$0xC100] =	vst v63  }
0x3c: {  	v3 =	vadd.s32 v1, v3  }
0x3d: {  	[hbm4b:s4+s2] =	stream.indirect_vreg.scatter [tilespmem:s16], [sflag:$0x1], $0x80, v4, vm0, $0xb8;
	[tilespmem:$0xC100] =	vst v63  }
0x3e: {  	_ = 	snop  }
0x3f: {  	[hbm4b:s5+s2] =	stream.indirect_vreg.scatter [tilespmem:s17], [sflag:$0x1], $0x80, v4, vm0, $0xb8;
	[tilespmem:$0xC100] =	vst v63  }
0x40: {  	_ = 	snop  }
0x41: {  	[hbm4b:s3+s2] =	stream.indirect_vreg.scatter [tilespmem:s18], [sflag:$0x1], $0x80, v3, vm0, $0xb8;
	[tilespmem:$0xC100] =	vst v63  }
0x42: {  	_ = 	snop  }
0x43: {  	[hbm4b:s4+s2] =	stream.indirect_vreg.scatter [tilespmem:s19], [sflag:$0x1], $0x80, v3, vm0, $0xb8;
	[tilespmem:$0xC100] =	vst v63  }
0x44: {  	_ = 	snop  }
0x45: {  	[hbm4b:s5+s2] =	stream.indirect_vreg.scatter [tilespmem:s20], [sflag:$0x1], $0x80, v3, vm0, $0xb8;
	[tilespmem:$0xC100] =	vst v63  }
0x46: {  	v3 =	vld [tilespmem:$0x20];
	_ =	sdelay $0x4  }
0x47: {  	v58 =	vshrl.u32 v3, $0x3  }
0x48: {  	v4 =	vmul.u32 $0x30, v58  }
0x49: {  	v3 =	vand.u32 $0x7, v3  }
0x4a: {  	v3 =	vor.u32 v3, v4  }
0x4b: {  	v4 =	vperm.xlane v3, v0;
	_ =	sdelay $0x1  }
0x4c: {  	v4 =	vadd.s32 v1, v4;
	_ =	sdelay $0x3  }
0x4d: {  	v3 =	vperm.xlane v3, v2  }
0x4e: {  	[hbm4b:s3+s2] =	stream.indirect_vreg.scatter [tilespmem:s21], [sflag:$0x1], $0x80, v4, vm0, $0xb8;
	[tilespmem:$0xC100] =	vst v63  }
0x4f: {  	v3 =	vadd.s32 v1, v3  }
0x50: {  	[hbm4b:s4+s2] =	stream.indirect_vreg.scatter [tilespmem:s22], [sflag:$0x1], $0x80, v4, vm0, $0xb8;
	[tilespmem:$0xC100] =	vst v63  }
0x51: {  	_ = 	snop  }
0x52: {  	[hbm4b:s5+s2] =	stream.indirect_vreg.scatter [tilespmem:s23], [sflag:$0x1], $0x80, v4, vm0, $0xb8;
	[tilespmem:$0xC100] =	vst v63  }
0x53: {  	_ = 	snop  }
0x54: {  	[hbm4b:s3+s2] =	stream.indirect_vreg.scatter [tilespmem:s24], [sflag:$0x1], $0x80, v3, vm0, $0xb8;
	[tilespmem:$0xC100] =	vst v63  }
0x55: {  	_ = 	snop  }
0x56: {  	[hbm4b:s4+s2] =	stream.indirect_vreg.scatter [tilespmem:s25], [sflag:$0x1], $0x80, v3, vm0, $0xb8;
	[tilespmem:$0xC100] =	vst v63  }
0x57: {  	_ = 	snop  }
0x58: {  	[hbm4b:s5+s2] =	stream.indirect_vreg.scatter [tilespmem:s26], [sflag:$0x1], $0x80, v3, vm0, $0xb8;
	[tilespmem:$0xC100] =	vst v63  }
0x59: {  	v3 =	vld [tilespmem:$0x30];
	_ =	sdelay $0x4  }
0x5a: {  	v59 =	vshrl.u32 v3, $0x3  }
0x5b: {  	v4 =	vmul.u32 $0x30, v59  }
0x5c: {  	v3 =	vand.u32 $0x7, v3  }
0x5d: {  	v3 =	vor.u32 v3, v4  }
0x5e: {  	v4 =	vperm.xlane v3, v0;
	_ =	sdelay $0x1  }
0x5f: {  	v4 =	vadd.s32 v1, v4;
	_ =	sdelay $0x3  }
0x60: {  	v3 =	vperm.xlane v3, v2  }
0x61: {  	[hbm4b:s3+s2] =	stream.indirect_vreg.scatter [tilespmem:s28], [sflag:$0x1], $0x80, v4, vm0, $0xb8;
	[tilespmem:$0xC100] =	vst v63  }
0x62: {  	v3 =	vadd.s32 v1, v3  }
0x63: {  	[hbm4b:s4+s2] =	stream.indirect_vreg.scatter [tilespmem:s29], [sflag:$0x1], $0x80, v4, vm0, $0xb8;
	[tilespmem:$0xC100] =	vst v63  }
0x64: {  	_ = 	snop  }
0x65: {  	[hbm4b:s5+s2] =	stream.indirect_vreg.scatter [tilespmem:s30], [sflag:$0x1], $0x80, v4, vm0, $0xb8;
	[tilespmem:$0xC100] =	vst v63  }
0x66: {  	_ = 	snop  }
0x67: {  	[hbm4b:s3+s2] =	stream.indirect_vreg.scatter [tilespmem:s31], [sflag:$0x1], $0x80, v3, vm0, $0xb8;
	[tilespmem:$0xC100] =	vst v63  }
0x68: {  	s0 =	simm.s32 $0xB100  }
0x69: {  	[hbm4b:s4+s2] =	stream.indirect_vreg.scatter [tilespmem:s0], [sflag:$0x1], $0x80, v3, vm0, $0xb8;
	[tilespmem:$0xC100] =	vst v63  }
0x6a: {  	_ = 	snop  }
0x6b: {  	[hbm4b:s5+s2] =	stream.indirect_vreg.scatter [tilespmem:s8], [sflag:$0x1], $0x80, v3, vm0, $0xb8;
	[tilespmem:$0xC100] =	vst v63  }
0x6c: {  	v3 =	vld [tilespmem:$0x80];
	_ =	sdelay $0x4  }
0x6d: {  	v60 =	vshrl.u32 v3, $0x3  }
0x6e: {  	v4 =	vmul.u32 $0x30, v60  }
0x6f: {  	v3 =	vand.u32 $0x7, v3  }
0x70: {  	v3 =	vor.u32 v3, v4  }
0x71: {  	v4 =	vperm.xlane v3, v0;
	_ =	sdelay $0x1  }
0x72: {  	v4 =	vadd.s32 v1, v4;
	_ =	sdelay $0x3  }
0x73: {  	v3 =	vperm.xlane v3, v2  }
0x74: {  	[hbm4b:s3+s2] =	stream.indirect_vreg.scatter [tilespmem:s1], [sflag:$0x2], $0x80, v4, vm0, $0xb8;
	[tilespmem:$0xC100] =	vst v63  }
0x75: {  	v3 =	vadd.s32 v1, v3  }
0x76: {  	[hbm4b:s4+s2] =	stream.indirect_vreg.scatter [tilespmem:s10], [sflag:$0x2], $0x80, v4, vm0, $0xb8;
	[tilespmem:$0xC100] =	vst v63  }
0x77: {  	_ = 	snop  }
0x78: {  	[hbm4b:s5+s2] =	stream.indirect_vreg.scatter [tilespmem:s11], [sflag:$0x2], $0x80, v4, vm0, $0xb8;
	[tilespmem:$0xC100] =	vst v63  }
0x79: {  	_ = 	snop  }
0x7a: {  	[hbm4b:s3+s2] =	stream.indirect_vreg.scatter [tilespmem:s12], [sflag:$0x2], $0x80, v3, vm0, $0xb8;
	[tilespmem:$0xC100] =	vst v63  }
0x7b: {  	_ = 	snop  }
0x7c: {  	[hbm4b:s4+s2] =	stream.indirect_vreg.scatter [tilespmem:s13], [sflag:$0x2], $0x80, v3, vm0, $0xb8;
	[tilespmem:$0xC100] =	vst v63  }
0x7d: {  	_ = 	snop  }
0x7e: {  	[hbm4b:s5+s2] =	stream.indirect_vreg.scatter [tilespmem:s14], [sflag:$0x2], $0x80, v3, vm0, $0xb8;
	[tilespmem:$0xC100] =	vst v63  }
0x7f: {  	v3 =	vld [tilespmem:$0x90];
	_ =	sdelay $0x4  }
0x80: {  	v61 =	vshrl.u32 v3, $0x3  }
0x81: {  	v4 =	vmul.u32 $0x30, v61  }
0x82: {  	v3 =	vand.u32 $0x7, v3  }
0x83: {  	v3 =	vor.u32 v3, v4  }
0x84: {  	v4 =	vperm.xlane v3, v0;
	_ =	sdelay $0x1  }
0x85: {  	v4 =	vadd.s32 v1, v4;
	_ =	sdelay $0x3  }
0x86: {  	v3 =	vperm.xlane v3, v2  }
0x87: {  	[hbm4b:s3+s2] =	stream.indirect_vreg.scatter [tilespmem:s15], [sflag:$0x2], $0x80, v4, vm0, $0xb8;
	[tilespmem:$0xC100] =	vst v63  }
0x88: {  	v3 =	vadd.s32 v1, v3  }
0x89: {  	[hbm4b:s4+s2] =	stream.indirect_vreg.scatter [tilespmem:s16], [sflag:$0x2], $0x80, v4, vm0, $0xb8;
	[tilespmem:$0xC100] =	vst v63  }
0x8a: {  	_ = 	snop  }
0x8b: {  	[hbm4b:s5+s2] =	stream.indirect_vreg.scatter [tilespmem:s17], [sflag:$0x2], $0x80, v4, vm0, $0xb8;
	[tilespmem:$0xC100] =	vst v63  }
0x8c: {  	_ = 	snop  }
0x8d: {  	[hbm4b:s3+s2] =	stream.indirect_vreg.scatter [tilespmem:s18], [sflag:$0x2], $0x80, v3, vm0, $0xb8;
	[tilespmem:$0xC100] =	vst v63  }
0x8e: {  	_ = 	snop  }
0x8f: {  	[hbm4b:s4+s2] =	stream.indirect_vreg.scatter [tilespmem:s19], [sflag:$0x2], $0x80, v3, vm0, $0xb8;
	[tilespmem:$0xC100] =	vst v63  }
0x90: {  	_ = 	snop  }
0x91: {  	[hbm4b:s5+s2] =	stream.indirect_vreg.scatter [tilespmem:s20], [sflag:$0x2], $0x80, v3, vm0, $0xb8;
	[tilespmem:$0xC100] =	vst v63  }
0x92: {  	v3 =	vld [tilespmem:$0xA0];
	_ =	sdelay $0x4  }
0x93: {  	v62 =	vshrl.u32 v3, $0x3  }
0x94: {  	v4 =	vmul.u32 $0x30, v62  }
0x95: {  	v3 =	vand.u32 $0x7, v3  }
0x96: {  	v3 =	vor.u32 v3, v4  }
0x97: {  	v4 =	vperm.xlane v3, v0;
	_ =	sdelay $0x1  }
0x98: {  	v4 =	vadd.s32 v1, v4;
	_ =	sdelay $0x3  }
0x99: {  	v3 =	vperm.xlane v3, v2  }
0x9a: {  	[hbm4b:s3+s2] =	stream.indirect_vreg.scatter [tilespmem:s21], [sflag:$0x2], $0x80, v4, vm0, $0xb8;
	[tilespmem:$0xC100] =	vst v63  }
0x9b: {  	v3 =	vadd.s32 v1, v3  }
0x9c: {  	[hbm4b:s4+s2] =	stream.indirect_vreg.scatter [tilespmem:s22], [sflag:$0x2], $0x80, v4, vm0, $0xb8;
	[tilespmem:$0xC100] =	vst v63  }
0x9d: {  	_ = 	snop  }
0x9e: {  	[hbm4b:s5+s2] =	stream.indirect_vreg.scatter [tilespmem:s23], [sflag:$0x2], $0x80, v4, vm0, $0xb8;
	[tilespmem:$0xC100] =	vst v63  }
0x9f: {  	_ = 	snop  }
0xa0: {  	[hbm4b:s3+s2] =	stream.indirect_vreg.scatter [tilespmem:s24], [sflag:$0x2], $0x80, v3, vm0, $0xb8;
	[tilespmem:$0xC100] =	vst v63  }
0xa1: {  	_ = 	snop  }
0xa2: {  	[hbm4b:s4+s2] =	stream.indirect_vreg.scatter [tilespmem:s25], [sflag:$0x2], $0x80, v3, vm0, $0xb8;
	[tilespmem:$0xC100] =	vst v63  }
0xa3: {  	_ = 	snop  }
0xa4: {  	[hbm4b:s5+s2] =	stream.indirect_vreg.scatter [tilespmem:s26], [sflag:$0x2], $0x80, v3, vm0, $0xb8;
	[tilespmem:$0xC100] =	vst v63  }
0xa5: {  	v3 =	vld [tilespmem:$0xB0];
	_ =	sdelay $0x4  }
0xa6: {  	v63 =	vshrl.u32 v3, $0x3  }
0xa7: {  	v4 =	vmul.u32 $0x30, v63  }
0xa8: {  	v3 =	vand.u32 $0x7, v3  }
0xa9: {  	v3 =	vor.u32 v3, v4  }
0xaa: {  	v4 =	vperm.xlane v3, v0;
	_ =	sdelay $0x1  }
0xab: {  	v4 =	vadd.s32 v1, v4;
	_ =	sdelay $0x3  }
0xac: {  	v3 =	vperm.xlane v3, v2  }
0xad: {  	[hbm4b:s3+s2] =	stream.indirect_vreg.scatter [tilespmem:s28], [sflag:$0x2], $0x80, v4, vm0, $0xb8;
	[tilespmem:$0xC100] =	vst v63  }
0xae: {  	v3 =	vadd.s32 v1, v3  }
0xaf: {  	[hbm4b:s4+s2] =	stream.indirect_vreg.scatter [tilespmem:s29], [sflag:$0x2], $0x80, v4, vm0, $0xb8;
	[tilespmem:$0xC100] =	vst v63  }
0xb0: {  	_ = 	snop  }
0xb1: {  	[hbm4b:s5+s2] =	stream.indirect_vreg.scatter [tilespmem:s30], [sflag:$0x2], $0x80, v4, vm0, $0xb8;
	[tilespmem:$0xC100] =	vst v63  }
0xb2: {  	_ = 	snop  }
0xb3: {  	[hbm4b:s3+s2] =	stream.indirect_vreg.scatter [tilespmem:s31], [sflag:$0x2], $0x80, v3, vm0, $0xb8;
	[tilespmem:$0xC100] =	vst v63  }
0xb4: {  	_ = 	snop  }
0xb5: {  	[hbm4b:s4+s2] =	stream.indirect_vreg.scatter [tilespmem:s0], [sflag:$0x2], $0x80, v3, vm0, $0xb8;
	[tilespmem:$0xC100] =	vst v63  }
0xb6: {  	s11 =	simm.s32 $0x1  }
0xb7: {  	[hbm4b:s5+s2] =	stream.indirect_vreg.scatter [tilespmem:s8], [sflag:$0x2], $0x80, v3, vm0, $0xb8;
	[tilespmem:$0xC100] =	vst v63  }
0xb8: {  	p0 =	sne.s32 s6, $0x1;
	_ =	swait.ge [sflag:s11], $0xC000  }
.Ltmp0:
0xb9: {  	[sflag:s11] =	ssyncset.done $0x0;
	(pc) =	sbr.rel @p0 .LBB2_1-.Ltmp0, $4  }
0xba: {  	[sflag:s11] =	ssyncadd.s32 $0xFFFF4000  }
0xbb: {  	_ =	swait.ge [sflag:s9], $0xC000  }
0xbc: {  	[sflag:s9] =	ssyncset.done $0x0  }
0xbd: {  	s6 =	sadd.s32 $0xFFFFFFFF, s6;
	[sflag:s9] =	ssyncadd.s32 $0xFFFF4000  }
0xbe: {  	_ =	sfence.sel $0x180000  }
0xbf: {  	[bflag:$0x0] =	sbarrier.arrive $0xFFFF  }
0xc0: {  	_ =	strace $0x90000047  }
0xc1: {  	s0 =	stileid.u32;
	[bflag:$0x2] =	sbarrier.arrive $0xFFFF  }
0xc2: {  	p0 =	sne.s32 s0, $0x0;
	s0 =	rddreg [dreg:$0x2]  }
0xc3: {  	s0 =	sadd.s32 @!p0 $0x100000, s0  }
0xc4: {  	[sflag:s0] =	ssyncadd.tile.s32 @!p0 $0x1;
	_ =	shalt  }
.Lfunc_end2:
_tile_overlayer_lowered:
.L_overlay_start_2:
0xc5: {  	(tag) =	ssettag $0x2  }
0xc6: {  	s0 =	rddreg [dreg:$0x0];
	s2 =	stileid.u32  }
0xc7: {  	s1 =	rddreg [dreg:$0x1];
	p0 =	sne.s32 s2, $0x0  }
0xc8: {  	s3 =	rddreg [dreg:$0x2];
	[bflag:$0x3] =	sbarrier.arrive $0xFFFF;
	s2 =	simm.s32 @!p0 $0x1C03  }
0xc9: {  	[timem:s3], [sflag:s2] =	dma.local @!p0 [hbm:s0], s1  }
0xca: {  	s0 =	simm.s32 @!p0 $0x3  }
0xcb: {  	_ =	swait.ge @!p0 [sflag:s0], s1  }
0xcc: {  	s1 =	ssub.s32 @!p0 $0x0, s1;
	[sflag:s0] =	ssyncset.done @!p0 $0x0  }
0xcd: {  	[sflag:s0] =	ssyncadd.s32 @!p0 s1  }
0xce: {  	[bflag:$0x3] =	sbarrier.arrive $0xFFFF  }
0xcf: {  	_ =	shalt  }

// kernel: kernel.9.cloned.1.call-start
scs
__scs_entry_jumppad:
0x0: {  	(pc) =	sbr.rel $0x88, $3  }
0x1: {  	(tag) =	ssettag $0x0;
	lr =	simm.s32 $0x1  }
0x2: {  	[smem:$0x3F99] =	sst lr;
	_ =	strace $0xD0000000  }
0x3: {  	_ = 	snop  }
0x4: {  	_ = 	snop  }
0x5: {  	_ = 	snop  }
0x6: {  	_ = 	snop  }
0x7: {  	_ = 	snop  }
__scs_overlays_trampoline_lowered:
0x8: {  	[smem:$0x3FA8] =	sst s0  }
0x9: {  	[smem:$0x3FA9] =	sst s1  }
0xa: {  	[smem:$0x3FAA] =	sst s2  }
0xb: {  	[smem:$0x3FAB] =	sst s3  }
0xc: {  	[smem:$0x3FAC] =	sst s4  }
0xd: {  	[smem:$0x3FAD] =	sst s5  }
0xe: {  	[smem:$0x3FAE] =	sst s6  }
0xf: {  	[smem:$0x3FAF] =	sst s7  }
0x10: {  	[smem:$0x3FB0] =	sst s8  }
0x11: {  	[smem:$0x3FB1] =	sst s9;
	s0 =	simm.s32 @!p0 $0x0  }
0x12: {  	s1 =	sld [smem:$0x3F97];
	s0 =	simm.s32 @p0 $0x1  }
0x13: {  	[smem:$0x3FB2] =	sst s0;
	s0 =	simm.s32 @!p1 $0x0  }
0x14: {  	s2 =	sld [smem:$0x3F96];
	s0 =	simm.s32 @p1 $0x1  }
0x15: {  	[smem:$0x3FB3] =	sst s0;
	s0 =	simm.s32 @!p2 $0x0  }
0x16: {  	s3 =	sld [smem:$0x3FDB];
	s0 =	simm.s32 @p2 $0x1  }
0x17: {  	s4 =	simm.s32 $0x1BF5;
	[smem:$0x3FB5] =	sst s0  }
0x18: {  	s0 =	sld [smem:$0x3F98];
	_ =	swait.ge [sflag:s4], $0x0  }
0x19: {  	s7 =	sld [smem:$0x3F99]  }
0x1a: {  	s8 =	sadd.s32 $0xFFFFE003, lr  }
0x1b: {  	s9 =	sadd.s32 $0xFFFFFEF7, lr;
	s5 =	simm.s32 $0xFFFFFFFF;
	p2 =	slt.u32 s8, $0xFFFFF086  }
0x1c: {  	p1 =	slt.u32 s9, $0xF7A;
	s5 =	simm.s32 @!p2 $0x0  }
0x1d: {  	s5 =	simm.s32 @p1 $0x1;
	p0 =	seq.s32 s7, s2  }
0x1e: {  	s7 =	smul.u32 @!p0 $0xF7A, s2;
	p2 =	seq.s32 @!p0 s5, $0x0  }
0x1f: {  	s9 =	smul.u32 $0xF7A, s1;
	s8 =	simm.s32 @!p0 $0x1BF5;
	p2 =	por !p2, p0  }
0x20: {  	[sflag:s8] =	ssyncset.s32 @!p0 $0xFFFFF086;
	s6 =	sadd.s32 @!p0 s3, s7;
	s7 =	simm.s32 @!p0 $0x108  }
0x21: {  	s3 =	sadd.s32 s3, s9;
	s6 =	sadd.s32 @!p0 $0x88, s6;
	s7 =	simm.s32 @p2 $0x1082  }
0x22: {  	[simem:s7], [sflag:s8] =	dma.local @!p0 [hbm:s6], $0xF7A  }
0x23: {  	s9 =	sor.u32 $0xD0000000, s2;
	s6 =	simm.s32 $0x108;
	_ =	swait.ge @!p0 [sflag:s8], $0x0  }
0x24: {  	s3 =	sadd.s32 $0x88, s3;
	s6 =	simm.s32 @!p1 $0x1082;
	[sflag:s4] =	ssyncset.s32 $0xFFFFF086  }
0x25: {  	[simem:s6], [sflag:s4] =	dma.local [hbm:s3], $0xF7A  }
0x26: {  	[smem:$0x3F99] =	sst s1;
	(tag) =	ssettag s2;
	_ =	strace s9  }
0x27: {  	s1 =	sld [smem:$0x3FA9]  }
0x28: {  	s2 =	sld [smem:$0x3FAA]  }
0x29: {  	s4 =	sld [smem:$0x3FAC]  }
0x2a: {  	p0 =	seq.s32 s5, $0x0;
	s5 =	sld [smem:$0x3FAD]  }
0x2b: {  	s6 =	sld [smem:$0x3FAE]  }
0x2c: {  	s7 =	sld [smem:$0x3FAF]  }
0x2d: {  	s3 =	simm.s32 $0x108;
	s8 =	sld [smem:$0x3FB0]  }
0x2e: {  	s3 =	simm.s32 @!p0 $0x1082;
	s9 =	sld [smem:$0x3FB1]  }
0x2f: {  	lr =	sadd.s32 s0, s3;
	s0 =	sld [smem:$0x3FA8]  }
0x30: {  	s3 =	sld [smem:$0x3FAB]  }
0x31: {  	[smem:$0x3FB4] =	sst s10  }
0x32: {  	s10 =	sld [smem:$0x3FB2];
	_ =	sdelay $0x3  }
0x33: {  	p0 =	seq.s32 s10, $0x1;
	s10 =	sld [smem:$0x3FB4];
	_ =	sdelay $0x3  }
0x34: {  	[smem:$0x3FB4] =	sst s10  }
0x35: {  	s10 =	sld [smem:$0x3FB3];
	_ =	sdelay $0x3  }
0x36: {  	p1 =	seq.s32 s10, $0x1;
	s10 =	sld [smem:$0x3FB4];
	_ =	sdelay $0x3  }
0x37: {  	[smem:$0x3FB4] =	sst s10  }
0x38: {  	s10 =	sld [smem:$0x3FB5]  }
0x39: {  	_ = 	snop;
	(pc) =	sbr.ind lr, $3  }
0x3a: {  	_ = 	snop  }
0x3b: {  	_ = 	snop  }
0x3c: {  	p2 =	seq.s32 s10, $0x1;
	s10 =	sld [smem:$0x3FB4]  }
0x3d: {  	_ =	shalt  }
0x3e: {  	_ =	shalt  }
0x3f: {  	_ =	shalt  }
0x40: {  	_ =	shalt  }
0x41: {  	_ =	shalt  }
0x42: {  	_ =	shalt  }
0x43: {  	_ =	shalt  }
0x44: {  	_ =	shalt  }
0x45: {  	_ =	shalt  }
0x46: {  	_ =	shalt  }
0x47: {  	_ =	shalt  }
0x48: {  	_ =	shalt  }
0x49: {  	_ =	shalt  }
0x4a: {  	_ =	shalt  }
0x4b: {  	_ =	shalt  }
0x4c: {  	_ =	shalt  }
0x4d: {  	_ =	shalt  }
0x4e: {  	_ =	shalt  }
0x4f: {  	_ =	shalt  }
0x50: {  	_ =	shalt  }
0x51: {  	_ =	shalt  }
0x52: {  	_ =	shalt  }
0x53: {  	_ =	shalt  }
0x54: {  	_ =	shalt  }
0x55: {  	_ =	shalt  }
0x56: {  	_ =	shalt  }
0x57: {  	_ =	shalt  }
0x58: {  	_ =	shalt  }
0x59: {  	_ =	shalt  }
0x5a: {  	_ =	shalt  }
0x5b: {  	_ =	shalt  }
0x5c: {  	_ =	shalt  }
0x5d: {  	_ =	shalt  }
0x5e: {  	_ =	shalt  }
0x5f: {  	_ =	shalt  }
0x60: {  	_ =	shalt  }
0x61: {  	_ =	shalt  }
0x62: {  	_ =	shalt  }
0x63: {  	_ =	shalt  }
0x64: {  	_ =	shalt  }
0x65: {  	_ =	shalt  }
0x66: {  	_ =	shalt  }
0x67: {  	_ =	shalt  }
0x68: {  	_ =	shalt  }
0x69: {  	_ =	shalt  }
0x6a: {  	_ =	shalt  }
0x6b: {  	_ =	shalt  }
0x6c: {  	_ =	shalt  }
0x6d: {  	_ =	shalt  }
0x6e: {  	_ =	shalt  }
0x6f: {  	_ =	shalt  }
0x70: {  	_ =	shalt  }
0x71: {  	_ =	shalt  }
0x72: {  	_ =	shalt  }
0x73: {  	_ =	shalt  }
0x74: {  	_ =	shalt  }
0x75: {  	_ =	shalt  }
0x76: {  	_ =	shalt  }
0x77: {  	_ =	shalt  }
0x78: {  	_ =	shalt  }
0x79: {  	_ =	shalt  }
0x7a: {  	_ =	shalt  }
0x7b: {  	_ =	shalt  }
0x7c: {  	_ =	shalt  }
0x7d: {  	_ =	shalt  }
0x7e: {  	_ =	shalt  }
0x7f: {  	_ =	shalt  }
0x80: {  	_ =	shalt  }
0x81: {  	_ =	shalt  }
0x82: {  	_ =	shalt  }
0x83: {  	_ =	shalt  }
0x84: {  	_ =	shalt  }
0x85: {  	_ =	shalt  }
0x86: {  	_ =	shalt  }
0x87: {  	_ =	shalt  }
.Lfunc_end0:
.L_simem_size_0:
called_computation.1_lowered:
.L_overlay_start_0:
0x88: {  	s2 =	sld [smem:$0x3FD9]  }
0x89: {  	s3 =	sld [smem:$0x3FFE];
	_ =	sdelay $0x1  }
0x8a: {  	s1 =	srdreg.scid  }
0x8b: {  	s0 =	sand.u32 $0x1, s1  }
0x8c: {  	s14 =	sshll.u32 s0, $0xA;
	s2 =	sadd.s32 s3, s2  }
0x8d: {  	s2 =	sadd.s32 s2, s14  }
0x8e: {  	[smem:$0x3FC0] =	sst s2  }
0x8f: {  	_ = 	snop  }
0x90: {  	s2 =	sld [smem:$0x3FD0];
	_ =	sdelay $0x2  }
0x91: {  	s15 =	simm.s32 $0xA;
	s4 =	simm.s32 $0x10  }
0x92: {  	[smem:s4], [sflag:s15] =	dma.local [hbm:s2], $0x1  }
0x93: {  	_ =	swait.eq [sflag:s15], $0x1  }
0x94: {  	[sflag:s15] =	ssyncset.done $0x0  }
0x95: {  	[sflag:s15] =	ssyncadd.s32 $0xFFFFFFFF  }
0x96: {  	s16 =	sld [smem:$0x10];
	(tm) =	ssettm $0x1  }
0x97: {  	s17 =	sld [smem:$0x3FFB];
	_ =	sdelay $0x3  }
0x98: {  	_ =	strace s17  }
0x99: {  	s3 =	sld [smem:$0x3FFC];
	_ =	sdelay $0x3  }
0x9a: {  	_ =	strace s3  }
0x9b: {  	s3 =	sld [smem:$0x3FFD];
	_ =	sdelay $0x3  }
0x9c: {  	_ =	strace s3  }
0x9d: {  	_ =	strace $0x8FFFFFFF  }
0x9e: {  	s18 =	sld [smem:$0x3FDB];
	_ =	sdelay $0x1  }
0x9f: {  	s19 =	simm.s32 $_scs_section_size  }
0xa0: {  	s5 =	simm.s32 $_size__tile_overlayer_lowered;
	s6 =	simm.s32 $_tile_overlayer_lowered  }
0xa1: {  	s22 =	simm.s32 $0x1BFF;
	s21 =	sshll.u32 s6, $0x1;
	s3 =	sadd.s32 s19, s18  }
0xa2: {  	s7 =	simm.s32 $0x0;
	s20 =	sshll.u32 s5, $0x1;
	s5 =	sadd.s32 s21, s3  }
0xa3: {  	[timem:s7], [sflag:s22] =	dma.local [hbm:s5], s20  }
0xa4: {  	_ =	swait.ge [sflag:s22], s20  }
0xa5: {  	s4 =	ssub.s32 $0x0, s20;
	[sflag:s22] =	ssyncset.done $0x0  }
0xa6: {  	[sflag:s22] =	ssyncadd.s32 s4;
	_ =	sdelay $0x1  }
0xa7: {  	s23 =	simm.s32 $0x1B8B  }
0xa8: {  	_ =	swait.ge [sflag:s23], $0x1  }
0xa9: {  	[sflag:s23] =	ssyncset.done $0x0  }
0xaa: {  	s25 =	simm.s32 $0x1B8E;
	s24 =	sld [smem:$0x3FFE];
	[sflag:s23] =	ssyncadd.s32 $0xFFFFFFFF  }
0xab: {  	s26 =	simm.s32 $execute0_lowered;
	[smem:$0x3FD2] =	sst s25  }
0xac: {  	s5 =	sshll.u32 s26, $0x1;
	_ =	strace $0x80000049;
	[dreg:$0x1] =	wrdreg $0xFFFFFFFF  }
0xad: {  	s28 =	simm.s32 $_size_execute0_lowered;
	s3 =	sadd.s32 s3, s5;
	[dreg:$0x0] =	wrdreg $0x0  }
0xae: {  	s5 =	sshll.u32 s28, $0x1;
	[dreg:$0x2] =	wrdreg s3  }
0xaf: {  	[dreg:$0x3] =	wrdreg s5  }
0xb0: {  	[dreg:$0x4] =	wrdreg $0xC0  }
0xb1: {  	_ =	task [dreg:s7], $0x5FFFF  }
0xb2: {  	[dreg:$0x1] =	wrdreg $0xFFFFFFFF  }
0xb3: {  	[dreg:$0x0] =	wrdreg $0x60  }
0xb4: {  	[dreg:$0x2] =	wrdreg s24  }
0xb5: {  	[dreg:$0x3] =	wrdreg s16  }
0xb6: {  	[dreg:$0x4] =	wrdreg $0x9  }
0xb7: {  	_ =	task.clear_ibuf [dreg:s7], $0x5FFFF;
	_ =	strace $0x90000049  }
0xb8: {  	s29 =	simm.s32 $0x9;
	_ =	strace $0x8000004B  }
0xb9: {  	_ =	swait.ge [sflag:s29], $0x1  }
0xba: {  	[sflag:s29] =	ssyncadd.s32 $0xFFFFFFFF  }
0xbb: {  	_ =	strace $0x9000004B  }
0xbc: {  	_ =	sfence  }
0xbd: {  	s30 =	sld [smem:$0x0];
	_ =	sdelay $0x2  }
0xbe: {  	s31 =	sshll.u32 s1, $0xD;
	s1 =	sshrl.u32 s1, $0x2  }
0xbf: {  	s3 =	sand.u32 $0x4000, s31;
	s1 =	sadd.s32 s1, s30  }
0xc0: {  	s0 =	sor.u32 s3, s0;
	s1 =	sshll.u32 s1, $0x11  }
0xc1: {  	s0 =	sor.u32 s1, s0  }
0xc2: {  	s0 =	sadd.s32 $0x8F2B, s0  }
0xc3: {  	[sflag:s0] =	ssyncadd.remote.s32 $0x1  }
0xc4: {  	_ =	sfence.sel $0xFFFF  }
0xc5: {  	[dreg:$0x0] =	wrdreg $0xFFFFFFFF;
	(pc) =	sbr.abs _section_cstart, $3  }
0xc6: {  	[dreg:$0x1] =	wrdreg $0xFFFFFFFF  }
0xc7: {  	_ =	task.clear_ibuf [dreg:s7], $0x2FFFF;
	_ =	strace $0x9FFFFFFF  }
0xc8: {  	(tm) =	ssettm $0x7FFFFFFF  }
0xc9: {  	_ =	shalt  }
tec
execute0_lowered:
.L_overlay_start_1:
0x0: {  	(tag) =	ssettag $0x1  }
0x1: {  	s0 =	rddreg [dreg:$0x0]  }
0x2: {  	s2 =	rddreg [dreg:$0x1];
	s1 =	simm.s32 $0x0  }
0x3: {  	s4 =	srdreg.scid;
	s6 =	stileid.u32;
	s14 =	simm.s32 $0x4100  }
0x4: {  	s15 =	simm.s32 $0x17900;
	s16 =	simm.s32 $0x18100;
	s17 =	simm.s32 $0x18900  }
0x5: {  	s18 =	simm.s32 $0x19100;
	s19 =	simm.s32 $0x19900;
	s20 =	simm.s32 $0x1A100  }
0x6: {  	s21 =	simm.s32 $0x1A900;
	s22 =	simm.s32 $0x1B100;
	s23 =	simm.s32 $0x1B900  }
0x7: {  	s24 =	simm.s32 $0x1;
	s25 =	simm.s32 $0x2;
	s26 =	simm.s32 $0x0  }
0x8: {  	[smem:$0x7FF] =	sst s1;
	s3 =	sadd.s32 $0xA2000, s0;
	s4 =	sand.u32 $0x1, s4  }
0x9: {  	s5 =	sadd.s32 $0x10C00, s0;
	s6 =	sshll.u32 s6, $0x7;
	s7 =	sshll.u32 s4, $0x6  }
0xa: {  	s8 =	sadd.s32 $0xC00, s0;
	s4 =	ssub.s32 $0x2, s4;
	s6 =	sor.u32 s7, s6  }
0xb: {  	_ =	strace $0x8000004A;
	s30 =	sshrl.u32 s4, $0x1;
	s9 =	sshrl.u32 s6, $0x3  }
0xc: {  	s10 =	sor.u32 $0x800, s6;
	s11 =	ssub.s32 s4, s30;
	s6 =	sshll.u32 s6, $0x4  }
0xd: {  	s4 =	sadd.s32 s5, s9;
	s31 =	sshrl.u32 s10, $0x3;
	s10 =	sshll.u32 s10, $0x4  }
0xe: {  	v2 =	vlaneseq.u32;
	s12 =	smul.u32 $0x300, s9;
	s6 =	sadd.s32 s8, s6;
	s9 =	sadd.s32 $0xA2200, s0  }
0xf: {  	vm0 =	vmmov $0xffff;
	v1 =	vshrl.u32 v2, $0x3;
	s11 =	smax.u32 s11, $0x1;
	s5 =	sadd.s32 s5, s31;
	s7 =	sadd.s32 s8, s10  }
0x10: {  	v0 =	vand.u32 $0x7, v2;
	v2 =	vor.u32 $0x8, v2;
	v1 =	vmul.u32 $0x8, v1;
	s8 =	sadd.s32 $0xA2100, s0;
	s10 =	sadd.s32 s2, s12;
	s12 =	simm.s32 $0x3  }
.LBB2_1:
0x11: {  	[tilespmem:s1], [sflag:$0x3] =	stream.linear.gather [hbm4b:s4+s1], $0x40, $0x38;
	[tilespmem:$0x1C100] =	vst v63  }
0x12: {  	_ =	swait.ge [sflag:s12], $0x40  }
0x13: {  	[sflag:s12] =	ssyncset.done $0x0  }
0x14: {  	s0 =	simm.s32 $0x80;
	[sflag:s12] =	ssyncadd.s32 $0xFFFFFFC0  }
0x15: {  	[tilespmem:s0], [sflag:$0x3] =	stream.linear.gather [hbm4b:s5+s1], $0x40, $0x38;
	[tilespmem:$0x1C100] =	vst v63  }
0x16: {  	_ =	swait.ge [sflag:s12], $0x40  }
0x17: {  	[sflag:s12] =	ssyncset.done $0x0  }
0x18: {  	s28 =	simm.s32 $0x100;
	[sflag:s12] =	ssyncadd.s32 $0xFFFFFFC0  }
0x19: {  	[tilespmem:s28], [sflag:$0x3] =	stream.linear.gather [hbm4b:s6+s1], $0x2000, $0x38;
	[tilespmem:$0x1C100] =	vst v63  }
0x1a: {  	_ =	swait.ge [sflag:s12], $0x2000  }
0x1b: {  	[sflag:s12] =	ssyncset.done $0x0  }
0x1c: {  	s29 =	simm.s32 $0x2100;
	[sflag:s12] =	ssyncadd.s32 $0xFFFFE000  }
0x1d: {  	[tilespmem:s29], [sflag:$0x3] =	stream.linear.gather [hbm4b:s7+s1], $0x2000, $0x38;
	[tilespmem:$0x1C100] =	vst v63  }
0x1e: {  	_ =	swait.ge [sflag:s12], $0x2000  }
0x1f: {  	[sflag:s12] =	ssyncset.done $0x0  }
0x20: {  	[sflag:s12] =	ssyncadd.s32 $0xFFFFE000  }
0x21: {  	v3 =	vld [tilespmem:$0x0];
	_ =	sdelay $0x4  }
0x22: {  	v4 =	vshrl.u32 v3, $0x3  }
0x23: {  	v4 =	vmul.u32 $0x30, v4  }
0x24: {  	v3 =	vand.u32 $0x7, v3  }
0x25: {  	v3 =	vor.u32 v3, v4  }
0x26: {  	v4 =	vperm.xlane v3, v0;
	_ =	sdelay $0x1  }
0x27: {  	v4 =	vadd.s32 v1, v4;
	_ =	sdelay $0x3  }
0x28: {  	v3 =	vperm.xlane v3, v2  }
0x29: {  	[tilespmem:s14], [sflag:$0x1] =	stream.indirect_vreg.gather [hbm4b:s3+s1], $0x80, v4, vm0, $0xb8;
	[tilespmem:$0x1C100] =	vst v63  }
0x2a: {  	s13 =	simm.s32 $0x4900;
	v3 =	vadd.s32 v1, v3  }
0x2b: {  	[tilespmem:s13], [sflag:$0x1] =	stream.indirect_vreg.gather [hbm4b:s8+s1], $0x80, v4, vm0, $0xb8;
	[tilespmem:$0x1C100] =	vst v63  }
0x2c: {  	s2 =	simm.s32 $0x5100  }
0x2d: {  	[tilespmem:s2], [sflag:$0x1] =	stream.indirect_vreg.gather [hbm4b:s9+s1], $0x80, v4, vm0, $0xb8;
	[tilespmem:$0x1C100] =	vst v63  }
0x2e: {  	s13 =	simm.s32 $0x5900  }
0x2f: {  	[tilespmem:s13], [sflag:$0x1] =	stream.indirect_vreg.gather [hbm4b:s3+s1], $0x80, v3, vm0, $0xb8;
	[tilespmem:$0x1C100] =	vst v63  }
0x30: {  	s2 =	simm.s32 $0x6100  }
0x31: {  	[tilespmem:s2], [sflag:$0x1] =	stream.indirect_vreg.gather [hbm4b:s8+s1], $0x80, v3, vm0, $0xb8;
	[tilespmem:$0x1C100] =	vst v63  }
0x32: {  	s13 =	simm.s32 $0x6900  }
0x33: {  	[tilespmem:s13], [sflag:$0x1] =	stream.indirect_vreg.gather [hbm4b:s9+s1], $0x80, v3, vm0, $0xb8;
	[tilespmem:$0x1C100] =	vst v63  }
0x34: {  	v3 =	vld [tilespmem:$0x10];
	_ =	sdelay $0x4  }
0x35: {  	v4 =	vshrl.u32 v3, $0x3  }
0x36: {  	v4 =	vmul.u32 $0x30, v4  }
0x37: {  	v3 =	vand.u32 $0x7, v3  }
0x38: {  	v3 =	vor.u32 v3, v4  }
0x39: {  	v4 =	vperm.xlane v3, v0;
	_ =	sdelay $0x1  }
0x3a: {  	v4 =	vadd.s32 v1, v4;
	_ =	sdelay $0x3  }
0x3b: {  	s2 =	simm.s32 $0x7100;
	v3 =	vperm.xlane v3, v2  }
0x3c: {  	[tilespmem:s2], [sflag:$0x1] =	stream.indirect_vreg.gather [hbm4b:s3+s1], $0x80, v4, vm0, $0xb8;
	[tilespmem:$0x1C100] =	vst v63  }
0x3d: {  	s13 =	simm.s32 $0x7900;
	v3 =	vadd.s32 v1, v3  }
0x3e: {  	[tilespmem:s13], [sflag:$0x1] =	stream.indirect_vreg.gather [hbm4b:s8+s1], $0x80, v4, vm0, $0xb8;
	[tilespmem:$0x1C100] =	vst v63  }
0x3f: {  	s2 =	simm.s32 $0x8100  }
0x40: {  	[tilespmem:s2], [sflag:$0x1] =	stream.indirect_vreg.gather [hbm4b:s9+s1], $0x80, v4, vm0, $0xb8;
	[tilespmem:$0x1C100] =	vst v63  }
0x41: {  	s13 =	simm.s32 $0x8900  }
0x42: {  	[tilespmem:s13], [sflag:$0x1] =	stream.indirect_vreg.gather [hbm4b:s3+s1], $0x80, v3, vm0, $0xb8;
	[tilespmem:$0x1C100] =	vst v63  }
0x43: {  	s2 =	simm.s32 $0x9100  }
0x44: {  	[tilespmem:s2], [sflag:$0x1] =	stream.indirect_vreg.gather [hbm4b:s8+s1], $0x80, v3, vm0, $0xb8;
	[tilespmem:$0x1C100] =	vst v63  }
0x45: {  	s13 =	simm.s32 $0x9900  }
0x46: {  	[tilespmem:s13], [sflag:$0x1] =	stream.indirect_vreg.gather [hbm4b:s9+s1], $0x80, v3, vm0, $0xb8;
	[tilespmem:$0x1C100] =	vst v63  }
0x47: {  	v3 =	vld [tilespmem:$0x20];
	_ =	sdelay $0x4  }
0x48: {  	v4 =	vshrl.u32 v3, $0x3  }
0x49: {  	v4 =	vmul.u32 $0x30, v4  }
0x4a: {  	v3 =	vand.u32 $0x7, v3  }
0x4b: {  	v3 =	vor.u32 v3, v4  }
0x4c: {  	v4 =	vperm.xlane v3, v0;
	_ =	sdelay $0x1  }
0x4d: {  	v4 =	vadd.s32 v1, v4;
	_ =	sdelay $0x3  }
0x4e: {  	s2 =	simm.s32 $0xA100;
	v3 =	vperm.xlane v3, v2  }
0x4f: {  	[tilespmem:s2], [sflag:$0x1] =	stream.indirect_vreg.gather [hbm4b:s3+s1], $0x80, v4, vm0, $0xb8;
	[tilespmem:$0x1C100] =	vst v63  }
0x50: {  	s13 =	simm.s32 $0xA900;
	v3 =	vadd.s32 v1, v3  }
0x51: {  	[tilespmem:s13], [sflag:$0x1] =	stream.indirect_vreg.gather [hbm4b:s8+s1], $0x80, v4, vm0, $0xb8;
	[tilespmem:$0x1C100] =	vst v63  }
0x52: {  	s2 =	simm.s32 $0xB100  }
0x53: {  	[tilespmem:s2], [sflag:$0x1] =	stream.indirect_vreg.gather [hbm4b:s9+s1], $0x80, v4, vm0, $0xb8;
	[tilespmem:$0x1C100] =	vst v63  }
0x54: {  	s13 =	simm.s32 $0xB900  }
0x55: {  	[tilespmem:s13], [sflag:$0x1] =	stream.indirect_vreg.gather [hbm4b:s3+s1], $0x80, v3, vm0, $0xb8;
	[tilespmem:$0x1C100] =	vst v63  }
0x56: {  	s2 =	simm.s32 $0xC100  }
0x57: {  	[tilespmem:s2], [sflag:$0x1] =	stream.indirect_vreg.gather [hbm4b:s8+s1], $0x80, v3, vm0, $0xb8;
	[tilespmem:$0x1C100] =	vst v63  }
0x58: {  	s13 =	simm.s32 $0xC900  }
0x59: {  	[tilespmem:s13], [sflag:$0x1] =	stream.indirect_vreg.gather [hbm4b:s9+s1], $0x80, v3, vm0, $0xb8;
	[tilespmem:$0x1C100] =	vst v63  }
0x5a: {  	v3 =	vld [tilespmem:$0x30];
	_ =	sdelay $0x4  }
0x5b: {  	v4 =	vshrl.u32 v3, $0x3  }
0x5c: {  	v4 =	vmul.u32 $0x30, v4  }
0x5d: {  	v3 =	vand.u32 $0x7, v3  }
0x5e: {  	v3 =	vor.u32 v3, v4  }
0x5f: {  	v4 =	vperm.xlane v3, v0;
	_ =	sdelay $0x1  }
0x60: {  	v4 =	vadd.s32 v1, v4;
	_ =	sdelay $0x3  }
0x61: {  	s2 =	simm.s32 $0xD100;
	v3 =	vperm.xlane v3, v2  }
0x62: {  	[tilespmem:s2], [sflag:$0x1] =	stream.indirect_vreg.gather [hbm4b:s3+s1], $0x80, v4, vm0, $0xb8;
	[tilespmem:$0x1C100] =	vst v63  }
0x63: {  	s13 =	simm.s32 $0xD900;
	v3 =	vadd.s32 v1, v3  }
0x64: {  	[tilespmem:s13], [sflag:$0x1] =	stream.indirect_vreg.gather [hbm4b:s8+s1], $0x80, v4, vm0, $0xb8;
	[tilespmem:$0x1C100] =	vst v63  }
0x65: {  	s2 =	simm.s32 $0xE100  }
0x66: {  	[tilespmem:s2], [sflag:$0x1] =	stream.indirect_vreg.gather [hbm4b:s9+s1], $0x80, v4, vm0, $0xb8;
	[tilespmem:$0x1C100] =	vst v63  }
0x67: {  	s13 =	simm.s32 $0xE900  }
0x68: {  	[tilespmem:s13], [sflag:$0x1] =	stream.indirect_vreg.gather [hbm4b:s3+s1], $0x80, v3, vm0, $0xb8;
	[tilespmem:$0x1C100] =	vst v63  }
0x69: {  	s2 =	simm.s32 $0xF100  }
0x6a: {  	[tilespmem:s2], [sflag:$0x1] =	stream.indirect_vreg.gather [hbm4b:s8+s1], $0x80, v3, vm0, $0xb8;
	[tilespmem:$0x1C100] =	vst v63  }
0x6b: {  	s13 =	simm.s32 $0xF900  }
0x6c: {  	[tilespmem:s13], [sflag:$0x1] =	stream.indirect_vreg.gather [hbm4b:s9+s1], $0x80, v3, vm0, $0xb8;
	[tilespmem:$0x1C100] =	vst v63  }
0x6d: {  	v3 =	vld [tilespmem:$0x80];
	_ =	sdelay $0x4  }
0x6e: {  	v4 =	vshrl.u32 v3, $0x3  }
0x6f: {  	v4 =	vmul.u32 $0x30, v4  }
0x70: {  	v3 =	vand.u32 $0x7, v3  }
0x71: {  	v3 =	vor.u32 v3, v4  }
0x72: {  	v4 =	vperm.xlane v3, v0;
	_ =	sdelay $0x1  }
0x73: {  	v4 =	vadd.s32 v1, v4;
	_ =	sdelay $0x3  }
0x74: {  	s2 =	simm.s32 $0x10100;
	v3 =	vperm.xlane v3, v2  }
0x75: {  	[tilespmem:s2], [sflag:$0x2] =	stream.indirect_vreg.gather [hbm4b:s3+s1], $0x80, v4, vm0, $0xb8;
	[tilespmem:$0x1C100] =	vst v63  }
0x76: {  	s13 =	simm.s32 $0x10900;
	v3 =	vadd.s32 v1, v3  }
0x77: {  	[tilespmem:s13], [sflag:$0x2] =	stream.indirect_vreg.gather [hbm4b:s8+s1], $0x80, v4, vm0, $0xb8;
	[tilespmem:$0x1C100] =	vst v63  }
0x78: {  	s2 =	simm.s32 $0x11100  }
0x79: {  	[tilespmem:s2], [sflag:$0x2] =	stream.indirect_vreg.gather [hbm4b:s9+s1], $0x80, v4, vm0, $0xb8;
	[tilespmem:$0x1C100] =	vst v63  }
0x7a: {  	s13 =	simm.s32 $0x11900  }
0x7b: {  	[tilespmem:s13], [sflag:$0x2] =	stream.indirect_vreg.gather [hbm4b:s3+s1], $0x80, v3, vm0, $0xb8;
	[tilespmem:$0x1C100] =	vst v63  }
0x7c: {  	s2 =	simm.s32 $0x12100  }
0x7d: {  	[tilespmem:s2], [sflag:$0x2] =	stream.indirect_vreg.gather [hbm4b:s8+s1], $0x80, v3, vm0, $0xb8;
	[tilespmem:$0x1C100] =	vst v63  }
0x7e: {  	s13 =	simm.s32 $0x12900  }
0x7f: {  	[tilespmem:s13], [sflag:$0x2] =	stream.indirect_vreg.gather [hbm4b:s9+s1], $0x80, v3, vm0, $0xb8;
	[tilespmem:$0x1C100] =	vst v63  }
0x80: {  	v3 =	vld [tilespmem:$0x90];
	_ =	sdelay $0x4  }
0x81: {  	v4 =	vshrl.u32 v3, $0x3  }
0x82: {  	v4 =	vmul.u32 $0x30, v4  }
0x83: {  	v3 =	vand.u32 $0x7, v3  }
0x84: {  	v3 =	vor.u32 v3, v4  }
0x85: {  	v4 =	vperm.xlane v3, v0;
	_ =	sdelay $0x1  }
0x86: {  	v4 =	vadd.s32 v1, v4;
	_ =	sdelay $0x3  }
0x87: {  	s2 =	simm.s32 $0x13100;
	v3 =	vperm.xlane v3, v2  }
0x88: {  	[tilespmem:s2], [sflag:$0x2] =	stream.indirect_vreg.gather [hbm4b:s3+s1], $0x80, v4, vm0, $0xb8;
	[tilespmem:$0x1C100] =	vst v63  }
0x89: {  	s13 =	simm.s32 $0x13900;
	v3 =	vadd.s32 v1, v3  }
0x8a: {  	[tilespmem:s13], [sflag:$0x2] =	stream.indirect_vreg.gather [hbm4b:s8+s1], $0x80, v4, vm0, $0xb8;
	[tilespmem:$0x1C100] =	vst v63  }
0x8b: {  	s2 =	simm.s32 $0x14100  }
0x8c: {  	[tilespmem:s2], [sflag:$0x2] =	stream.indirect_vreg.gather [hbm4b:s9+s1], $0x80, v4, vm0, $0xb8;
	[tilespmem:$0x1C100] =	vst v63  }
0x8d: {  	s13 =	simm.s32 $0x14900  }
0x8e: {  	[tilespmem:s13], [sflag:$0x2] =	stream.indirect_vreg.gather [hbm4b:s3+s1], $0x80, v3, vm0, $0xb8;
	[tilespmem:$0x1C100] =	vst v63  }
0x8f: {  	s2 =	simm.s32 $0x15100  }
0x90: {  	[tilespmem:s2], [sflag:$0x2] =	stream.indirect_vreg.gather [hbm4b:s8+s1], $0x80, v3, vm0, $0xb8;
	[tilespmem:$0x1C100] =	vst v63  }
0x91: {  	s13 =	simm.s32 $0x15900  }
0x92: {  	[tilespmem:s13], [sflag:$0x2] =	stream.indirect_vreg.gather [hbm4b:s9+s1], $0x80, v3, vm0, $0xb8;
	[tilespmem:$0x1C100] =	vst v63  }
0x93: {  	v3 =	vld [tilespmem:$0xA0];
	_ =	sdelay $0x4  }
0x94: {  	v4 =	vshrl.u32 v3, $0x3  }
0x95: {  	v4 =	vmul.u32 $0x30, v4  }
0x96: {  	v3 =	vand.u32 $0x7, v3  }
0x97: {  	v3 =	vor.u32 v3, v4  }
0x98: {  	v4 =	vperm.xlane v3, v0;
	_ =	sdelay $0x1  }
0x99: {  	v4 =	vadd.s32 v1, v4;
	_ =	sdelay $0x3  }
0x9a: {  	s2 =	simm.s32 $0x16100;
	v3 =	vperm.xlane v3, v2  }
0x9b: {  	[tilespmem:s2], [sflag:$0x2] =	stream.indirect_vreg.gather [hbm4b:s3+s1], $0x80, v4, vm0, $0xb8;
	[tilespmem:$0x1C100] =	vst v63  }
0x9c: {  	s13 =	simm.s32 $0x16900;
	v3 =	vadd.s32 v1, v3  }
0x9d: {  	[tilespmem:s13], [sflag:$0x2] =	stream.indirect_vreg.gather [hbm4b:s8+s1], $0x80, v4, vm0, $0xb8;
	[tilespmem:$0x1C100] =	vst v63  }
0x9e: {  	s2 =	simm.s32 $0x17100  }
0x9f: {  	[tilespmem:s2], [sflag:$0x2] =	stream.indirect_vreg.gather [hbm4b:s9+s1], $0x80, v4, vm0, $0xb8;
	[tilespmem:$0x1C100] =	vst v63  }
0xa0: {  	_ = 	snop  }
0xa1: {  	[tilespmem:s15], [sflag:$0x2] =	stream.indirect_vreg.gather [hbm4b:s3+s1], $0x80, v3, vm0, $0xb8;
	[tilespmem:$0x1C100] =	vst v63  }
0xa2: {  	_ = 	snop  }
0xa3: {  	[tilespmem:s16], [sflag:$0x2] =	stream.indirect_vreg.gather [hbm4b:s8+s1], $0x80, v3, vm0, $0xb8;
	[tilespmem:$0x1C100] =	vst v63  }
0xa4: {  	_ = 	snop  }
0xa5: {  	[tilespmem:s17], [sflag:$0x2] =	stream.indirect_vreg.gather [hbm4b:s9+s1], $0x80, v3, vm0, $0xb8;
	[tilespmem:$0x1C100] =	vst v63  }
0xa6: {  	v3 =	vld [tilespmem:$0xB0];
	_ =	sdelay $0x4  }
0xa7: {  	v4 =	vshrl.u32 v3, $0x3  }
0xa8: {  	v4 =	vmul.u32 $0x30, v4  }
0xa9: {  	v3 =	vand.u32 $0x7, v3  }
0xaa: {  	v3 =	vor.u32 v3, v4  }
0xab: {  	v4 =	vperm.xlane v3, v0;
	_ =	sdelay $0x1  }
0xac: {  	v4 =	vadd.s32 v1, v4;
	_ =	sdelay $0x3  }
0xad: {  	v3 =	vperm.xlane v3, v2  }
0xae: {  	[tilespmem:s18], [sflag:$0x2] =	stream.indirect_vreg.gather [hbm4b:s3+s1], $0x80, v4, vm0, $0xb8;
	[tilespmem:$0x1C100] =	vst v63  }
0xaf: {  	v3 =	vadd.s32 v1, v3  }
0xb0: {  	[tilespmem:s19], [sflag:$0x2] =	stream.indirect_vreg.gather [hbm4b:s8+s1], $0x80, v4, vm0, $0xb8;
	[tilespmem:$0x1C100] =	vst v63  }
0xb1: {  	_ = 	snop  }
0xb2: {  	[tilespmem:s20], [sflag:$0x2] =	stream.indirect_vreg.gather [hbm4b:s9+s1], $0x80, v4, vm0, $0xb8;
	[tilespmem:$0x1C100] =	vst v63  }
0xb3: {  	_ = 	snop  }
0xb4: {  	[tilespmem:s21], [sflag:$0x2] =	stream.indirect_vreg.gather [hbm4b:s3+s1], $0x80, v3, vm0, $0xb8;
	[tilespmem:$0x1C100] =	vst v63  }
0xb5: {  	_ = 	snop  }
0xb6: {  	[tilespmem:s22], [sflag:$0x2] =	stream.indirect_vreg.gather [hbm4b:s8+s1], $0x80, v3, vm0, $0xb8;
	[tilespmem:$0x1C100] =	vst v63  }
0xb7: {  	_ = 	snop  }
0xb8: {  	[tilespmem:s23], [sflag:$0x2] =	stream.indirect_vreg.gather [hbm4b:s9+s1], $0x80, v3, vm0, $0xb8;
	[tilespmem:$0x1C100] =	vst v63  }
0xb9: {  	_ =	swait.ge [sflag:s24], $0xC000  }
0xba: {  	[sflag:s24] =	ssyncset.done $0x0  }
0xbb: {  	s13 =	simm.s32 $0x0;
	[sflag:s24] =	ssyncadd.s32 $0xFFFF4000  }
0xbc: {  	s0 =	smul.u32 $0x1800, s13;
	_ =	swait.ge [sflag:s25], $0xC000  }
0xbd: {  	s30 =	sand.u32 $0x380, s1;
	[sflag:s25] =	ssyncset.done $0x0  }
0xbe: {  	s0 =	sor.u32 s30, s0;
	[sflag:s25] =	ssyncadd.s32 $0xFFFF4000  }
0xbf: {  	v4 =	vld [tilespmem:s0+$0x4110]  }
0xc0: {  	v3 =	vld [tilespmem:s0+$0x10110]  }
0xc1: {  	v6 =	vld [tilespmem:s0+$0x4120]  }
0xc2: {  	v5 =	vld [tilespmem:s0+$0x10120]  }
0xc3: {  	v10 =	vld [tilespmem:s0+$0x4130]  }
0xc4: {  	v9 =	vld [tilespmem:s0+$0x10130]  }
0xc5: {  	v12 =	vld [tilespmem:s0+$0x4140]  }
0xc6: {  	v11 =	vld [tilespmem:s0+$0x10140]  }
0xc7: {  	v13 =	vld [tilespmem:s0+$0x4160]  }
0xc8: {  	v14 =	vld [tilespmem:s0+$0x4170]  }
0xc9: {  	v15 =	vld [tilespmem:s0+$0x4500]  }
0xca: {  	v16 =	vld [tilespmem:s0+$0x4510]  }
0xcb: {  	v17 =	vld [tilespmem:s0+$0x4520]  }
0xcc: {  	v18 =	vld [tilespmem:s0+$0x4530]  }
0xcd: {  	v19 =	vld [tilespmem:s0+$0x4540]  }
0xce: {  	v20 =	vld [tilespmem:s0+$0x4550]  }
0xcf: {  	v21 =	vld [tilespmem:s0+$0x4560]  }
0xd0: {  	v22 =	vld [tilespmem:s0+$0x4570]  }
0xd1: {  	v23 =	vld [tilespmem:s0+$0x4900]  }
0xd2: {  	v24 =	vld [tilespmem:s0+$0x4910]  }
0xd3: {  	v25 =	vld [tilespmem:s0+$0x4920]  }
0xd4: {  	v26 =	vld [tilespmem:s0+$0x4930]  }
0xd5: {  	v27 =	vld [tilespmem:s0+$0x4940]  }
0xd6: {  	v28 =	vld [tilespmem:s0+$0x4950]  }
0xd7: {  	v29 =	vld [tilespmem:s0+$0x4960]  }
0xd8: {  	v30 =	vld [tilespmem:s0+$0x4970]  }
0xd9: {  	v31 =	vld [tilespmem:s0+$0x4D00]  }
0xda: {  	v32 =	vld [tilespmem:s0+$0x4D10]  }
0xdb: {  	v33 =	vld [tilespmem:s0+$0x4D20]  }
0xdc: {  	v34 =	vld [tilespmem:s0+$0x4D30]  }
0xdd: {  	v35 =	vld [tilespmem:s0+$0x4D40]  }
0xde: {  	v36 =	vld [tilespmem:s0+$0x4D50]  }
0xdf: {  	v37 =	vld [tilespmem:s0+$0x4D60]  }
0xe0: {  	v38 =	vld [tilespmem:s0+$0x4D70]  }
0xe1: {  	v39 =	vld [tilespmem:s0+$0x5100]  }
0xe2: {  	v40 =	vld [tilespmem:s0+$0x5110]  }
0xe3: {  	v41 =	vld [tilespmem:s0+$0x5120]  }
0xe4: {  	v42 =	vld [tilespmem:s0+$0x5130]  }
0xe5: {  	v43 =	vld [tilespmem:s0+$0x5140]  }
0xe6: {  	v44 =	vld [tilespmem:s0+$0x5150]  }
0xe7: {  	v45 =	vld [tilespmem:s0+$0x5160]  }
0xe8: {  	v46 =	vld [tilespmem:s0+$0x5500]  }
0xe9: {  	v47 =	vld [tilespmem:s0+$0x5510]  }
0xea: {  	v48 =	vld [tilespmem:s0+$0x11510]  }
0xeb: {  	v49 =	vld [tilespmem:s0+$0x11530]  }
0xec: {  	v50 =	vld [tilespmem:s0+$0x5530]  }
0xed: {  	v51 =	vld [tilespmem:s0+$0x5520]  }
0xee: {  	v7 =	vld [tilespmem:s28+$0x0]  }
0xef: {  	v8 =	vld [tilespmem:s29+$0x0]  }
0xf0: {  	v52 =	vld [tilespmem:s0+$0x11520]  }
0xf1: {  	v53 =	vld [tilespmem:s0+$0x11500]  }
0xf2: {  	v54 =	vld [tilespmem:s0+$0x5170]  }
0xf3: {  	v55 =	vld [tilespmem:s0+$0x11170];
	v50 =	vmul.f32 v50, v7  }
0xf4: {  	v56 =	vld [tilespmem:s0+$0x11160];
	v49 =	vmul.f32 v49, v8;
	v51 =	vmul.f32 v51, v7  }
0xf5: {  	v57 =	vld [tilespmem:s0+$0x11150];
	v52 =	vmul.f32 v52, v8;
	v47 =	vmul.f32 v47, v7  }
0xf6: {  	v61 =	vld [tilespmem:s0+$0x11100];
	v48 =	vmul.f32 v48, v8;
	v46 =	vmul.f32 v46, v7  }
0xf7: {  	v58 =	vld [tilespmem:s0+$0x11140];
	v62 =	vmul.f32 v53, v8;
	v63 =	vmul.f32 v54, v7;
	v49 =	vadd.f32 v49, v50  }
0xf8: {  	v53 =	vld [tilespmem:s0+$0x11130];
	v59 =	vmul.f32 v55, v8;
	v45 =	vmul.f32 v45, v7;
	v51 =	vadd.f32 v52, v51  }
0xf9: {  	v60 =	vmul.f32 v56, v8;
	v44 =	vmul.f32 v44, v7;
	v56 =	vld [tilespmem:s0+$0x10D60];
	v47 =	vadd.f32 v48, v47;
	[tilespmem:s0+$0x5530] =	vst v49  }
0xfa: {  	v43 =	vmul.f32 v43, v7;
	v39 =	vmul.f32 v39, v7;
	v55 =	vld [tilespmem:s0+$0x10970];
	v46 =	vadd.f32 v62, v46;
	[tilespmem:s0+$0x5520] =	vst v51  }
0xfb: {  	v61 =	vmul.f32 v61, v8;
	v12 =	vmul.f32 v12, v7;
	v48 =	vld [tilespmem:s0+$0x11120];
	v52 =	vadd.f32 v59, v63;
	[tilespmem:s0+$0x5510] =	vst v47  }
0xfc: {  	v11 =	vmul.f32 v11, v8;
	v63 =	vmul.f32 v58, v8;
	v45 =	vadd.f32 v60, v45;
	v58 =	vld [tilespmem:s0+$0x10D50];
	[tilespmem:s0+$0x5500] =	vst v46  }
0xfd: {  	v42 =	vmul.f32 v42, v7;
	v62 =	vmul.f32 v57, v8;
	v59 =	vld [tilespmem:s0+$0x10D40];
	v39 =	vadd.f32 v61, v39;
	[tilespmem:s0+$0x5170] =	vst v52  }
0xfe: {  	v41 =	vmul.f32 v41, v7;
	v40 =	vmul.f32 v40, v7;
	v60 =	vld [tilespmem:s0+$0x10D30];
	v11 =	vadd.f32 v11, v12;
	[tilespmem:s0+$0x5160] =	vst v45  }
0xff: {  	v38 =	vmul.f32 v38, v7;
	v61 =	vld [tilespmem:s0+$0x10910];
	v44 =	vadd.f32 v62, v44;
	[tilespmem:s0+$0x5100] =	vst v39;
	v57 =	vmul.f32 v53, v8  }
0x100: {  	v37 =	vmul.f32 v37, v7;
	v49 =	vld [tilespmem:s0+$0x11110];
	v43 =	vadd.f32 v63, v43;
	[tilespmem:s0+$0x4140] =	vst v11;
	v46 =	vmul.f32 v56, v8  }
0x101: {  	v36 =	vmul.f32 v36, v7;
	v47 =	vld [tilespmem:s0+$0x10D70];
	[tilespmem:s0+$0x5150] =	vst v44;
	v48 =	vmul.f32 v48, v8;
	v42 =	vadd.f32 v57, v42  }
0x102: {  	v35 =	vmul.f32 v35, v7;
	v62 =	vld [tilespmem:s0+$0x10D20];
	[tilespmem:s0+$0x5140] =	vst v43;
	v54 =	vmul.f32 v58, v8;
	v37 =	vadd.f32 v46, v37  }
0x103: {  	v34 =	vmul.f32 v34, v7;
	v63 =	vld [tilespmem:s0+$0x10D10];
	v45 =	vmul.f32 v59, v8;
	v41 =	vadd.f32 v48, v41;
	[tilespmem:s0+$0x5130] =	vst v42  }
0x104: {  	v33 =	vmul.f32 v33, v7;
	v56 =	vld [tilespmem:s0+$0x10960];
	v44 =	vmul.f32 v60, v8;
	v36 =	vadd.f32 v54, v36;
	[tilespmem:s0+$0x4D60] =	vst v37  }
0x105: {  	v32 =	vmul.f32 v32, v7;
	v53 =	vld [tilespmem:s0+$0x10D00];
	v49 =	vmul.f32 v49, v8;
	v35 =	vadd.f32 v45, v35;
	[tilespmem:s0+$0x5120] =	vst v41  }
0x106: {  	v6 =	vmul.f32 v6, v7;
	v12 =	vld [tilespmem:s0+$0x5560];
	v47 =	vmul.f32 v47, v8;
	v34 =	vadd.f32 v44, v34;
	[tilespmem:s0+$0x4D50] =	vst v36  }
0x107: {  	v5 =	vmul.f32 v5, v8;
	v58 =	vld [tilespmem:s0+$0x10940];
	v43 =	vmul.f32 v62, v8;
	v40 =	vadd.f32 v49, v40;
	[tilespmem:s0+$0x4D40] =	vst v35  }
0x108: {  	v29 =	vmul.f32 v29, v7;
	v59 =	vld [tilespmem:s0+$0x10930];
	v42 =	vmul.f32 v63, v8;
	v38 =	vadd.f32 v47, v38;
	[tilespmem:s0+$0x4D30] =	vst v34  }
0x109: {  	v5 =	vadd.f32 v5, v6;
	v6 =	vld [tilespmem:s0+$0x4100];
	v39 =	vmul.f32 v56, v8;
	v33 =	vadd.f32 v43, v33;
	[tilespmem:s0+$0x5110] =	vst v40  }
0x10a: {  	v31 =	vmul.f32 v31, v7;
	v60 =	vld [tilespmem:s0+$0x10920];
	v41 =	vmul.f32 v53, v8;
	v32 =	vadd.f32 v42, v32;
	[tilespmem:s0+$0x4D70] =	vst v38  }
0x10b: {  	v24 =	vmul.f32 v24, v7;
	v57 =	vld [tilespmem:s0+$0x10950];
	v34 =	vmul.f32 v61, v8;
	v29 =	vadd.f32 v39, v29;
	[tilespmem:s0+$0x4D20] =	vst v33  }
0x10c: {  	v27 =	vmul.f32 v27, v7;
	v62 =	vld [tilespmem:s0+$0x10900];
	v37 =	vmul.f32 v58, v8;
	v31 =	vadd.f32 v41, v31;
	[tilespmem:s0+$0x4D10] =	vst v32  }
0x10d: {  	v26 =	vmul.f32 v26, v7;
	v63 =	vld [tilespmem:s0+$0x10570];
	v36 =	vmul.f32 v59, v8;
	v24 =	vadd.f32 v34, v24;
	[tilespmem:s0+$0x4960] =	vst v29  }
0x10e: {  	v30 =	vmul.f32 v30, v7;
	v40 =	vmul.f32 v55, v8;
	v27 =	vadd.f32 v37, v27;
	v29 =	vld [tilespmem:s0+$0x10540];
	[tilespmem:s0+$0x4D00] =	vst v31  }
0x10f: {  	v25 =	vmul.f32 v25, v7;
	v35 =	vmul.f32 v60, v8;
	v26 =	vadd.f32 v36, v26;
	v31 =	vld [tilespmem:s0+$0x10560];
	[tilespmem:s0+$0x4910] =	vst v24  }
0x110: {  	v28 =	vmul.f32 v28, v7;
	v38 =	vmul.f32 v57, v8;
	v30 =	vadd.f32 v40, v30;
	v24 =	vld [tilespmem:s0+$0x10170];
	[tilespmem:s0+$0x4940] =	vst v27  }
0x111: {  	v23 =	vmul.f32 v23, v7;
	v33 =	vmul.f32 v62, v8;
	v25 =	vadd.f32 v35, v25;
	v27 =	vld [tilespmem:s0+$0x10520];
	[tilespmem:s0+$0x4930] =	vst v26  }
0x112: {  	v22 =	vmul.f32 v22, v7;
	v32 =	vmul.f32 v63, v8;
	v28 =	vadd.f32 v38, v28;
	[tilespmem:s0+$0x4970] =	vst v30;
	v30 =	vld [tilespmem:s0+$0x10550]  }
0x113: {  	v19 =	vmul.f32 v19, v7;
	v23 =	vadd.f32 v33, v23;
	[tilespmem:s0+$0x4920] =	vst v25;
	v25 =	vld [tilespmem:s0+$0x10500];
	v29 =	vmul.f32 v29, v8  }
0x114: {  	v21 =	vmul.f32 v21, v7;
	v22 =	vadd.f32 v32, v22;
	[tilespmem:s0+$0x4950] =	vst v28;
	v28 =	vld [tilespmem:s0+$0x10530];
	v31 =	vmul.f32 v31, v8  }
0x115: {  	v14 =	vmul.f32 v14, v7;
	[tilespmem:s0+$0x4900] =	vst v23;
	v23 =	vld [tilespmem:s0+$0x10160];
	v24 =	vmul.f32 v24, v8;
	v19 =	vadd.f32 v29, v19  }
0x116: {  	v17 =	vmul.f32 v17, v7;
	v26 =	vld [tilespmem:s0+$0x10510];
	[tilespmem:s0+$0x4570] =	vst v22;
	v27 =	vmul.f32 v27, v8;
	v21 =	vadd.f32 v31, v21  }
0x117: {  	v20 =	vmul.f32 v20, v7;
	v22 =	vld [tilespmem:s0+$0x4150];
	v30 =	vmul.f32 v30, v8;
	v14 =	vadd.f32 v24, v14;
	[tilespmem:s0+$0x4540] =	vst v19  }
0x118: {  	v15 =	vmul.f32 v15, v7;
	v25 =	vmul.f32 v25, v8;
	v17 =	vadd.f32 v27, v17;
	v19 =	vld [tilespmem:s0+$0x11550];
	[tilespmem:s0+$0x4560] =	vst v21  }
0x119: {  	v18 =	vmul.f32 v18, v7;
	v28 =	vmul.f32 v28, v8;
	v20 =	vadd.f32 v30, v20;
	v21 =	vld [tilespmem:s0+$0x10150];
	[tilespmem:s0+$0x4170] =	vst v14  }
0x11a: {  	v13 =	vmul.f32 v13, v7;
	v23 =	vmul.f32 v23, v8;
	v15 =	vadd.f32 v25, v15;
	[tilespmem:s0+$0x4520] =	vst v17;
	v17 =	vld [tilespmem:s0+$0x5540]  }
0x11b: {  	v16 =	vmul.f32 v16, v7;
	v26 =	vmul.f32 v26, v8;
	v18 =	vadd.f32 v28, v18;
	[tilespmem:s0+$0x4550] =	vst v20;
	v20 =	vld [tilespmem:s0+$0x11540]  }
0x11c: {  	v10 =	vmul.f32 v10, v7;
	v9 =	vmul.f32 v9, v8;
	v13 =	vadd.f32 v23, v13;
	[tilespmem:s0+$0x4500] =	vst v15;
	v15 =	vld [tilespmem:s0+$0x5550]  }
0x11d: {  	v4 =	vmul.f32 v4, v7;
	v3 =	vmul.f32 v3, v8;
	v16 =	vadd.f32 v26, v16;
	[tilespmem:s0+$0x4530] =	vst v18;
	v18 =	vld [tilespmem:s0+$0x11560]  }
0x11e: {  	v9 =	vadd.f32 v9, v10;
	v10 =	vmul.f32 v22, v7;
	v14 =	vld [tilespmem:s0+$0x5570];
	[tilespmem:s0+$0x4160] =	vst v13;
	v13 =	vmul.f32 v21, v8  }
0x11f: {  	v3 =	vadd.f32 v3, v4;
	[tilespmem:s0+$0x4510] =	vst v16;
	v16 =	vld [tilespmem:s0+$0x11570]  }
0x120: {  	s30 =	simm.s32 $0x0;
	[tilespmem:s0+$0x4130] =	vst v9;
	v9 =	vld [tilespmem:s0+$0x10100];
	v11 =	vmul.f32 v17, v7;
	v17 =	vmul.f32 v20, v8;
	v4 =	vadd.f32 v13, v10  }
0x121: {  	s31 =	simm.s32 $0x80;
	s30 =	smul.u32 $0x1800, s30;
	[tilespmem:s0+$0x4120] =	vst v5;
	v5 =	vmul.f32 v15, v7;
	v10 =	vmul.f32 v19, v8  }
0x122: {  	s2 =	sand.u32 $0x380, s31;
	v11 =	vadd.f32 v17, v11;
	[tilespmem:s0+$0x4150] =	vst v4;
	v4 =	vmul.f32 v12, v7;
	v12 =	vmul.f32 v18, v8  }
0x123: {  	s30 =	sor.u32 s2, s30;
	[tilespmem:s0+$0x4110] =	vst v3;
	v5 =	vadd.f32 v10, v5  }
0x124: {  	v3 =	vld [tilespmem:s30+$0x4110];
	v10 =	vmul.f32 v14, v7;
	[tilespmem:s0+$0x5540] =	vst v11;
	v11 =	vmul.f32 v16, v8;
	v12 =	vadd.f32 v12, v4  }
0x125: {  	v7 =	vmul.f32 v6, v7;
	v8 =	vmul.f32 v9, v8;
	v4 =	vld [tilespmem:s30+$0x10110];
	[tilespmem:s0+$0x5550] =	vst v5  }
0x126: {  	v9 =	vadd.f32 v11, v10;
	v6 =	vld [tilespmem:s30+$0x4120];
	[tilespmem:s0+$0x5560] =	vst v12  }
0x127: {  	v7 =	vadd.f32 v8, v7;
	v5 =	vld [tilespmem:s30+$0x10120]  }
0x128: {  	v8 =	vld [tilespmem:s30+$0x4130];
	[tilespmem:s0+$0x5570] =	vst v9  }
0x129: {  	v18 =	vld [tilespmem:s30+$0x4530];
	[tilespmem:s0+$0x4100] =	vst v7  }
0x12a: {  	v7 =	vld [tilespmem:s30+$0x10130]  }
0x12b: {  	v10 =	vld [tilespmem:s30+$0x4140]  }
0x12c: {  	v9 =	vld [tilespmem:s30+$0x10140]  }
0x12d: {  	v12 =	vld [tilespmem:s30+$0x4150]  }
0x12e: {  	v11 =	vld [tilespmem:s30+$0x10150]  }
0x12f: {  	v13 =	vld [tilespmem:s30+$0x4160]  }
0x130: {  	v14 =	vld [tilespmem:s30+$0x4170]  }
0x131: {  	v15 =	vld [tilespmem:s30+$0x4500]  }
0x132: {  	v16 =	vld [tilespmem:s30+$0x4510]  }
0x133: {  	v17 =	vld [tilespmem:s30+$0x4520]  }
0x134: {  	v19 =	vld [tilespmem:s30+$0x4540]  }
0x135: {  	v20 =	vld [tilespmem:s30+$0x4550]  }
0x136: {  	v21 =	vld [tilespmem:s30+$0x4560]  }
0x137: {  	v22 =	vld [tilespmem:s30+$0x4570]  }
0x138: {  	v23 =	vld [tilespmem:s30+$0x4900]  }
0x139: {  	v24 =	vld [tilespmem:s30+$0x4910]  }
0x13a: {  	v25 =	vld [tilespmem:s30+$0x4920]  }
0x13b: {  	v26 =	vld [tilespmem:s30+$0x4930]  }
0x13c: {  	v27 =	vld [tilespmem:s30+$0x4940]  }
0x13d: {  	v28 =	vld [tilespmem:s30+$0x4950]  }
0x13e: {  	v29 =	vld [tilespmem:s30+$0x4960]  }
0x13f: {  	v30 =	vld [tilespmem:s30+$0x4970]  }
0x140: {  	v31 =	vld [tilespmem:s30+$0x4D00]  }
0x141: {  	v34 =	vld [tilespmem:s30+$0x4D10]  }
0x142: {  	v35 =	vld [tilespmem:s30+$0x4D20]  }
0x143: {  	v36 =	vld [tilespmem:s30+$0x4D30]  }
0x144: {  	v37 =	vld [tilespmem:s30+$0x4D40]  }
0x145: {  	v38 =	vld [tilespmem:s30+$0x4D50]  }
0x146: {  	v39 =	vld [tilespmem:s30+$0x4D60]  }
0x147: {  	v40 =	vld [tilespmem:s30+$0x4D70]  }
0x148: {  	v41 =	vld [tilespmem:s30+$0x5100]  }
0x149: {  	v42 =	vld [tilespmem:s30+$0x5110]  }
0x14a: {  	v43 =	vld [tilespmem:s30+$0x5120]  }
0x14b: {  	v44 =	vld [tilespmem:s30+$0x5130]  }
0x14c: {  	v45 =	vld [tilespmem:s30+$0x5140]  }
0x14d: {  	v46 =	vld [tilespmem:s30+$0x5150]  }
0x14e: {  	v47 =	vld [tilespmem:s30+$0x5160]  }
0x14f: {  	v48 =	vld [tilespmem:s30+$0x5500]  }
0x150: {  	v50 =	vld [tilespmem:s30+$0x5510]  }
0x151: {  	v49 =	vld [tilespmem:s30+$0x11510]  }
0x152: {  	s0 =	simm.s32 $0x2;
	v51 =	vld [tilespmem:s30+$0x11530]  }
.LBB2_2:
0x153: {  	p0 =	sne.s32 s0, $0x3F;
	v52 =	vld [tilespmem:s30+$0x5530]  }
0x154: {  	s28 =	sadd.s32 $0x80, s28;
	v53 =	vld [tilespmem:s30+$0x5520]  }
0x155: {  	s29 =	sadd.s32 $0x80, s29;
	v33 =	vld [tilespmem:s28+$0x0]  }
0x156: {  	v32 =	vld [tilespmem:s29+$0x0]  }
0x157: {  	v54 =	vld [tilespmem:s30+$0x11520]  }
0x158: {  	v55 =	vld [tilespmem:s30+$0x11500]  }
0x159: {  	v56 =	vld [tilespmem:s30+$0x5170]  }
0x15a: {  	v57 =	vld [tilespmem:s30+$0x11170];
	v50 =	vmul.f32 v50, v33;
	v53 =	vmul.f32 v53, v33  }
0x15b: {  	v52 =	vmul.f32 v52, v33;
	v58 =	vld [tilespmem:s30+$0x11160];
	v51 =	vmul.f32 v51, v32  }
0x15c: {  	v49 =	vmul.f32 v49, v32;
	v59 =	vld [tilespmem:s30+$0x11150];
	v54 =	vmul.f32 v54, v32  }
0x15d: {  	v48 =	vmul.f32 v48, v33;
	v60 =	vld [tilespmem:s30+$0x11140];
	v55 =	vmul.f32 v55, v32;
	v51 =	vadd.f32 v51, v52  }
0x15e: {  	v49 =	vadd.f32 v49, v50;
	v52 =	vld [tilespmem:s30+$0x11130];
	v56 =	vmul.f32 v56, v33;
	v50 =	vadd.f32 v54, v53  }
0x15f: {  	v47 =	vmul.f32 v47, v33;
	v53 =	vld [tilespmem:s30+$0x11120];
	v54 =	vmul.f32 v57, v32;
	v48 =	vadd.f32 v55, v48;
	[tilespmem:s30+$0x5530] =	vst v51  }
0x160: {  	v46 =	vmul.f32 v46, v33;
	v51 =	vld [tilespmem:s30+$0x11110];
	v55 =	vmul.f32 v58, v32;
	[tilespmem:s30+$0x5520] =	vst v50  }
0x161: {  	v45 =	vmul.f32 v45, v33;
	v50 =	vld [tilespmem:s30+$0x11100];
	v57 =	vmul.f32 v59, v32;
	v54 =	vadd.f32 v54, v56;
	[tilespmem:s30+$0x5510] =	vst v49  }
0x162: {  	v44 =	vmul.f32 v44, v33;
	v49 =	vld [tilespmem:s30+$0x10D70];
	v56 =	vmul.f32 v60, v32;
	v47 =	vadd.f32 v55, v47;
	[tilespmem:s30+$0x5500] =	vst v48  }
0x163: {  	v43 =	vmul.f32 v43, v33;
	v48 =	vld [tilespmem:s30+$0x10D60];
	v52 =	vmul.f32 v52, v32;
	v46 =	vadd.f32 v57, v46;
	[tilespmem:s30+$0x5170] =	vst v54  }
0x164: {  	v42 =	vmul.f32 v42, v33;
	v54 =	vld [tilespmem:s30+$0x10D50];
	v53 =	vmul.f32 v53, v32;
	v45 =	vadd.f32 v56, v45;
	[tilespmem:s30+$0x5160] =	vst v47  }
0x165: {  	v41 =	vmul.f32 v41, v33;
	v47 =	vld [tilespmem:s30+$0x10D40];
	v51 =	vmul.f32 v51, v32;
	v44 =	vadd.f32 v52, v44;
	[tilespmem:s30+$0x5150] =	vst v46  }
0x166: {  	v40 =	vmul.f32 v40, v33;
	v46 =	vld [tilespmem:s30+$0x10D30];
	v50 =	vmul.f32 v50, v32;
	v43 =	vadd.f32 v53, v43;
	[tilespmem:s30+$0x5140] =	vst v45  }
0x167: {  	v39 =	vmul.f32 v39, v33;
	v45 =	vld [tilespmem:s30+$0x10D20];
	v49 =	vmul.f32 v49, v32;
	v42 =	vadd.f32 v51, v42;
	[tilespmem:s30+$0x5130] =	vst v44  }
0x168: {  	v38 =	vmul.f32 v38, v33;
	v44 =	vld [tilespmem:s30+$0x10D10];
	v48 =	vmul.f32 v48, v32;
	v41 =	vadd.f32 v50, v41;
	[tilespmem:s30+$0x5120] =	vst v43  }
0x169: {  	v37 =	vmul.f32 v37, v33;
	v43 =	vld [tilespmem:s30+$0x10D00];
	v50 =	vmul.f32 v54, v32;
	v40 =	vadd.f32 v49, v40;
	[tilespmem:s30+$0x5110] =	vst v42  }
0x16a: {  	v36 =	vmul.f32 v36, v33;
	v42 =	vld [tilespmem:s30+$0x10970];
	v47 =	vmul.f32 v47, v32;
	v39 =	vadd.f32 v48, v39;
	[tilespmem:s30+$0x5100] =	vst v41  }
0x16b: {  	v35 =	vmul.f32 v35, v33;
	v41 =	vld [tilespmem:s30+$0x10960];
	v46 =	vmul.f32 v46, v32;
	v38 =	vadd.f32 v50, v38;
	[tilespmem:s30+$0x4D70] =	vst v40  }
0x16c: {  	v34 =	vmul.f32 v34, v33;
	v40 =	vld [tilespmem:s30+$0x10950];
	v45 =	vmul.f32 v45, v32;
	v37 =	vadd.f32 v47, v37;
	[tilespmem:s30+$0x4D60] =	vst v39  }
0x16d: {  	v31 =	vmul.f32 v31, v33;
	v39 =	vld [tilespmem:s30+$0x10940];
	v44 =	vmul.f32 v44, v32;
	v36 =	vadd.f32 v46, v36;
	[tilespmem:s30+$0x4D50] =	vst v38  }
0x16e: {  	v30 =	vmul.f32 v30, v33;
	v38 =	vld [tilespmem:s30+$0x10930];
	v43 =	vmul.f32 v43, v32;
	v35 =	vadd.f32 v45, v35;
	[tilespmem:s30+$0x4D40] =	vst v37  }
0x16f: {  	v29 =	vmul.f32 v29, v33;
	v37 =	vld [tilespmem:s30+$0x10920];
	v42 =	vmul.f32 v42, v32;
	v34 =	vadd.f32 v44, v34;
	[tilespmem:s30+$0x4D30] =	vst v36  }
0x170: {  	v28 =	vmul.f32 v28, v33;
	v36 =	vld [tilespmem:s30+$0x10910];
	v41 =	vmul.f32 v41, v32;
	v31 =	vadd.f32 v43, v31;
	[tilespmem:s30+$0x4D20] =	vst v35  }
0x171: {  	v27 =	vmul.f32 v27, v33;
	v35 =	vld [tilespmem:s30+$0x10900];
	v40 =	vmul.f32 v40, v32;
	v30 =	vadd.f32 v42, v30;
	[tilespmem:s30+$0x4D10] =	vst v34  }
0x172: {  	v26 =	vmul.f32 v26, v33;
	v34 =	vld [tilespmem:s30+$0x10570];
	v39 =	vmul.f32 v39, v32;
	v29 =	vadd.f32 v41, v29;
	[tilespmem:s30+$0x4D00] =	vst v31  }
0x173: {  	v25 =	vmul.f32 v25, v33;
	v31 =	vld [tilespmem:s30+$0x10560];
	v38 =	vmul.f32 v38, v32;
	v28 =	vadd.f32 v40, v28;
	[tilespmem:s30+$0x4970] =	vst v30  }
0x174: {  	v24 =	vmul.f32 v24, v33;
	v30 =	vld [tilespmem:s30+$0x10550];
	v37 =	vmul.f32 v37, v32;
	v27 =	vadd.f32 v39, v27;
	[tilespmem:s30+$0x4960] =	vst v29  }
0x175: {  	v23 =	vmul.f32 v23, v33;
	v29 =	vld [tilespmem:s30+$0x10540];
	v36 =	vmul.f32 v36, v32;
	v26 =	vadd.f32 v38, v26;
	[tilespmem:s30+$0x4950] =	vst v28  }
0x176: {  	v22 =	vmul.f32 v22, v33;
	v28 =	vld [tilespmem:s30+$0x10530];
	v35 =	vmul.f32 v35, v32;
	v25 =	vadd.f32 v37, v25;
	[tilespmem:s30+$0x4940] =	vst v27  }
0x177: {  	v21 =	vmul.f32 v21, v33;
	v27 =	vld [tilespmem:s30+$0x10520];
	v34 =	vmul.f32 v34, v32;
	v24 =	vadd.f32 v36, v24;
	[tilespmem:s30+$0x4930] =	vst v26  }
0x178: {  	v20 =	vmul.f32 v20, v33;
	v26 =	vld [tilespmem:s30+$0x10510];
	v31 =	vmul.f32 v31, v32;
	v23 =	vadd.f32 v35, v23;
	[tilespmem:s30+$0x4920] =	vst v25  }
0x179: {  	v19 =	vmul.f32 v19, v33;
	v25 =	vld [tilespmem:s30+$0x10500];
	v30 =	vmul.f32 v30, v32;
	v22 =	vadd.f32 v34, v22;
	[tilespmem:s30+$0x4910] =	vst v24  }
0x17a: {  	v18 =	vmul.f32 v18, v33;
	v24 =	vld [tilespmem:s30+$0x10170];
	v29 =	vmul.f32 v29, v32;
	v21 =	vadd.f32 v31, v21;
	[tilespmem:s30+$0x4900] =	vst v23  }
0x17b: {  	v17 =	vmul.f32 v17, v33;
	v23 =	vld [tilespmem:s30+$0x10160];
	v28 =	vmul.f32 v28, v32;
	v20 =	vadd.f32 v30, v20;
	[tilespmem:s30+$0x4570] =	vst v22  }
0x17c: {  	v16 =	vmul.f32 v16, v33;
	v22 =	vmul.f32 v27, v32;
	v19 =	vadd.f32 v29, v19;
	[tilespmem:s30+$0x4560] =	vst v21;
	v21 =	vld [tilespmem:s30+$0x11540]  }
0x17d: {  	v15 =	vmul.f32 v15, v33;
	v26 =	vmul.f32 v26, v32;
	v18 =	vadd.f32 v28, v18;
	[tilespmem:s30+$0x4550] =	vst v20;
	v20 =	vld [tilespmem:s30+$0x11550]  }
0x17e: {  	v14 =	vmul.f32 v14, v33;
	v25 =	vmul.f32 v25, v32;
	v17 =	vadd.f32 v22, v17;
	[tilespmem:s30+$0x4540] =	vst v19;
	v19 =	vld [tilespmem:s30+$0x11560]  }
0x17f: {  	v13 =	vmul.f32 v13, v33;
	v22 =	vmul.f32 v24, v32;
	v16 =	vadd.f32 v26, v16;
	[tilespmem:s30+$0x4530] =	vst v18;
	v18 =	vld [tilespmem:s30+$0x11570]  }
0x180: {  	v12 =	vmul.f32 v12, v33;
	v23 =	vmul.f32 v23, v32;
	v15 =	vadd.f32 v25, v15;
	[tilespmem:s30+$0x4520] =	vst v17;
	v17 =	vld [tilespmem:s30+$0x5540]  }
0x181: {  	v10 =	vmul.f32 v10, v33;
	v11 =	vmul.f32 v11, v32;
	v14 =	vadd.f32 v22, v14;
	[tilespmem:s30+$0x4510] =	vst v16;
	v16 =	vld [tilespmem:s30+$0x5550]  }
0x182: {  	v8 =	vmul.f32 v8, v33;
	v9 =	vmul.f32 v9, v32;
	v13 =	vadd.f32 v23, v13;
	[tilespmem:s30+$0x4500] =	vst v15;
	v15 =	vld [tilespmem:s30+$0x5560]  }
0x183: {  	v6 =	vmul.f32 v6, v33;
	v7 =	vmul.f32 v7, v32;
	v11 =	vadd.f32 v11, v12;
	[tilespmem:s30+$0x4170] =	vst v14;
	v12 =	vld [tilespmem:s30+$0x5570]  }
0x184: {  	v3 =	vmul.f32 v3, v33;
	v5 =	vmul.f32 v5, v32;
	v9 =	vadd.f32 v9, v10;
	v14 =	vld [tilespmem:s30+$0x4100];
	[tilespmem:s30+$0x4160] =	vst v13  }
0x185: {  	v4 =	vmul.f32 v4, v32;
	v7 =	vadd.f32 v7, v8;
	v10 =	vld [tilespmem:s30+$0x10100];
	[tilespmem:s30+$0x4150] =	vst v11;
	v8 =	vmul.f32 v17, v33  }
0x186: {  	s2 =	sshrl.u32 s0, $0x3;
	v5 =	vadd.f32 v5, v6;
	v6 =	vmul.f32 v21, v32;
	[tilespmem:s30+$0x4140] =	vst v9;
	v9 =	vmul.f32 v16, v33  }
0x187: {  	s31 =	sadd.s32 $0x80, s31;
	s2 =	smul.u32 $0x1800, s2;
	v3 =	vadd.f32 v4, v3;
	v4 =	vmul.f32 v20, v32;
	[tilespmem:s30+$0x4130] =	vst v7;
	v7 =	vmul.f32 v15, v33  }
0x188: {  	s13 =	sand.u32 $0x380, s31;
	[tilespmem:s30+$0x4120] =	vst v5;
	v5 =	vadd.f32 v6, v8;
	v6 =	vmul.f32 v19, v32;
	v8 =	vmul.f32 v12, v33  }
0x189: {  	s2 =	sor.u32 s13, s2;
	v9 =	vadd.f32 v4, v9;
	v12 =	vmul.f32 v18, v32;
	v11 =	vmul.f32 v14, v33;
	[tilespmem:s30+$0x4110] =	vst v3  }
0x18a: {  	v3 =	vld [tilespmem:s2+$0x4110];
	v10 =	vmul.f32 v10, v32;
	[tilespmem:s30+$0x5540] =	vst v5;
	v5 =	vadd.f32 v6, v7  }
0x18b: {  	v7 =	vadd.f32 v12, v8;
	v4 =	vld [tilespmem:s2+$0x10110];
	[tilespmem:s30+$0x5550] =	vst v9  }
0x18c: {  	v6 =	vld [tilespmem:s2+$0x4120];
	v9 =	vadd.f32 v10, v11;
	[tilespmem:s30+$0x5560] =	vst v5  }
0x18d: {  	v5 =	vld [tilespmem:s2+$0x10120];
	[tilespmem:s30+$0x5570] =	vst v7  }
0x18e: {  	v8 =	vld [tilespmem:s2+$0x4130];
	[tilespmem:s30+$0x4100] =	vst v9;
	s30 =	smov.u32 s2  }
0x18f: {  	v7 =	vld [tilespmem:s30+$0x10130]  }
0x190: {  	v10 =	vld [tilespmem:s30+$0x4140]  }
0x191: {  	v9 =	vld [tilespmem:s30+$0x10140]  }
0x192: {  	v12 =	vld [tilespmem:s30+$0x4150]  }
0x193: {  	v11 =	vld [tilespmem:s30+$0x10150]  }
0x194: {  	v13 =	vld [tilespmem:s30+$0x4160]  }
0x195: {  	v14 =	vld [tilespmem:s30+$0x4170]  }
0x196: {  	v15 =	vld [tilespmem:s30+$0x4500]  }
0x197: {  	v16 =	vld [tilespmem:s30+$0x4510]  }
0x198: {  	v17 =	vld [tilespmem:s30+$0x4520]  }
0x199: {  	v18 =	vld [tilespmem:s30+$0x4530]  }
0x19a: {  	v19 =	vld [tilespmem:s30+$0x4540]  }
0x19b: {  	v20 =	vld [tilespmem:s30+$0x4550]  }
0x19c: {  	v21 =	vld [tilespmem:s30+$0x4560]  }
0x19d: {  	v22 =	vld [tilespmem:s30+$0x4570]  }
0x19e: {  	v23 =	vld [tilespmem:s30+$0x4900]  }
0x19f: {  	v24 =	vld [tilespmem:s30+$0x4910]  }
0x1a0: {  	v25 =	vld [tilespmem:s30+$0x4920]  }
0x1a1: {  	v26 =	vld [tilespmem:s30+$0x4930]  }
0x1a2: {  	v27 =	vld [tilespmem:s30+$0x4940]  }
0x1a3: {  	v28 =	vld [tilespmem:s30+$0x4950]  }
0x1a4: {  	v29 =	vld [tilespmem:s30+$0x4960]  }
0x1a5: {  	v30 =	vld [tilespmem:s30+$0x4970]  }
0x1a6: {  	v31 =	vld [tilespmem:s30+$0x4D00]  }
0x1a7: {  	v34 =	vld [tilespmem:s30+$0x4D10]  }
0x1a8: {  	v35 =	vld [tilespmem:s30+$0x4D20]  }
0x1a9: {  	v36 =	vld [tilespmem:s30+$0x4D30]  }
0x1aa: {  	v37 =	vld [tilespmem:s30+$0x4D40]  }
0x1ab: {  	v38 =	vld [tilespmem:s30+$0x4D50]  }
0x1ac: {  	v39 =	vld [tilespmem:s30+$0x4D60]  }
0x1ad: {  	v40 =	vld [tilespmem:s30+$0x4D70]  }
0x1ae: {  	v41 =	vld [tilespmem:s30+$0x5100]  }
0x1af: {  	v42 =	vld [tilespmem:s30+$0x5110]  }
0x1b0: {  	v43 =	vld [tilespmem:s30+$0x5120]  }
0x1b1: {  	v44 =	vld [tilespmem:s30+$0x5130]  }
0x1b2: {  	v45 =	vld [tilespmem:s30+$0x5140]  }
0x1b3: {  	v46 =	vld [tilespmem:s30+$0x5150]  }
.Ltmp0:
0x1b4: {  	v47 =	vld [tilespmem:s30+$0x5160];
	(pc) =	sbr.rel @p0 .LBB2_2-.Ltmp0, $4  }
0x1b5: {  	v48 =	vld [tilespmem:s30+$0x5500]  }
0x1b6: {  	v50 =	vld [tilespmem:s30+$0x5510]  }
0x1b7: {  	v49 =	vld [tilespmem:s30+$0x11510]  }
0x1b8: {  	s0 =	sadd.s32 $0x1, s0;
	v51 =	vld [tilespmem:s30+$0x11530]  }
0x1b9: {  	v52 =	vld [tilespmem:s30+$0x5530]  }
0x1ba: {  	v53 =	vld [tilespmem:s30+$0x5520];
	s0 =	sadd.s32 $0x80, s28  }
0x1bb: {  	s31 =	sadd.s32 $0x80, s29;
	v32 =	vld [tilespmem:s0+$0x0]  }
0x1bc: {  	v33 =	vld [tilespmem:s31+$0x0]  }
0x1bd: {  	v54 =	vld [tilespmem:s30+$0x11520];
	_ =	sdelay $0x1  }
0x1be: {  	v55 =	vld [tilespmem:s30+$0x11500]  }
0x1bf: {  	v56 =	vld [tilespmem:s30+$0x5170]  }
0x1c0: {  	v58 =	vld [tilespmem:s30+$0x11160];
	v52 =	vmul.f32 v52, v32;
	v51 =	vmul.f32 v51, v33  }
0x1c1: {  	v57 =	vld [tilespmem:s30+$0x11170];
	v53 =	vmul.f32 v53, v32;
	v54 =	vmul.f32 v54, v33  }
0x1c2: {  	v59 =	vld [tilespmem:s30+$0x11150];
	v50 =	vmul.f32 v50, v32;
	v49 =	vmul.f32 v49, v33  }
0x1c3: {  	v60 =	vld [tilespmem:s30+$0x11140];
	v48 =	vmul.f32 v48, v32;
	v62 =	vmul.f32 v55, v33;
	v51 =	vadd.f32 v51, v52  }
0x1c4: {  	v61 =	vld [tilespmem:s30+$0x11120];
	v63 =	vmul.f32 v56, v32;
	v47 =	vmul.f32 v47, v32;
	v53 =	vadd.f32 v54, v53  }
0x1c5: {  	v58 =	vmul.f32 v58, v33;
	v55 =	vld [tilespmem:s30+$0x10560];
	v12 =	vmul.f32 v12, v32;
	v49 =	vadd.f32 v49, v50;
	[tilespmem:s30+$0x5530] =	vst v51  }
0x1c6: {  	v56 =	vld [tilespmem:s30+$0x10550];
	v11 =	vmul.f32 v11, v33;
	v10 =	vmul.f32 v10, v32;
	v48 =	vadd.f32 v62, v48;
	[tilespmem:s30+$0x5520] =	vst v53  }
0x1c7: {  	v9 =	vmul.f32 v9, v33;
	v8 =	vmul.f32 v8, v32;
	v52 =	vld [tilespmem:s30+$0x11130];
	v47 =	vadd.f32 v58, v47;
	[tilespmem:s30+$0x5510] =	vst v49  }
0x1c8: {  	v7 =	vmul.f32 v7, v33;
	v6 =	vmul.f32 v6, v32;
	v50 =	vld [tilespmem:s30+$0x11100];
	v11 =	vadd.f32 v11, v12;
	[tilespmem:s30+$0x5500] =	vst v48  }
0x1c9: {  	v5 =	vmul.f32 v5, v33;
	v3 =	vmul.f32 v3, v32;
	v58 =	vld [tilespmem:s30+$0x10D20];
	v9 =	vadd.f32 v9, v10;
	[tilespmem:s30+$0x5160] =	vst v47  }
0x1ca: {  	v4 =	vmul.f32 v4, v33;
	v62 =	vmul.f32 v59, v33;
	v59 =	vld [tilespmem:s30+$0x10D10];
	v7 =	vadd.f32 v7, v8;
	[tilespmem:s30+$0x4150] =	vst v11  }
0x1cb: {  	v57 =	vmul.f32 v57, v33;
	v54 =	vld [tilespmem:s30+$0x10570];
	v5 =	vadd.f32 v5, v6;
	[tilespmem:s30+$0x4140] =	vst v9  }
0x1cc: {  	v46 =	vmul.f32 v46, v32;
	v3 =	vadd.f32 v4, v3;
	v51 =	vld [tilespmem:s30+$0x11110];
	[tilespmem:s30+$0x4130] =	vst v7  }
0x1cd: {  	v45 =	vmul.f32 v45, v32;
	v49 =	vld [tilespmem:s30+$0x10D70];
	v53 =	vadd.f32 v57, v63;
	v63 =	vmul.f32 v60, v33;
	[tilespmem:s30+$0x4120] =	vst v5  }
0x1ce: {  	v43 =	vmul.f32 v43, v32;
	v48 =	vld [tilespmem:s30+$0x10D60];
	v46 =	vadd.f32 v62, v46;
	v57 =	vmul.f32 v61, v33;
	[tilespmem:s30+$0x4110] =	vst v3  }
0x1cf: {  	v44 =	vmul.f32 v44, v32;
	v47 =	vld [tilespmem:s30+$0x10D40];
	[tilespmem:s30+$0x5170] =	vst v53;
	v45 =	vadd.f32 v63, v45;
	v52 =	vmul.f32 v52, v33  }
0x1d0: {  	v41 =	vmul.f32 v41, v32;
	v60 =	vld [tilespmem:s30+$0x10D00];
	[tilespmem:s30+$0x5150] =	vst v46;
	v43 =	vadd.f32 v57, v43;
	v50 =	vmul.f32 v50, v33  }
0x1d1: {  	v35 =	vmul.f32 v35, v32;
	v61 =	vld [tilespmem:s30+$0x10970];
	[tilespmem:s30+$0x5140] =	vst v45;
	v45 =	vmul.f32 v58, v33;
	v44 =	vadd.f32 v52, v44  }
0x1d2: {  	v42 =	vmul.f32 v42, v32;
	v53 =	vld [tilespmem:s30+$0x10D50];
	[tilespmem:s30+$0x5120] =	vst v43;
	v51 =	vmul.f32 v51, v33;
	v41 =	vadd.f32 v50, v41  }
0x1d3: {  	v40 =	vmul.f32 v40, v32;
	v46 =	vld [tilespmem:s30+$0x10D30];
	v49 =	vmul.f32 v49, v33;
	v35 =	vadd.f32 v45, v35;
	[tilespmem:s30+$0x5130] =	vst v44  }
0x1d4: {  	v39 =	vmul.f32 v39, v32;
	v62 =	vld [tilespmem:s30+$0x10960];
	v48 =	vmul.f32 v48, v33;
	v42 =	vadd.f32 v51, v42;
	[tilespmem:s30+$0x5100] =	vst v41  }
0x1d5: {  	v37 =	vmul.f32 v37, v32;
	v57 =	vld [tilespmem:s30+$0x10540];
	v47 =	vmul.f32 v47, v33;
	v40 =	vadd.f32 v49, v40;
	[tilespmem:s30+$0x4D20] =	vst v35  }
0x1d6: {  	v31 =	vmul.f32 v31, v32;
	v58 =	vld [tilespmem:s30+$0x10530];
	v43 =	vmul.f32 v60, v33;
	v39 =	vadd.f32 v48, v39;
	[tilespmem:s30+$0x5110] =	vst v42  }
0x1d7: {  	v38 =	vmul.f32 v38, v32;
	v50 =	vld [tilespmem:s30+$0x10930];
	v63 =	vmul.f32 v53, v33;
	v37 =	vadd.f32 v47, v37;
	[tilespmem:s30+$0x4D70] =	vst v40  }
0x1d8: {  	v36 =	vmul.f32 v36, v32;
	v60 =	vld [tilespmem:s30+$0x10510];
	v46 =	vmul.f32 v46, v33;
	v31 =	vadd.f32 v43, v31;
	[tilespmem:s30+$0x4D60] =	vst v39  }
0x1d9: {  	v34 =	vmul.f32 v34, v32;
	v52 =	vld [tilespmem:s30+$0x10910];
	v44 =	vmul.f32 v59, v33;
	v38 =	vadd.f32 v63, v38;
	[tilespmem:s30+$0x4D40] =	vst v37  }
0x1da: {  	v29 =	vmul.f32 v29, v32;
	v45 =	vld [tilespmem:s30+$0x5540];
	v41 =	vmul.f32 v62, v33;
	v36 =	vadd.f32 v46, v36;
	[tilespmem:s30+$0x4D00] =	vst v31  }
0x1db: {  	v21 =	vmul.f32 v21, v32;
	v48 =	vld [tilespmem:s30+$0x10950];
	v62 =	vmul.f32 v55, v33;
	v34 =	vadd.f32 v44, v34;
	[tilespmem:s30+$0x4D50] =	vst v38  }
0x1dc: {  	v30 =	vmul.f32 v30, v32;
	v49 =	vld [tilespmem:s30+$0x10940];
	v42 =	vmul.f32 v61, v33;
	v29 =	vadd.f32 v41, v29;
	[tilespmem:s30+$0x4D30] =	vst v36  }
0x1dd: {  	v16 =	vmul.f32 v16, v32;
	v51 =	vld [tilespmem:s30+$0x10920];
	v21 =	vadd.f32 v62, v21;
	v41 =	vmul.f32 v60, v33;
	[tilespmem:s30+$0x4D10] =	vst v34  }
0x1de: {  	v26 =	vmul.f32 v26, v32;
	v53 =	vld [tilespmem:s30+$0x10900];
	v30 =	vadd.f32 v42, v30;
	[tilespmem:s30+$0x4960] =	vst v29;
	v38 =	vmul.f32 v50, v33  }
0x1df: {  	v24 =	vmul.f32 v24, v32;
	v59 =	vld [tilespmem:s30+$0x10520];
	v36 =	vmul.f32 v52, v33;
	[tilespmem:s30+$0x4560] =	vst v21;
	v16 =	vadd.f32 v41, v16  }
0x1e0: {  	v22 =	vmul.f32 v22, v32;
	v43 =	vld [tilespmem:s30+$0x11570];
	v34 =	vmul.f32 v54, v33;
	[tilespmem:s30+$0x4970] =	vst v30;
	v26 =	vadd.f32 v38, v26  }
0x1e1: {  	v28 =	vmul.f32 v28, v32;
	v61 =	vld [tilespmem:s30+$0x10500];
	v40 =	vmul.f32 v48, v33;
	v24 =	vadd.f32 v36, v24;
	[tilespmem:s30+$0x4510] =	vst v16  }
0x1e2: {  	v27 =	vmul.f32 v27, v32;
	v63 =	vld [tilespmem:s30+$0x10170];
	v39 =	vmul.f32 v49, v33;
	v22 =	vadd.f32 v34, v22;
	[tilespmem:s30+$0x4930] =	vst v26  }
0x1e3: {  	v25 =	vmul.f32 v25, v32;
	v46 =	vld [tilespmem:s30+$0x5550];
	v37 =	vmul.f32 v51, v33;
	v28 =	vadd.f32 v40, v28;
	[tilespmem:s30+$0x4910] =	vst v24  }
0x1e4: {  	v23 =	vmul.f32 v23, v32;
	v50 =	vld [tilespmem:s30+$0x10100];
	v35 =	vmul.f32 v53, v33;
	v27 =	vadd.f32 v39, v27;
	[tilespmem:s30+$0x4570] =	vst v22  }
0x1e5: {  	v20 =	vmul.f32 v20, v32;
	v48 =	vld [tilespmem:s30+$0x5560];
	v30 =	vmul.f32 v56, v33;
	v25 =	vadd.f32 v37, v25;
	[tilespmem:s30+$0x4950] =	vst v28  }
0x1e6: {  	v19 =	vmul.f32 v19, v32;
	v51 =	vld [tilespmem:s30+$0x4100];
	v23 =	vadd.f32 v35, v23;
	v35 =	vmul.f32 v57, v33;
	[tilespmem:s30+$0x4940] =	vst v27  }
0x1e7: {  	v18 =	vmul.f32 v18, v32;
	v34 =	vld [tilespmem:s30+$0x10160];
	v37 =	vmul.f32 v58, v33;
	v20 =	vadd.f32 v30, v20;
	[tilespmem:s30+$0x4920] =	vst v25  }
0x1e8: {  	v17 =	vmul.f32 v17, v32;
	v36 =	vld [tilespmem:s30+$0x11540];
	v39 =	vmul.f32 v59, v33;
	[tilespmem:s30+$0x4900] =	vst v23;
	v19 =	vadd.f32 v35, v19  }
0x1e9: {  	v15 =	vmul.f32 v15, v32;
	v38 =	vld [tilespmem:s30+$0x11550];
	v42 =	vmul.f32 v61, v33;
	v18 =	vadd.f32 v37, v18;
	[tilespmem:s30+$0x4550] =	vst v20  }
0x1ea: {  	v14 =	vmul.f32 v14, v32;
	v40 =	vld [tilespmem:s30+$0x11560];
	v44 =	vmul.f32 v63, v33;
	v17 =	vadd.f32 v39, v17;
	[tilespmem:s30+$0x4540] =	vst v19  }
0x1eb: {  	v49 =	vld [tilespmem:s30+$0x5570];
	v15 =	vadd.f32 v42, v15;
	v10 =	vmul.f32 v50, v33;
	v61 =	vmul.f32 v51, v32;
	[tilespmem:s30+$0x4530] =	vst v18  }
0x1ec: {  	v13 =	vmul.f32 v13, v32;
	v14 =	vadd.f32 v44, v14;
	[tilespmem:s30+$0x4520] =	vst v17;
	v47 =	vmul.f32 v34, v33  }
0x1ed: {  	v52 =	vmul.f32 v45, v32;
	[tilespmem:s30+$0x4500] =	vst v15;
	v53 =	vmul.f32 v36, v33;
	v63 =	vadd.f32 v10, v61  }
0x1ee: {  	v54 =	vmul.f32 v46, v32;
	[tilespmem:s30+$0x4170] =	vst v14;
	v55 =	vmul.f32 v38, v33;
	v13 =	vadd.f32 v47, v13  }
0x1ef: {  	v56 =	vmul.f32 v48, v32;
	v58 =	vmul.f32 v40, v33;
	v57 =	vadd.f32 v53, v52;
	[tilespmem:s30+$0x4100] =	vst v63  }
0x1f0: {  	v60 =	vmul.f32 v43, v33;
	v59 =	vmul.f32 v49, v32;
	v3 =	vadd.f32 v55, v54;
	[tilespmem:s30+$0x4160] =	vst v13  }
0x1f1: {  	v62 =	vadd.f32 v58, v56;
	[tilespmem:s30+$0x5540] =	vst v57  }
0x1f2: {  	s26 =	sadd.s32 $0x1, s26;
	[tilespmem:s30+$0x5550] =	vst v3;
	v3 =	vadd.f32 v60, v59  }
0x1f3: {  	p0 =	sne.s32 s26, s11;
	[tilespmem:s30+$0x5560] =	vst v62  }
.Ltmp1:
0x1f4: {  	[tilespmem:s30+$0x5570] =	vst v3;
	(pc) =	sbr.rel @p0 .LBB2_1-.Ltmp1, $4  }
0x1f5: {  	[hbm4b:s10+s1] =	stream.linear.scatter [tilespmem:s14], [sflag:$0x3], $0xC000, $0x38;
	[tilespmem:$0x1C100] =	vst v63  }
0x1f6: {  	_ =	swait.ge [sflag:s12], $0xC000  }
0x1f7: {  	[sflag:s12] =	ssyncset.done $0x0  }
0x1f8: {  	[sflag:s12] =	ssyncadd.s32 $0xFFFF4000  }
0x1f9: {  	_ =	sfence.sel $0x180000  }
0x1fa: {  	[bflag:$0x0] =	sbarrier.arrive $0xFFFF  }
0x1fb: {  	_ =	strace $0x9000004A  }
0x1fc: {  	s0 =	stileid.u32;
	[bflag:$0x2] =	sbarrier.arrive $0xFFFF  }
0x1fd: {  	p0 =	sne.s32 s0, $0x0;
	s0 =	rddreg [dreg:$0x2]  }
0x1fe: {  	s0 =	sadd.s32 @!p0 $0x100000, s0  }
0x1ff: {  	[sflag:s0] =	ssyncadd.tile.s32 @!p0 $0x1;
	_ =	shalt  }
.Lfunc_end2:
_tile_overlayer_lowered:
.L_overlay_start_2:
0x200: {  	(tag) =	ssettag $0x2  }
0x201: {  	s0 =	rddreg [dreg:$0x0];
	s2 =	stileid.u32  }
0x202: {  	s1 =	rddreg [dreg:$0x1];
	p0 =	sne.s32 s2, $0x0  }
0x203: {  	s3 =	rddreg [dreg:$0x2];
	[bflag:$0x3] =	sbarrier.arrive $0xFFFF;
	s2 =	simm.s32 @!p0 $0x1C03  }
0x204: {  	[timem:s3], [sflag:s2] =	dma.local @!p0 [hbm:s0], s1  }
0x205: {  	s0 =	simm.s32 @!p0 $0x3  }
0x206: {  	_ =	swait.ge @!p0 [sflag:s0], s1  }
0x207: {  	s1 =	ssub.s32 @!p0 $0x0, s1;
	[sflag:s0] =	ssyncset.done @!p0 $0x0  }
0x208: {  	[sflag:s0] =	ssyncadd.s32 @!p0 s1  }
0x209: {  	[bflag:$0x3] =	sbarrier.arrive $0xFFFF  }
0x20a: {  	_ =	shalt  }

</sc_bundles>
